<compile_context>
chip_gen: v7x
topology: tpu7x:2x2x1
jax: 0.10.2.dev20260603
libtpu: 0.0.44.dev20260713+nightly
codegen_flags: <defaults>
</compile_context>

<pallas_src>
import functools

import jax
import jax.numpy as jnp
from jax import lax
from jax.experimental import pallas as pl
from jax.experimental.pallas import tpu as pltpu
from jax.experimental.pallas import tpu_sc as plsc

_B, _T, _D, _E, _TOP_K = 4, 4096, 4096, 64, 8
_TM = 512
_NC, _NS, _L = 2, 16, 16
_NW = _NC * _NS


def _mm_kernel(x_ref, w_ref, out_ref):
    out_ref[...] = jax.lax.dot_general(
        w_ref[...], x_ref[...],
        dimension_numbers=(((1,), (1,)), ((), ())),
        preferred_element_type=jnp.float32,
    )


def _gate_logits_t(xf, W):
    m = xf.shape[0]
    return pl.pallas_call(
        _mm_kernel,
        grid=(m // _TM,),
        in_specs=[
            pl.BlockSpec((_TM, _D), lambda i: (i, 0)),
            pl.BlockSpec((_E, _D), lambda i: (0, 0)),
        ],
        out_specs=pl.BlockSpec((_E, _TM), lambda i: (0, i)),
        out_shape=jax.ShapeDtypeStruct((_E, m), jnp.float32),
        compiler_params=pltpu.CompilerParams(
            dimension_semantics=("arbitrary",),
        ),
    )(xf, W)


def _make_topk_sc(m):
    cols_per_w = m // _NW
    n_groups = cols_per_w // _L
    mesh = plsc.VectorSubcoreMesh(
        core_axis_name="c", subcore_axis_name="s",
        num_cores=_NC, num_subcores=_NS,
    )

    slab = 128
    n_slabs = cols_per_w // slab
    g_per_slab = slab // _L
    unroll = 4

    @functools.partial(
        pl.kernel,
        out_type=[
            jax.ShapeDtypeStruct((_B, _T, _TOP_K), jnp.int32),
            jax.ShapeDtypeStruct((_B, _T, _TOP_K), jnp.float32),
        ],
        mesh=mesh,
        scratch_types=[
            pltpu.VMEM((_E, cols_per_w), jnp.float32),
            pltpu.VMEM((slab, _TOP_K), jnp.int32),
            pltpu.VMEM((slab, _TOP_K), jnp.float32),
            pltpu.VMEM((slab, _TOP_K), jnp.int32),
            pltpu.VMEM((slab, _TOP_K), jnp.float32),
            pltpu.SemaphoreType.DMA,
            pltpu.SemaphoreType.DMA,
            pltpu.SemaphoreType.DMA,
        ],
        compiler_params=pltpu.CompilerParams(needs_layout_passes=False),
    )
    def topk_kernel(lg_hbm, oi_hbm, ow_hbm, buf,
                    oi_a, ow_a, oi_b, ow_b, sem_a, sem_b, sem_in):
        wid = lax.axis_index("s") * _NC + lax.axis_index("c")
        base = wid * cols_per_w
        b = base // _T
        t0 = base % _T
        half = cols_per_w // 2
        in0 = pltpu.async_copy(
            lg_hbm.at[:, pl.ds(base, half)], buf.at[:, pl.ds(0, half)],
            sem_in)
        in1 = pltpu.async_copy(
            lg_hbm.at[:, pl.ds(base + half, half)],
            buf.at[:, pl.ds(half, half)], sem_in)
        in0.wait()
        iota = lax.broadcasted_iota(jnp.int32, (_L,), 0)

        stages = [(oi_a, ow_a, sem_a), (oi_b, ow_b, sem_b)]
        pending = [None, None]
        for sb in range(n_slabs):
            if sb == n_slabs // 2:
                in1.wait()
            oi_v, ow_v, sem = stages[sb % 2]
            if pending[sb % 2] is not None:
                for h in pending[sb % 2]:
                    h.wait()

            def group(gl, gcarry, sb=sb, oi_v=oi_v, ow_v=ow_v):
                g = sb * g_per_slab + gl
                loc = gl * _L + iota

                def ebody(i, carry):
                    vs, ix = carry
                    for d in range(unroll):
                        e = i * unroll + d
                        ev = jnp.broadcast_to(e, (_L,))
                        xv = buf[e, pl.ds(g * _L, _L)]
                        c = [xv > vs[j] for j in range(_TOP_K)]
                        nv, ni = [], []
                        for j in range(_TOP_K):
                            iv = jnp.where(c[j], xv, vs[j])
                            ii = jnp.where(c[j], ev, ix[j])
                            if j:
                                iv = jnp.where(c[j - 1], vs[j - 1], iv)
                                ii = jnp.where(c[j - 1], ix[j - 1], ii)
                            nv.append(iv)
                            ni.append(ii)
                        vs, ix = tuple(nv), tuple(ni)
                    return vs, ix

                neg = jnp.full((_L,), -jnp.inf, jnp.float32)
                zero = jnp.zeros((_L,), jnp.int32)
                vs, ix = lax.fori_loop(
                    0, _E // unroll, ebody,
                    ((neg,) * _TOP_K, (zero,) * _TOP_K))

                exps = [jnp.exp(vs[j] - vs[0]) for j in range(_TOP_K)]
                s = exps[0]
                for j in range(1, _TOP_K):
                    s = s + exps[j]
                r = 1.0 / s
                for j in range(_TOP_K):
                    col = jnp.full((_L,), j, jnp.int32)
                    plsc.store_scatter(oi_v, [loc, col], ix[j])
                    plsc.store_scatter(ow_v, [loc, col], exps[j] * r)
                return gcarry

            lax.fori_loop(0, g_per_slab, group, 0)
            t = t0 + sb * slab
            pending[sb % 2] = (
                pltpu.async_copy(oi_v, oi_hbm.at[b, pl.ds(t, slab)], sem),
                pltpu.async_copy(ow_v, ow_hbm.at[b, pl.ds(t, slab)], sem),
            )
        for p in pending:
            if p is not None:
                for h in p:
                    h.wait()

    return topk_kernel


def kernel(x, W):
    m = _B * _T
    xf = x.reshape(m, _D)
    logits_t = _gate_logits_t(xf, W)
    idx, wts = _make_topk_sc(m)(logits_t)
    return idx, wts

# --- scband reference (transcript-rebuilt; emitter-appended) ---
"""Pipeline reference for scband-mo-egate-7464653160757 (READ-ONLY COPY).

The authoritative reference and input builder live on the scoring server;
editing this copy changes nothing except your own understanding.
"""

import jax, jax.numpy as jnp
import numpy as np

B, T, D, E, TOP_K = 4, 4096, 4096, 64, 8

def setup_inputs(seed: int = 0) -> dict:
    key = jax.random.key(seed)
    k1, k2 = jax.random.split(key)
    x = jax.random.normal(k1, (B, T, D), dtype=jnp.float32)
    # nn.Linear(d_model, num_experts, bias=False) weight: (E, D)
    W = jax.random.normal(k2, (E, D), dtype=jnp.float32) * (1.0 / np.sqrt(D))
    return {"x": x, "W": W}

def reference(x, W):
    # logits = x @ W.T  -> (B, T, E)
    logits = jnp.einsum('btd,ed->bte', x, W)
    top_k_logits, top_k_indices = jax.lax.top_k(logits, TOP_K)
    top_k_weights = jax.nn.softmax(top_k_logits, axis=-1)
    return (top_k_indices, top_k_weights)

if __name__ == "__main__":
    import jax
    _d = setup_inputs()
    print(jax.jit(kernel)(*tuple(_d.values())))

</pallas_src>

<mosaic_0001>
#map = affine_map<(d0, d1) -> (0, 0)>
#map1 = affine_map<(d0, d1) -> (0, 0, 0)>
module attributes {stable_mosaic.version = 14 : i64} {
  func.func @topk_kernel(%arg0: i32, %arg1: i32, %arg2: memref<64x16384xf32, #tpu.memory_space<hbm>>, %arg3: memref<4x4096x8xi32, #tpu.memory_space<hbm>>, %arg4: memref<4x4096x8xf32, #tpu.memory_space<hbm>>, %arg5: memref<64x512xf32, #tpu.memory_space<vmem>>, %arg6: memref<128x8xi32, #tpu.memory_space<vmem>>, %arg7: memref<128x8xf32, #tpu.memory_space<vmem>>, %arg8: memref<128x8xi32, #tpu.memory_space<vmem>>, %arg9: memref<128x8xf32, #tpu.memory_space<vmem>>, %arg10: memref<!tpu.dma_semaphore, #tpu.memory_space<semaphore_mem>>, %arg11: memref<!tpu.dma_semaphore, #tpu.memory_space<semaphore_mem>>, %arg12: memref<!tpu.dma_semaphore, #tpu.memory_space<semaphore_mem>>) attributes {dimension_semantics = [#tpu.dimension_semantics<core_parallel>, #tpu.dimension_semantics<subcore_parallel>], iteration_bounds = array<i64: 2, 16>, scalar_prefetch = 0 : i64, scratch_operands = 8 : i64, tpu.core_type = #tpu.core_type<sc_vector_subcore>, window_params = [{transform_indices = #map}, {transform_indices = #map1}, {transform_indices = #map1}]} {
    %mul3A = arith.constant 2 : i32
    %mul3A_0 = arith.muli %arg1, %mul3A : i32
    %add3A = arith.addi %mul3A_0, %arg0 : i32
    %mul3A_1 = arith.constant 512 : i32
    %mul3A_2 = arith.muli %add3A, %mul3A_1 : i32
    %jit3A = arith.constant 4096 : i32
    %div3A = arith.divsi %mul3A_2, %jit3A : i32
    %sign3A = arith.constant 0 : i32
    %sign3A_3 = arith.cmpi sgt, %mul3A_2, %sign3A : i32
    %sign3A_4 = arith.extui %sign3A_3 : i1 to i32
    %sign3A_5 = arith.constant 0 : i32
    %sign3A_6 = arith.cmpi slt, %mul3A_2, %sign3A_5 : i32
    %sign3A_7 = arith.extui %sign3A_6 : i1 to i32
    %sign3A_8 = arith.subi %sign3A_4, %sign3A_7 : i32
    %sign3A_9 = arith.constant 0 : i32
    %sign3A_10 = arith.cmpi sgt, %jit3A, %sign3A_9 : i32
    %sign3A_11 = arith.extui %sign3A_10 : i1 to i32
    %sign3A_12 = arith.constant 0 : i32
    %sign3A_13 = arith.cmpi slt, %jit3A, %sign3A_12 : i32
    %sign3A_14 = arith.extui %sign3A_13 : i1 to i32
    %sign3A_15 = arith.subi %sign3A_11, %sign3A_14 : i32
    %ne3A = arith.cmpi ne, %sign3A_8, %sign3A_15 : i32
    %rem3A = arith.remsi %mul3A_2, %jit3A : i32
    %ne3A_16 = arith.constant 0 : i32
    %ne3A_17 = arith.cmpi ne, %rem3A, %ne3A_16 : i32
    %and3A = arith.andi %ne3A, %ne3A_17 : i1
    %sub3A = arith.constant 1 : i32
    %sub3A_18 = arith.subi %div3A, %sub3A : i32
    %select_n3A = arith.select %and3A, %sub3A_18, %div3A : i32
    %jit3A_19 = arith.constant 4096 : i32
    %eq3A = arith.constant 0 : i32
    %eq3A_20 = arith.cmpi eq, %jit3A_19, %eq3A : i32
    %jit3A_21 = arith.constant 1 : i32
    %select_n3A_22 = arith.select %eq3A_20, %jit3A_21, %jit3A_19 : i32
    %rem3A_23 = arith.remsi %mul3A_2, %select_n3A_22 : i32
    %ne3A_24 = arith.constant 0 : i32
    %ne3A_25 = arith.cmpi ne, %rem3A_23, %ne3A_24 : i32
    %lt3A = arith.constant 0 : i32
    %lt3A_26 = arith.cmpi slt, %rem3A_23, %lt3A : i32
    %lt3A_27 = arith.constant 0 : i32
    %lt3A_28 = arith.cmpi slt, %select_n3A_22, %lt3A_27 : i32
    %ne3A_29 = arith.xori %lt3A_26, %lt3A_28 : i1
    %and3A_30 = arith.andi %ne3A_29, %ne3A_25 : i1
    %add3A_31 = arith.addi %rem3A_23, %select_n3A_22 : i32
    %select_n3A_32 = arith.select %and3A_30, %add3A_31, %rem3A_23 : i32
    %dma_start3A = arith.constant 0 : i32
    %dma_start3A_33 = arith.constant 0 : i32
    %dma_start3A_34 = tpu.memref_slice %arg5[%dma_start3A, %dma_start3A_33] : memref<64x512xf32, #tpu.memory_space<vmem>> -> memref<64x256xf32, #tpu.memory_space<vmem>>
    %dma_start3A_35 = arith.constant 0 : i32
    %dma_start3A_36 = tpu.memref_slice %arg2[%dma_start3A_35, %mul3A_2] : memref<64x16384xf32, #tpu.memory_space<hbm>> -> memref<64x256xf32, #tpu.memory_space<hbm>>
    %dma_start3A_37 = arith.constant 0 : i32
    %dma_start3A_38 = arith.constant 0 : i32
    %dma_start3A_39 = tpu.memref_slice %arg5[%dma_start3A_37, %dma_start3A_38] : memref<64x512xf32, #tpu.memory_space<vmem>> -> memref<64x256xf32, #tpu.memory_space<vmem>>
    %dma_start3A_40 = arith.constant 0 : i32
    %dma_start3A_41 = tpu.memref_slice %arg2[%dma_start3A_40, %mul3A_2] : memref<64x16384xf32, #tpu.memory_space<hbm>> -> memref<64x256xf32, #tpu.memory_space<hbm>>
    tpu.enqueue_dma source(%dma_start3A_41 : memref<64x256xf32, #tpu.memory_space<hbm>>) target(%dma_start3A_39 : memref<64x256xf32, #tpu.memory_space<vmem>>) target_semaphore(%arg12 : memref<!tpu.dma_semaphore, #tpu.memory_space<semaphore_mem>>)
    %add3A_42 = arith.constant 256 : i32
    %add3A_43 = arith.addi %mul3A_2, %add3A_42 : i32
    %dma_start3A_44 = arith.constant 0 : i32
    %dma_start3A_45 = arith.constant 256 : i32
    %dma_start3A_46 = tpu.memref_slice %arg5[%dma_start3A_44, %dma_start3A_45] : memref<64x512xf32, #tpu.memory_space<vmem>> -> memref<64x256xf32, #tpu.memory_space<vmem>>
    %dma_start3A_47 = arith.constant 0 : i32
    %dma_start3A_48 = tpu.memref_slice %arg2[%dma_start3A_47, %add3A_43] : memref<64x16384xf32, #tpu.memory_space<hbm>> -> memref<64x256xf32, #tpu.memory_space<hbm>>
    %dma_start3A_49 = arith.constant 0 : i32
    %dma_start3A_50 = arith.constant 256 : i32
    %dma_start3A_51 = tpu.memref_slice %arg5[%dma_start3A_49, %dma_start3A_50] : memref<64x512xf32, #tpu.memory_space<vmem>> -> memref<64x256xf32, #tpu.memory_space<vmem>>
    %dma_start3A_52 = arith.constant 0 : i32
    %dma_start3A_53 = tpu.memref_slice %arg2[%dma_start3A_52, %add3A_43] : memref<64x16384xf32, #tpu.memory_space<hbm>> -> memref<64x256xf32, #tpu.memory_space<hbm>>
    tpu.enqueue_dma source(%dma_start3A_53 : memref<64x256xf32, #tpu.memory_space<hbm>>) target(%dma_start3A_51 : memref<64x256xf32, #tpu.memory_space<vmem>>) target_semaphore(%arg12 : memref<!tpu.dma_semaphore, #tpu.memory_space<semaphore_mem>>)
    %dma_wait3A = arith.constant 0 : i32
    %dma_wait3A_54 = arith.constant 0 : i32
    %dma_wait3A_55 = tpu.memref_slice %arg5[%dma_wait3A, %dma_wait3A_54] : memref<64x512xf32, #tpu.memory_space<vmem>> -> memref<64x256xf32, #tpu.memory_space<vmem>>
    %dma_wait3A_56 = arith.constant 0 : i32
    %dma_wait3A_57 = tpu.memref_slice %arg2[%dma_wait3A_56, %mul3A_2] : memref<64x16384xf32, #tpu.memory_space<hbm>> -> memref<64x256xf32, #tpu.memory_space<hbm>>
    %dma_wait3A_58 = arith.constant 0 : i32
    %dma_wait3A_59 = arith.constant 0 : i32
    %dma_wait3A_60 = tpu.memref_slice %arg5[%dma_wait3A_58, %dma_wait3A_59] : memref<64x512xf32, #tpu.memory_space<vmem>> -> memref<64x256xf32, #tpu.memory_space<vmem>>
    %dma_wait3A_61 = arith.constant 0 : i32
    %dma_wait3A_62 = tpu.memref_slice %arg2[%dma_wait3A_61, %mul3A_2] : memref<64x16384xf32, #tpu.memory_space<hbm>> -> memref<64x256xf32, #tpu.memory_space<hbm>>
    tpu.wait_dma2 semaphore(%arg12 : memref<!tpu.dma_semaphore, #tpu.memory_space<semaphore_mem>>) src(%dma_wait3A_62 : memref<64x256xf32, #tpu.memory_space<hbm>>) dst(%dma_wait3A_60 : memref<64x256xf32, #tpu.memory_space<vmem>>)
    %iota3A = tpu.iota {dimensions = array<i32: 0>} : vector<16xi32>
    %scan3A = arith.constant 0 : i32
    %scan3A_63 = arith.constant 0 : i32
    %scan3A_64 = arith.constant 8 : i32
    %scan3A_65 = arith.addi %scan3A_63, %scan3A_64 : i32
    %scan3A_66 = arith.constant 1 : i32
    scf.for %scan3A_200 = %scan3A_63 to %scan3A_65 step %scan3A_66  : i32 {
      %add3A_201 = arith.constant 0 : i32
      %add3A_202 = arith.addi %add3A_201, %scan3A_200 : i32
      %mul3A_203 = arith.constant 16 : i32
      %mul3A_204 = arith.muli %scan3A_200, %mul3A_203 : i32
      %add3A_205 = vector.broadcast %mul3A_204 : i32 to vector<16xi32>
      %add3A_206 = arith.addi %add3A_205, %iota3A : vector<16xi32>
      %broadcast_in_dim3A = arith.constant 0xFF800000 : f32
      %broadcast_in_dim3A_207 = vector.broadcast %broadcast_in_dim3A : f32 to vector<16xf32>
      %broadcast_in_dim3A_208 = arith.constant 0 : i32
      %broadcast_in_dim3A_209 = vector.broadcast %broadcast_in_dim3A_208 : i32 to vector<16xi32>
      %scan3A_210 = arith.constant 0 : i32
      %scan3A_211 = arith.constant 16 : i32
      %scan3A_212 = arith.addi %scan3A_210, %scan3A_211 : i32
      %scan3A_213 = arith.constant 1 : i32
      %scan3A_214:16 = scf.for %scan3A_265 = %scan3A_210 to %scan3A_212 step %scan3A_213 iter_args(%scan3A_266 = %broadcast_in_dim3A_207, %scan3A_267 = %broadcast_in_dim3A_207, %scan3A_268 = %broadcast_in_dim3A_207, %scan3A_269 = %broadcast_in_dim3A_207, %scan3A_270 = %broadcast_in_dim3A_207, %scan3A_271 = %broadcast_in_dim3A_207, %scan3A_272 = %broadcast_in_dim3A_207, %scan3A_273 = %broadcast_in_dim3A_207, %scan3A_274 = %broadcast_in_dim3A_209, %scan3A_275 = %broadcast_in_dim3A_209, %scan3A_276 = %broadcast_in_dim3A_209, %scan3A_277 = %broadcast_in_dim3A_209, %scan3A_278 = %broadcast_in_dim3A_209, %scan3A_279 = %broadcast_in_dim3A_209, %scan3A_280 = %broadcast_in_dim3A_209, %scan3A_281 = %broadcast_in_dim3A_209) -> (vector<16xf32>, vector<16xf32>, vector<16xf32>, vector<16xf32>, vector<16xf32>, vector<16xf32>, vector<16xf32>, vector<16xf32>, vector<16xi32>, vector<16xi32>, vector<16xi32>, vector<16xi32>, vector<16xi32>, vector<16xi32>, vector<16xi32>, vector<16xi32>)  : i32 {
        %mul3A_282 = arith.constant 4 : i32
        %mul3A_283 = arith.muli %scan3A_265, %mul3A_282 : i32
        %add3A_284 = arith.constant 0 : i32
        %add3A_285 = arith.addi %mul3A_283, %add3A_284 : i32
        %broadcast_in_dim3A_286 = vector.broadcast %add3A_285 : i32 to vector<16xi32>
        %mul3A_287 = arith.constant 16 : i32
        %mul3A_288 = arith.muli %add3A_202, %mul3A_287 : i32
        %get3A = arith.index_cast %add3A_285 : i32 to index
        %get3A_289 = arith.index_cast %mul3A_288 : i32 to index
        %get3A_290 = tpu.vector_load %arg5[%get3A, %get3A_289] {strides = array<i32>} : memref<64x512xf32, #tpu.memory_space<vmem>>, vector<16xf32>,
        %gt3A = arith.cmpf ogt, %get3A_290, %scan3A_266 : vector<16xf32>
        %gt3A_291 = arith.cmpf ogt, %get3A_290, %scan3A_267 : vector<16xf32>
        %gt3A_292 = arith.cmpf ogt, %get3A_290, %scan3A_268 : vector<16xf32>
        %gt3A_293 = arith.cmpf ogt, %get3A_290, %scan3A_269 : vector<16xf32>
        %gt3A_294 = arith.cmpf ogt, %get3A_290, %scan3A_270 : vector<16xf32>
        %gt3A_295 = arith.cmpf ogt, %get3A_290, %scan3A_271 : vector<16xf32>
        %gt3A_296 = arith.cmpf ogt, %get3A_290, %scan3A_272 : vector<16xf32>
        %gt3A_297 = arith.cmpf ogt, %get3A_290, %scan3A_273 : vector<16xf32>
        %select_n3A_298 = arith.select %gt3A, %get3A_290, %scan3A_266 : vector<16xi1>, vector<16xf32>
        %select_n3A_299 = arith.select %gt3A, %broadcast_in_dim3A_286, %scan3A_274 : vector<16xi1>, vector<16xi32>
        %select_n3A_300 = arith.select %gt3A_291, %get3A_290, %scan3A_267 : vector<16xi1>, vector<16xf32>
        %select_n3A_301 = arith.select %gt3A_291, %broadcast_in_dim3A_286, %scan3A_275 : vector<16xi1>, vector<16xi32>
        %select_n3A_302 = arith.select %gt3A, %scan3A_266, %select_n3A_300 : vector<16xi1>, vector<16xf32>
        %select_n3A_303 = arith.select %gt3A, %scan3A_274, %select_n3A_301 : vector<16xi1>, vector<16xi32>
        %select_n3A_304 = arith.select %gt3A_292, %get3A_290, %scan3A_268 : vector<16xi1>, vector<16xf32>
        %select_n3A_305 = arith.select %gt3A_292, %broadcast_in_dim3A_286, %scan3A_276 : vector<16xi1>, vector<16xi32>
        %select_n3A_306 = arith.select %gt3A_291, %scan3A_267, %select_n3A_304 : vector<16xi1>, vector<16xf32>
        %select_n3A_307 = arith.select %gt3A_291, %scan3A_275, %select_n3A_305 : vector<16xi1>, vector<16xi32>
        %select_n3A_308 = arith.select %gt3A_293, %get3A_290, %scan3A_269 : vector<16xi1>, vector<16xf32>
        %select_n3A_309 = arith.select %gt3A_293, %broadcast_in_dim3A_286, %scan3A_277 : vector<16xi1>, vector<16xi32>
        %select_n3A_310 = arith.select %gt3A_292, %scan3A_268, %select_n3A_308 : vector<16xi1>, vector<16xf32>
        %select_n3A_311 = arith.select %gt3A_292, %scan3A_276, %select_n3A_309 : vector<16xi1>, vector<16xi32>
        %select_n3A_312 = arith.select %gt3A_294, %get3A_290, %scan3A_270 : vector<16xi1>, vector<16xf32>
        %select_n3A_313 = arith.select %gt3A_294, %broadcast_in_dim3A_286, %scan3A_278 : vector<16xi1>, vector<16xi32>
        %select_n3A_314 = arith.select %gt3A_293, %scan3A_269, %select_n3A_312 : vector<16xi1>, vector<16xf32>
        %select_n3A_315 = arith.select %gt3A_293, %scan3A_277, %select_n3A_313 : vector<16xi1>, vector<16xi32>
        %select_n3A_316 = arith.select %gt3A_295, %get3A_290, %scan3A_271 : vector<16xi1>, vector<16xf32>
        %select_n3A_317 = arith.select %gt3A_295, %broadcast_in_dim3A_286, %scan3A_279 : vector<16xi1>, vector<16xi32>
        %select_n3A_318 = arith.select %gt3A_294, %scan3A_270, %select_n3A_316 : vector<16xi1>, vector<16xf32>
        %select_n3A_319 = arith.select %gt3A_294, %scan3A_278, %select_n3A_317 : vector<16xi1>, vector<16xi32>
        %select_n3A_320 = arith.select %gt3A_296, %get3A_290, %scan3A_272 : vector<16xi1>, vector<16xf32>
        %select_n3A_321 = arith.select %gt3A_296, %broadcast_in_dim3A_286, %scan3A_280 : vector<16xi1>, vector<16xi32>
        %select_n3A_322 = arith.select %gt3A_295, %scan3A_271, %select_n3A_320 : vector<16xi1>, vector<16xf32>
        %select_n3A_323 = arith.select %gt3A_295, %scan3A_279, %select_n3A_321 : vector<16xi1>, vector<16xi32>
        %select_n3A_324 = arith.select %gt3A_297, %get3A_290, %scan3A_273 : vector<16xi1>, vector<16xf32>
        %select_n3A_325 = arith.select %gt3A_297, %broadcast_in_dim3A_286, %scan3A_281 : vector<16xi1>, vector<16xi32>
        %select_n3A_326 = arith.select %gt3A_296, %scan3A_272, %select_n3A_324 : vector<16xi1>, vector<16xf32>
        %select_n3A_327 = arith.select %gt3A_296, %scan3A_280, %select_n3A_325 : vector<16xi1>, vector<16xi32>
        %mul3A_328 = arith.constant 4 : i32
        %mul3A_329 = arith.muli %scan3A_265, %mul3A_328 : i32
        %add3A_330 = arith.constant 1 : i32
        %add3A_331 = arith.addi %mul3A_329, %add3A_330 : i32
        %broadcast_in_dim3A_332 = vector.broadcast %add3A_331 : i32 to vector<16xi32>
        %mul3A_333 = arith.constant 16 : i32
        %mul3A_334 = arith.muli %add3A_202, %mul3A_333 : i32
        %get3A_335 = arith.index_cast %add3A_331 : i32 to index
        %get3A_336 = arith.index_cast %mul3A_334 : i32 to index
        %get3A_337 = tpu.vector_load %arg5[%get3A_335, %get3A_336] {strides = array<i32>} : memref<64x512xf32, #tpu.memory_space<vmem>>, vector<16xf32>,
        %gt3A_338 = arith.cmpf ogt, %get3A_337, %select_n3A_298 : vector<16xf32>
        %gt3A_339 = arith.cmpf ogt, %get3A_337, %select_n3A_302 : vector<16xf32>
        %gt3A_340 = arith.cmpf ogt, %get3A_337, %select_n3A_306 : vector<16xf32>
        %gt3A_341 = arith.cmpf ogt, %get3A_337, %select_n3A_310 : vector<16xf32>
        %gt3A_342 = arith.cmpf ogt, %get3A_337, %select_n3A_314 : vector<16xf32>
        %gt3A_343 = arith.cmpf ogt, %get3A_337, %select_n3A_318 : vector<16xf32>
        %gt3A_344 = arith.cmpf ogt, %get3A_337, %select_n3A_322 : vector<16xf32>
        %gt3A_345 = arith.cmpf ogt, %get3A_337, %select_n3A_326 : vector<16xf32>
        %select_n3A_346 = arith.select %gt3A_338, %get3A_337, %select_n3A_298 : vector<16xi1>, vector<16xf32>
        %select_n3A_347 = arith.select %gt3A_338, %broadcast_in_dim3A_332, %select_n3A_299 : vector<16xi1>, vector<16xi32>
        %select_n3A_348 = arith.select %gt3A_339, %get3A_337, %select_n3A_302 : vector<16xi1>, vector<16xf32>
        %select_n3A_349 = arith.select %gt3A_339, %broadcast_in_dim3A_332, %select_n3A_303 : vector<16xi1>, vector<16xi32>
        %select_n3A_350 = arith.select %gt3A_338, %select_n3A_298, %select_n3A_348 : vector<16xi1>, vector<16xf32>
        %select_n3A_351 = arith.select %gt3A_338, %select_n3A_299, %select_n3A_349 : vector<16xi1>, vector<16xi32>
        %select_n3A_352 = arith.select %gt3A_340, %get3A_337, %select_n3A_306 : vector<16xi1>, vector<16xf32>
        %select_n3A_353 = arith.select %gt3A_340, %broadcast_in_dim3A_332, %select_n3A_307 : vector<16xi1>, vector<16xi32>
        %select_n3A_354 = arith.select %gt3A_339, %select_n3A_302, %select_n3A_352 : vector<16xi1>, vector<16xf32>
        %select_n3A_355 = arith.select %gt3A_339, %select_n3A_303, %select_n3A_353 : vector<16xi1>, vector<16xi32>
        %select_n3A_356 = arith.select %gt3A_341, %get3A_337, %select_n3A_310 : vector<16xi1>, vector<16xf32>
        %select_n3A_357 = arith.select %gt3A_341, %broadcast_in_dim3A_332, %select_n3A_311 : vector<16xi1>, vector<16xi32>
        %select_n3A_358 = arith.select %gt3A_340, %select_n3A_306, %select_n3A_356 : vector<16xi1>, vector<16xf32>
        %select_n3A_359 = arith.select %gt3A_340, %select_n3A_307, %select_n3A_357 : vector<16xi1>, vector<16xi32>
        %select_n3A_360 = arith.select %gt3A_342, %get3A_337, %select_n3A_314 : vector<16xi1>, vector<16xf32>
        %select_n3A_361 = arith.select %gt3A_342, %broadcast_in_dim3A_332, %select_n3A_315 : vector<16xi1>, vector<16xi32>
        %select_n3A_362 = arith.select %gt3A_341, %select_n3A_310, %select_n3A_360 : vector<16xi1>, vector<16xf32>
        %select_n3A_363 = arith.select %gt3A_341, %select_n3A_311, %select_n3A_361 : vector<16xi1>, vector<16xi32>
        %select_n3A_364 = arith.select %gt3A_343, %get3A_337, %select_n3A_318 : vector<16xi1>, vector<16xf32>
        %select_n3A_365 = arith.select %gt3A_343, %broadcast_in_dim3A_332, %select_n3A_319 : vector<16xi1>, vector<16xi32>
        %select_n3A_366 = arith.select %gt3A_342, %select_n3A_314, %select_n3A_364 : vector<16xi1>, vector<16xf32>
        %select_n3A_367 = arith.select %gt3A_342, %select_n3A_315, %select_n3A_365 : vector<16xi1>, vector<16xi32>
        %select_n3A_368 = arith.select %gt3A_344, %get3A_337, %select_n3A_322 : vector<16xi1>, vector<16xf32>
        %select_n3A_369 = arith.select %gt3A_344, %broadcast_in_dim3A_332, %select_n3A_323 : vector<16xi1>, vector<16xi32>
        %select_n3A_370 = arith.select %gt3A_343, %select_n3A_318, %select_n3A_368 : vector<16xi1>, vector<16xf32>
        %select_n3A_371 = arith.select %gt3A_343, %select_n3A_319, %select_n3A_369 : vector<16xi1>, vector<16xi32>
        %select_n3A_372 = arith.select %gt3A_345, %get3A_337, %select_n3A_326 : vector<16xi1>, vector<16xf32>
        %select_n3A_373 = arith.select %gt3A_345, %broadcast_in_dim3A_332, %select_n3A_327 : vector<16xi1>, vector<16xi32>
        %select_n3A_374 = arith.select %gt3A_344, %select_n3A_322, %select_n3A_372 : vector<16xi1>, vector<16xf32>
        %select_n3A_375 = arith.select %gt3A_344, %select_n3A_323, %select_n3A_373 : vector<16xi1>, vector<16xi32>
        %mul3A_376 = arith.constant 4 : i32
        %mul3A_377 = arith.muli %scan3A_265, %mul3A_376 : i32
        %add3A_378 = arith.constant 2 : i32
        %add3A_379 = arith.addi %mul3A_377, %add3A_378 : i32
        %broadcast_in_dim3A_380 = vector.broadcast %add3A_379 : i32 to vector<16xi32>
        %mul3A_381 = arith.constant 16 : i32
        %mul3A_382 = arith.muli %add3A_202, %mul3A_381 : i32
        %get3A_383 = arith.index_cast %add3A_379 : i32 to index
        %get3A_384 = arith.index_cast %mul3A_382 : i32 to index
        %get3A_385 = tpu.vector_load %arg5[%get3A_383, %get3A_384] {strides = array<i32>} : memref<64x512xf32, #tpu.memory_space<vmem>>, vector<16xf32>,
        %gt3A_386 = arith.cmpf ogt, %get3A_385, %select_n3A_346 : vector<16xf32>
        %gt3A_387 = arith.cmpf ogt, %get3A_385, %select_n3A_350 : vector<16xf32>
        %gt3A_388 = arith.cmpf ogt, %get3A_385, %select_n3A_354 : vector<16xf32>
        %gt3A_389 = arith.cmpf ogt, %get3A_385, %select_n3A_358 : vector<16xf32>
        %gt3A_390 = arith.cmpf ogt, %get3A_385, %select_n3A_362 : vector<16xf32>
        %gt3A_391 = arith.cmpf ogt, %get3A_385, %select_n3A_366 : vector<16xf32>
        %gt3A_392 = arith.cmpf ogt, %get3A_385, %select_n3A_370 : vector<16xf32>
        %gt3A_393 = arith.cmpf ogt, %get3A_385, %select_n3A_374 : vector<16xf32>
        %select_n3A_394 = arith.select %gt3A_386, %get3A_385, %select_n3A_346 : vector<16xi1>, vector<16xf32>
        %select_n3A_395 = arith.select %gt3A_386, %broadcast_in_dim3A_380, %select_n3A_347 : vector<16xi1>, vector<16xi32>
        %select_n3A_396 = arith.select %gt3A_387, %get3A_385, %select_n3A_350 : vector<16xi1>, vector<16xf32>
        %select_n3A_397 = arith.select %gt3A_387, %broadcast_in_dim3A_380, %select_n3A_351 : vector<16xi1>, vector<16xi32>
        %select_n3A_398 = arith.select %gt3A_386, %select_n3A_346, %select_n3A_396 : vector<16xi1>, vector<16xf32>
        %select_n3A_399 = arith.select %gt3A_386, %select_n3A_347, %select_n3A_397 : vector<16xi1>, vector<16xi32>
        %select_n3A_400 = arith.select %gt3A_388, %get3A_385, %select_n3A_354 : vector<16xi1>, vector<16xf32>
        %select_n3A_401 = arith.select %gt3A_388, %broadcast_in_dim3A_380, %select_n3A_355 : vector<16xi1>, vector<16xi32>
        %select_n3A_402 = arith.select %gt3A_387, %select_n3A_350, %select_n3A_400 : vector<16xi1>, vector<16xf32>
        %select_n3A_403 = arith.select %gt3A_387, %select_n3A_351, %select_n3A_401 : vector<16xi1>, vector<16xi32>
        %select_n3A_404 = arith.select %gt3A_389, %get3A_385, %select_n3A_358 : vector<16xi1>, vector<16xf32>
        %select_n3A_405 = arith.select %gt3A_389, %broadcast_in_dim3A_380, %select_n3A_359 : vector<16xi1>, vector<16xi32>
        %select_n3A_406 = arith.select %gt3A_388, %select_n3A_354, %select_n3A_404 : vector<16xi1>, vector<16xf32>
        %select_n3A_407 = arith.select %gt3A_388, %select_n3A_355, %select_n3A_405 : vector<16xi1>, vector<16xi32>
        %select_n3A_408 = arith.select %gt3A_390, %get3A_385, %select_n3A_362 : vector<16xi1>, vector<16xf32>
        %select_n3A_409 = arith.select %gt3A_390, %broadcast_in_dim3A_380, %select_n3A_363 : vector<16xi1>, vector<16xi32>
        %select_n3A_410 = arith.select %gt3A_389, %select_n3A_358, %select_n3A_408 : vector<16xi1>, vector<16xf32>
        %select_n3A_411 = arith.select %gt3A_389, %select_n3A_359, %select_n3A_409 : vector<16xi1>, vector<16xi32>
        %select_n3A_412 = arith.select %gt3A_391, %get3A_385, %select_n3A_366 : vector<16xi1>, vector<16xf32>
        %select_n3A_413 = arith.select %gt3A_391, %broadcast_in_dim3A_380, %select_n3A_367 : vector<16xi1>, vector<16xi32>
        %select_n3A_414 = arith.select %gt3A_390, %select_n3A_362, %select_n3A_412 : vector<16xi1>, vector<16xf32>
        %select_n3A_415 = arith.select %gt3A_390, %select_n3A_363, %select_n3A_413 : vector<16xi1>, vector<16xi32>
        %select_n3A_416 = arith.select %gt3A_392, %get3A_385, %select_n3A_370 : vector<16xi1>, vector<16xf32>
        %select_n3A_417 = arith.select %gt3A_392, %broadcast_in_dim3A_380, %select_n3A_371 : vector<16xi1>, vector<16xi32>
        %select_n3A_418 = arith.select %gt3A_391, %select_n3A_366, %select_n3A_416 : vector<16xi1>, vector<16xf32>
        %select_n3A_419 = arith.select %gt3A_391, %select_n3A_367, %select_n3A_417 : vector<16xi1>, vector<16xi32>
        %select_n3A_420 = arith.select %gt3A_393, %get3A_385, %select_n3A_374 : vector<16xi1>, vector<16xf32>
        %select_n3A_421 = arith.select %gt3A_393, %broadcast_in_dim3A_380, %select_n3A_375 : vector<16xi1>, vector<16xi32>
        %select_n3A_422 = arith.select %gt3A_392, %select_n3A_370, %select_n3A_420 : vector<16xi1>, vector<16xf32>
        %select_n3A_423 = arith.select %gt3A_392, %select_n3A_371, %select_n3A_421 : vector<16xi1>, vector<16xi32>
        %mul3A_424 = arith.constant 4 : i32
        %mul3A_425 = arith.muli %scan3A_265, %mul3A_424 : i32
        %add3A_426 = arith.constant 3 : i32
        %add3A_427 = arith.addi %mul3A_425, %add3A_426 : i32
        %broadcast_in_dim3A_428 = vector.broadcast %add3A_427 : i32 to vector<16xi32>
        %mul3A_429 = arith.constant 16 : i32
        %mul3A_430 = arith.muli %add3A_202, %mul3A_429 : i32
        %get3A_431 = arith.index_cast %add3A_427 : i32 to index
        %get3A_432 = arith.index_cast %mul3A_430 : i32 to index
        %get3A_433 = tpu.vector_load %arg5[%get3A_431, %get3A_432] {strides = array<i32>} : memref<64x512xf32, #tpu.memory_space<vmem>>, vector<16xf32>,
        %gt3A_434 = arith.cmpf ogt, %get3A_433, %select_n3A_394 : vector<16xf32>
        %gt3A_435 = arith.cmpf ogt, %get3A_433, %select_n3A_398 : vector<16xf32>
        %gt3A_436 = arith.cmpf ogt, %get3A_433, %select_n3A_402 : vector<16xf32>
        %gt3A_437 = arith.cmpf ogt, %get3A_433, %select_n3A_406 : vector<16xf32>
        %gt3A_438 = arith.cmpf ogt, %get3A_433, %select_n3A_410 : vector<16xf32>
        %gt3A_439 = arith.cmpf ogt, %get3A_433, %select_n3A_414 : vector<16xf32>
        %gt3A_440 = arith.cmpf ogt, %get3A_433, %select_n3A_418 : vector<16xf32>
        %gt3A_441 = arith.cmpf ogt, %get3A_433, %select_n3A_422 : vector<16xf32>
        %select_n3A_442 = arith.select %gt3A_434, %get3A_433, %select_n3A_394 : vector<16xi1>, vector<16xf32>
        %select_n3A_443 = arith.select %gt3A_434, %broadcast_in_dim3A_428, %select_n3A_395 : vector<16xi1>, vector<16xi32>
        %select_n3A_444 = arith.select %gt3A_435, %get3A_433, %select_n3A_398 : vector<16xi1>, vector<16xf32>
        %select_n3A_445 = arith.select %gt3A_435, %broadcast_in_dim3A_428, %select_n3A_399 : vector<16xi1>, vector<16xi32>
        %select_n3A_446 = arith.select %gt3A_434, %select_n3A_394, %select_n3A_444 : vector<16xi1>, vector<16xf32>
        %select_n3A_447 = arith.select %gt3A_434, %select_n3A_395, %select_n3A_445 : vector<16xi1>, vector<16xi32>
        %select_n3A_448 = arith.select %gt3A_436, %get3A_433, %select_n3A_402 : vector<16xi1>, vector<16xf32>
        %select_n3A_449 = arith.select %gt3A_436, %broadcast_in_dim3A_428, %select_n3A_403 : vector<16xi1>, vector<16xi32>
        %select_n3A_450 = arith.select %gt3A_435, %select_n3A_398, %select_n3A_448 : vector<16xi1>, vector<16xf32>
        %select_n3A_451 = arith.select %gt3A_435, %select_n3A_399, %select_n3A_449 : vector<16xi1>, vector<16xi32>
        %select_n3A_452 = arith.select %gt3A_437, %get3A_433, %select_n3A_406 : vector<16xi1>, vector<16xf32>
        %select_n3A_453 = arith.select %gt3A_437, %broadcast_in_dim3A_428, %select_n3A_407 : vector<16xi1>, vector<16xi32>
        %select_n3A_454 = arith.select %gt3A_436, %select_n3A_402, %select_n3A_452 : vector<16xi1>, vector<16xf32>
        %select_n3A_455 = arith.select %gt3A_436, %select_n3A_403, %select_n3A_453 : vector<16xi1>, vector<16xi32>
        %select_n3A_456 = arith.select %gt3A_438, %get3A_433, %select_n3A_410 : vector<16xi1>, vector<16xf32>
        %select_n3A_457 = arith.select %gt3A_438, %broadcast_in_dim3A_428, %select_n3A_411 : vector<16xi1>, vector<16xi32>
        %select_n3A_458 = arith.select %gt3A_437, %select_n3A_406, %select_n3A_456 : vector<16xi1>, vector<16xf32>
        %select_n3A_459 = arith.select %gt3A_437, %select_n3A_407, %select_n3A_457 : vector<16xi1>, vector<16xi32>
        %select_n3A_460 = arith.select %gt3A_439, %get3A_433, %select_n3A_414 : vector<16xi1>, vector<16xf32>
        %select_n3A_461 = arith.select %gt3A_439, %broadcast_in_dim3A_428, %select_n3A_415 : vector<16xi1>, vector<16xi32>
        %select_n3A_462 = arith.select %gt3A_438, %select_n3A_410, %select_n3A_460 : vector<16xi1>, vector<16xf32>
        %select_n3A_463 = arith.select %gt3A_438, %select_n3A_411, %select_n3A_461 : vector<16xi1>, vector<16xi32>
        %select_n3A_464 = arith.select %gt3A_440, %get3A_433, %select_n3A_418 : vector<16xi1>, vector<16xf32>
        %select_n3A_465 = arith.select %gt3A_440, %broadcast_in_dim3A_428, %select_n3A_419 : vector<16xi1>, vector<16xi32>
        %select_n3A_466 = arith.select %gt3A_439, %select_n3A_414, %select_n3A_464 : vector<16xi1>, vector<16xf32>
        %select_n3A_467 = arith.select %gt3A_439, %select_n3A_415, %select_n3A_465 : vector<16xi1>, vector<16xi32>
        %select_n3A_468 = arith.select %gt3A_441, %get3A_433, %select_n3A_422 : vector<16xi1>, vector<16xf32>
        %select_n3A_469 = arith.select %gt3A_441, %broadcast_in_dim3A_428, %select_n3A_423 : vector<16xi1>, vector<16xi32>
        %select_n3A_470 = arith.select %gt3A_440, %select_n3A_418, %select_n3A_468 : vector<16xi1>, vector<16xf32>
        %select_n3A_471 = arith.select %gt3A_440, %select_n3A_419, %select_n3A_469 : vector<16xi1>, vector<16xi32>
        scf.yield %select_n3A_442, %select_n3A_446, %select_n3A_450, %select_n3A_454, %select_n3A_458, %select_n3A_462, %select_n3A_466, %select_n3A_470, %select_n3A_443, %select_n3A_447, %select_n3A_451, %select_n3A_455, %select_n3A_459, %select_n3A_463, %select_n3A_467, %select_n3A_471 : vector<16xf32>, vector<16xf32>, vector<16xf32>, vector<16xf32>, vector<16xf32>, vector<16xf32>, vector<16xf32>, vector<16xf32>, vector<16xi32>, vector<16xi32>, vector<16xi32>, vector<16xi32>, vector<16xi32>, vector<16xi32>, vector<16xi32>, vector<16xi32>
      }
      %scan3A_215 = arith.constant 16 : i32
      %sub3A_216 = arith.subf %scan3A_214#0, %scan3A_214#0 : vector<16xf32>
      %exp3A = math.exp %sub3A_216 : vector<16xf32>
      %sub3A_217 = arith.subf %scan3A_214#1, %scan3A_214#0 : vector<16xf32>
      %exp3A_218 = math.exp %sub3A_217 : vector<16xf32>
      %sub3A_219 = arith.subf %scan3A_214#2, %scan3A_214#0 : vector<16xf32>
      %exp3A_220 = math.exp %sub3A_219 : vector<16xf32>
      %sub3A_221 = arith.subf %scan3A_214#3, %scan3A_214#0 : vector<16xf32>
      %exp3A_222 = math.exp %sub3A_221 : vector<16xf32>
      %sub3A_223 = arith.subf %scan3A_214#4, %scan3A_214#0 : vector<16xf32>
      %exp3A_224 = math.exp %sub3A_223 : vector<16xf32>
      %sub3A_225 = arith.subf %scan3A_214#5, %scan3A_214#0 : vector<16xf32>
      %exp3A_226 = math.exp %sub3A_225 : vector<16xf32>
      %sub3A_227 = arith.subf %scan3A_214#6, %scan3A_214#0 : vector<16xf32>
      %exp3A_228 = math.exp %sub3A_227 : vector<16xf32>
      %sub3A_229 = arith.subf %scan3A_214#7, %scan3A_214#0 : vector<16xf32>
      %exp3A_230 = math.exp %sub3A_229 : vector<16xf32>
      %add3A_231 = arith.addf %exp3A, %exp3A_218 : vector<16xf32>
      %add3A_232 = arith.addf %add3A_231, %exp3A_220 : vector<16xf32>
      %add3A_233 = arith.addf %add3A_232, %exp3A_222 : vector<16xf32>
      %add3A_234 = arith.addf %add3A_233, %exp3A_224 : vector<16xf32>
      %add3A_235 = arith.addf %add3A_234, %exp3A_226 : vector<16xf32>
      %add3A_236 = arith.addf %add3A_235, %exp3A_228 : vector<16xf32>
      %add3A_237 = arith.addf %add3A_236, %exp3A_230 : vector<16xf32>
      %div3A_238 = arith.constant 1.000000e+00 : f32
      %div3A_239 = vector.broadcast %div3A_238 : f32 to vector<16xf32>
      %div3A_240 = arith.divf %div3A_239, %add3A_237 : vector<16xf32>
      %broadcast_in_dim3A_241 = arith.constant 0 : i32
      %broadcast_in_dim3A_242 = vector.broadcast %broadcast_in_dim3A_241 : i32 to vector<16xi32>
      tpu.vector_store_idx %arg6[%add3A_206, %broadcast_in_dim3A_242], %scan3A_214#8 : memref<128x8xi32, #tpu.memory_space<vmem>>[vector<16xi32>, vector<16xi32>], vector<16xi32>,
      %mul3A_243 = arith.mulf %exp3A, %div3A_240 : vector<16xf32>
      tpu.vector_store_idx %arg7[%add3A_206, %broadcast_in_dim3A_242], %mul3A_243 : memref<128x8xf32, #tpu.memory_space<vmem>>[vector<16xi32>, vector<16xi32>], vector<16xf32>,
      %broadcast_in_dim3A_244 = arith.constant 1 : i32
      %broadcast_in_dim3A_245 = vector.broadcast %broadcast_in_dim3A_244 : i32 to vector<16xi32>
      tpu.vector_store_idx %arg6[%add3A_206, %broadcast_in_dim3A_245], %scan3A_214#9 : memref<128x8xi32, #tpu.memory_space<vmem>>[vector<16xi32>, vector<16xi32>], vector<16xi32>,
      %mul3A_246 = arith.mulf %exp3A_218, %div3A_240 : vector<16xf32>
      tpu.vector_store_idx %arg7[%add3A_206, %broadcast_in_dim3A_245], %mul3A_246 : memref<128x8xf32, #tpu.memory_space<vmem>>[vector<16xi32>, vector<16xi32>], vector<16xf32>,
      %broadcast_in_dim3A_247 = arith.constant 2 : i32
      %broadcast_in_dim3A_248 = vector.broadcast %broadcast_in_dim3A_247 : i32 to vector<16xi32>
      tpu.vector_store_idx %arg6[%add3A_206, %broadcast_in_dim3A_248], %scan3A_214#10 : memref<128x8xi32, #tpu.memory_space<vmem>>[vector<16xi32>, vector<16xi32>], vector<16xi32>,
      %mul3A_249 = arith.mulf %exp3A_220, %div3A_240 : vector<16xf32>
      tpu.vector_store_idx %arg7[%add3A_206, %broadcast_in_dim3A_248], %mul3A_249 : memref<128x8xf32, #tpu.memory_space<vmem>>[vector<16xi32>, vector<16xi32>], vector<16xf32>,
      %broadcast_in_dim3A_250 = arith.constant 3 : i32
      %broadcast_in_dim3A_251 = vector.broadcast %broadcast_in_dim3A_250 : i32 to vector<16xi32>
      tpu.vector_store_idx %arg6[%add3A_206, %broadcast_in_dim3A_251], %scan3A_214#11 : memref<128x8xi32, #tpu.memory_space<vmem>>[vector<16xi32>, vector<16xi32>], vector<16xi32>,
      %mul3A_252 = arith.mulf %exp3A_222, %div3A_240 : vector<16xf32>
      tpu.vector_store_idx %arg7[%add3A_206, %broadcast_in_dim3A_251], %mul3A_252 : memref<128x8xf32, #tpu.memory_space<vmem>>[vector<16xi32>, vector<16xi32>], vector<16xf32>,
      %broadcast_in_dim3A_253 = arith.constant 4 : i32
      %broadcast_in_dim3A_254 = vector.broadcast %broadcast_in_dim3A_253 : i32 to vector<16xi32>
      tpu.vector_store_idx %arg6[%add3A_206, %broadcast_in_dim3A_254], %scan3A_214#12 : memref<128x8xi32, #tpu.memory_space<vmem>>[vector<16xi32>, vector<16xi32>], vector<16xi32>,
      %mul3A_255 = arith.mulf %exp3A_224, %div3A_240 : vector<16xf32>
      tpu.vector_store_idx %arg7[%add3A_206, %broadcast_in_dim3A_254], %mul3A_255 : memref<128x8xf32, #tpu.memory_space<vmem>>[vector<16xi32>, vector<16xi32>], vector<16xf32>,
      %broadcast_in_dim3A_256 = arith.constant 5 : i32
      %broadcast_in_dim3A_257 = vector.broadcast %broadcast_in_dim3A_256 : i32 to vector<16xi32>
      tpu.vector_store_idx %arg6[%add3A_206, %broadcast_in_dim3A_257], %scan3A_214#13 : memref<128x8xi32, #tpu.memory_space<vmem>>[vector<16xi32>, vector<16xi32>], vector<16xi32>,
      %mul3A_258 = arith.mulf %exp3A_226, %div3A_240 : vector<16xf32>
      tpu.vector_store_idx %arg7[%add3A_206, %broadcast_in_dim3A_257], %mul3A_258 : memref<128x8xf32, #tpu.memory_space<vmem>>[vector<16xi32>, vector<16xi32>], vector<16xf32>,
      %broadcast_in_dim3A_259 = arith.constant 6 : i32
      %broadcast_in_dim3A_260 = vector.broadcast %broadcast_in_dim3A_259 : i32 to vector<16xi32>
      tpu.vector_store_idx %arg6[%add3A_206, %broadcast_in_dim3A_260], %scan3A_214#14 : memref<128x8xi32, #tpu.memory_space<vmem>>[vector<16xi32>, vector<16xi32>], vector<16xi32>,
      %mul3A_261 = arith.mulf %exp3A_228, %div3A_240 : vector<16xf32>
      tpu.vector_store_idx %arg7[%add3A_206, %broadcast_in_dim3A_260], %mul3A_261 : memref<128x8xf32, #tpu.memory_space<vmem>>[vector<16xi32>, vector<16xi32>], vector<16xf32>,
      %broadcast_in_dim3A_262 = arith.constant 7 : i32
      %broadcast_in_dim3A_263 = vector.broadcast %broadcast_in_dim3A_262 : i32 to vector<16xi32>
      tpu.vector_store_idx %arg6[%add3A_206, %broadcast_in_dim3A_263], %scan3A_214#15 : memref<128x8xi32, #tpu.memory_space<vmem>>[vector<16xi32>, vector<16xi32>], vector<16xi32>,
      %mul3A_264 = arith.mulf %exp3A_230, %div3A_240 : vector<16xf32>
      tpu.vector_store_idx %arg7[%add3A_206, %broadcast_in_dim3A_263], %mul3A_264 : memref<128x8xf32, #tpu.memory_space<vmem>>[vector<16xi32>, vector<16xi32>], vector<16xf32>,
    }
    %scan3A_67 = arith.constant 8 : i32
    %add3A_68 = arith.constant 0 : i32
    %add3A_69 = arith.addi %select_n3A_32, %add3A_68 : i32
    %dma_start3A_70 = arith.constant 0 : i32
    %dma_start3A_71 = tpu.memref_slice %arg3[%select_n3A, %add3A_69, %dma_start3A_70] : memref<4x4096x8xi32, #tpu.memory_space<hbm>> -> memref<1x128x8xi32, #tpu.memory_space<hbm>>
    %dma_start3A_72 = tpu.memref_squeeze %dma_start3A_71 : memref<1x128x8xi32, #tpu.memory_space<hbm>> -> memref<128x8xi32, #tpu.memory_space<hbm>>
    %dma_start3A_73 = arith.constant 0 : i32
    %dma_start3A_74 = tpu.memref_slice %arg3[%select_n3A, %add3A_69, %dma_start3A_73] : memref<4x4096x8xi32, #tpu.memory_space<hbm>> -> memref<1x128x8xi32, #tpu.memory_space<hbm>>
    %dma_start3A_75 = tpu.memref_squeeze %dma_start3A_74 : memref<1x128x8xi32, #tpu.memory_space<hbm>> -> memref<128x8xi32, #tpu.memory_space<hbm>>
    tpu.enqueue_dma source(%arg6 : memref<128x8xi32, #tpu.memory_space<vmem>>) target(%dma_start3A_75 : memref<128x8xi32, #tpu.memory_space<hbm>>) target_semaphore(%arg10 : memref<!tpu.dma_semaphore, #tpu.memory_space<semaphore_mem>>)
    %dma_start3A_76 = arith.constant 0 : i32
    %dma_start3A_77 = tpu.memref_slice %arg4[%select_n3A, %add3A_69, %dma_start3A_76] : memref<4x4096x8xf32, #tpu.memory_space<hbm>> -> memref<1x128x8xf32, #tpu.memory_space<hbm>>
    %dma_start3A_78 = tpu.memref_squeeze %dma_start3A_77 : memref<1x128x8xf32, #tpu.memory_space<hbm>> -> memref<128x8xf32, #tpu.memory_space<hbm>>
    %dma_start3A_79 = arith.constant 0 : i32
    %dma_start3A_80 = tpu.memref_slice %arg4[%select_n3A, %add3A_69, %dma_start3A_79] : memref<4x4096x8xf32, #tpu.memory_space<hbm>> -> memref<1x128x8xf32, #tpu.memory_space<hbm>>
    %dma_start3A_81 = tpu.memref_squeeze %dma_start3A_80 : memref<1x128x8xf32, #tpu.memory_space<hbm>> -> memref<128x8xf32, #tpu.memory_space<hbm>>
    tpu.enqueue_dma source(%arg7 : memref<128x8xf32, #tpu.memory_space<vmem>>) target(%dma_start3A_81 : memref<128x8xf32, #tpu.memory_space<hbm>>) target_semaphore(%arg10 : memref<!tpu.dma_semaphore, #tpu.memory_space<semaphore_mem>>)
    %scan3A_82 = arith.constant 0 : i32
    %scan3A_83 = arith.constant 0 : i32
    %scan3A_84 = arith.constant 8 : i32
    %scan3A_85 = arith.addi %scan3A_83, %scan3A_84 : i32
    %scan3A_86 = arith.constant 1 : i32
    scf.for %scan3A_200 = %scan3A_83 to %scan3A_85 step %scan3A_86  : i32 {
      %add3A_201 = arith.constant 8 : i32
      %add3A_202 = arith.addi %add3A_201, %scan3A_200 : i32
      %mul3A_203 = arith.constant 16 : i32
      %mul3A_204 = arith.muli %scan3A_200, %mul3A_203 : i32
      %add3A_205 = vector.broadcast %mul3A_204 : i32 to vector<16xi32>
      %add3A_206 = arith.addi %add3A_205, %iota3A : vector<16xi32>
      %broadcast_in_dim3A = arith.constant 0xFF800000 : f32
      %broadcast_in_dim3A_207 = vector.broadcast %broadcast_in_dim3A : f32 to vector<16xf32>
      %broadcast_in_dim3A_208 = arith.constant 0 : i32
      %broadcast_in_dim3A_209 = vector.broadcast %broadcast_in_dim3A_208 : i32 to vector<16xi32>
      %scan3A_210 = arith.constant 0 : i32
      %scan3A_211 = arith.constant 16 : i32
      %scan3A_212 = arith.addi %scan3A_210, %scan3A_211 : i32
      %scan3A_213 = arith.constant 1 : i32
      %scan3A_214:16 = scf.for %scan3A_265 = %scan3A_210 to %scan3A_212 step %scan3A_213 iter_args(%scan3A_266 = %broadcast_in_dim3A_207, %scan3A_267 = %broadcast_in_dim3A_207, %scan3A_268 = %broadcast_in_dim3A_207, %scan3A_269 = %broadcast_in_dim3A_207, %scan3A_270 = %broadcast_in_dim3A_207, %scan3A_271 = %broadcast_in_dim3A_207, %scan3A_272 = %broadcast_in_dim3A_207, %scan3A_273 = %broadcast_in_dim3A_207, %scan3A_274 = %broadcast_in_dim3A_209, %scan3A_275 = %broadcast_in_dim3A_209, %scan3A_276 = %broadcast_in_dim3A_209, %scan3A_277 = %broadcast_in_dim3A_209, %scan3A_278 = %broadcast_in_dim3A_209, %scan3A_279 = %broadcast_in_dim3A_209, %scan3A_280 = %broadcast_in_dim3A_209, %scan3A_281 = %broadcast_in_dim3A_209) -> (vector<16xf32>, vector<16xf32>, vector<16xf32>, vector<16xf32>, vector<16xf32>, vector<16xf32>, vector<16xf32>, vector<16xf32>, vector<16xi32>, vector<16xi32>, vector<16xi32>, vector<16xi32>, vector<16xi32>, vector<16xi32>, vector<16xi32>, vector<16xi32>)  : i32 {
        %mul3A_282 = arith.constant 4 : i32
        %mul3A_283 = arith.muli %scan3A_265, %mul3A_282 : i32
        %add3A_284 = arith.constant 0 : i32
        %add3A_285 = arith.addi %mul3A_283, %add3A_284 : i32
        %broadcast_in_dim3A_286 = vector.broadcast %add3A_285 : i32 to vector<16xi32>
        %mul3A_287 = arith.constant 16 : i32
        %mul3A_288 = arith.muli %add3A_202, %mul3A_287 : i32
        %get3A = arith.index_cast %add3A_285 : i32 to index
        %get3A_289 = arith.index_cast %mul3A_288 : i32 to index
        %get3A_290 = tpu.vector_load %arg5[%get3A, %get3A_289] {strides = array<i32>} : memref<64x512xf32, #tpu.memory_space<vmem>>, vector<16xf32>,
        %gt3A = arith.cmpf ogt, %get3A_290, %scan3A_266 : vector<16xf32>
        %gt3A_291 = arith.cmpf ogt, %get3A_290, %scan3A_267 : vector<16xf32>
        %gt3A_292 = arith.cmpf ogt, %get3A_290, %scan3A_268 : vector<16xf32>
        %gt3A_293 = arith.cmpf ogt, %get3A_290, %scan3A_269 : vector<16xf32>
        %gt3A_294 = arith.cmpf ogt, %get3A_290, %scan3A_270 : vector<16xf32>
        %gt3A_295 = arith.cmpf ogt, %get3A_290, %scan3A_271 : vector<16xf32>
        %gt3A_296 = arith.cmpf ogt, %get3A_290, %scan3A_272 : vector<16xf32>
        %gt3A_297 = arith.cmpf ogt, %get3A_290, %scan3A_273 : vector<16xf32>
        %select_n3A_298 = arith.select %gt3A, %get3A_290, %scan3A_266 : vector<16xi1>, vector<16xf32>
        %select_n3A_299 = arith.select %gt3A, %broadcast_in_dim3A_286, %scan3A_274 : vector<16xi1>, vector<16xi32>
        %select_n3A_300 = arith.select %gt3A_291, %get3A_290, %scan3A_267 : vector<16xi1>, vector<16xf32>
        %select_n3A_301 = arith.select %gt3A_291, %broadcast_in_dim3A_286, %scan3A_275 : vector<16xi1>, vector<16xi32>
        %select_n3A_302 = arith.select %gt3A, %scan3A_266, %select_n3A_300 : vector<16xi1>, vector<16xf32>
        %select_n3A_303 = arith.select %gt3A, %scan3A_274, %select_n3A_301 : vector<16xi1>, vector<16xi32>
        %select_n3A_304 = arith.select %gt3A_292, %get3A_290, %scan3A_268 : vector<16xi1>, vector<16xf32>
        %select_n3A_305 = arith.select %gt3A_292, %broadcast_in_dim3A_286, %scan3A_276 : vector<16xi1>, vector<16xi32>
        %select_n3A_306 = arith.select %gt3A_291, %scan3A_267, %select_n3A_304 : vector<16xi1>, vector<16xf32>
        %select_n3A_307 = arith.select %gt3A_291, %scan3A_275, %select_n3A_305 : vector<16xi1>, vector<16xi32>
        %select_n3A_308 = arith.select %gt3A_293, %get3A_290, %scan3A_269 : vector<16xi1>, vector<16xf32>
        %select_n3A_309 = arith.select %gt3A_293, %broadcast_in_dim3A_286, %scan3A_277 : vector<16xi1>, vector<16xi32>
        %select_n3A_310 = arith.select %gt3A_292, %scan3A_268, %select_n3A_308 : vector<16xi1>, vector<16xf32>
        %select_n3A_311 = arith.select %gt3A_292, %scan3A_276, %select_n3A_309 : vector<16xi1>, vector<16xi32>
        %select_n3A_312 = arith.select %gt3A_294, %get3A_290, %scan3A_270 : vector<16xi1>, vector<16xf32>
        %select_n3A_313 = arith.select %gt3A_294, %broadcast_in_dim3A_286, %scan3A_278 : vector<16xi1>, vector<16xi32>
        %select_n3A_314 = arith.select %gt3A_293, %scan3A_269, %select_n3A_312 : vector<16xi1>, vector<16xf32>
        %select_n3A_315 = arith.select %gt3A_293, %scan3A_277, %select_n3A_313 : vector<16xi1>, vector<16xi32>
        %select_n3A_316 = arith.select %gt3A_295, %get3A_290, %scan3A_271 : vector<16xi1>, vector<16xf32>
        %select_n3A_317 = arith.select %gt3A_295, %broadcast_in_dim3A_286, %scan3A_279 : vector<16xi1>, vector<16xi32>
        %select_n3A_318 = arith.select %gt3A_294, %scan3A_270, %select_n3A_316 : vector<16xi1>, vector<16xf32>
        %select_n3A_319 = arith.select %gt3A_294, %scan3A_278, %select_n3A_317 : vector<16xi1>, vector<16xi32>
        %select_n3A_320 = arith.select %gt3A_296, %get3A_290, %scan3A_272 : vector<16xi1>, vector<16xf32>
        %select_n3A_321 = arith.select %gt3A_296, %broadcast_in_dim3A_286, %scan3A_280 : vector<16xi1>, vector<16xi32>
        %select_n3A_322 = arith.select %gt3A_295, %scan3A_271, %select_n3A_320 : vector<16xi1>, vector<16xf32>
        %select_n3A_323 = arith.select %gt3A_295, %scan3A_279, %select_n3A_321 : vector<16xi1>, vector<16xi32>
        %select_n3A_324 = arith.select %gt3A_297, %get3A_290, %scan3A_273 : vector<16xi1>, vector<16xf32>
        %select_n3A_325 = arith.select %gt3A_297, %broadcast_in_dim3A_286, %scan3A_281 : vector<16xi1>, vector<16xi32>
        %select_n3A_326 = arith.select %gt3A_296, %scan3A_272, %select_n3A_324 : vector<16xi1>, vector<16xf32>
        %select_n3A_327 = arith.select %gt3A_296, %scan3A_280, %select_n3A_325 : vector<16xi1>, vector<16xi32>
        %mul3A_328 = arith.constant 4 : i32
        %mul3A_329 = arith.muli %scan3A_265, %mul3A_328 : i32
        %add3A_330 = arith.constant 1 : i32
        %add3A_331 = arith.addi %mul3A_329, %add3A_330 : i32
        %broadcast_in_dim3A_332 = vector.broadcast %add3A_331 : i32 to vector<16xi32>
        %mul3A_333 = arith.constant 16 : i32
        %mul3A_334 = arith.muli %add3A_202, %mul3A_333 : i32
        %get3A_335 = arith.index_cast %add3A_331 : i32 to index
        %get3A_336 = arith.index_cast %mul3A_334 : i32 to index
        %get3A_337 = tpu.vector_load %arg5[%get3A_335, %get3A_336] {strides = array<i32>} : memref<64x512xf32, #tpu.memory_space<vmem>>, vector<16xf32>,
        %gt3A_338 = arith.cmpf ogt, %get3A_337, %select_n3A_298 : vector<16xf32>
        %gt3A_339 = arith.cmpf ogt, %get3A_337, %select_n3A_302 : vector<16xf32>
        %gt3A_340 = arith.cmpf ogt, %get3A_337, %select_n3A_306 : vector<16xf32>
        %gt3A_341 = arith.cmpf ogt, %get3A_337, %select_n3A_310 : vector<16xf32>
        %gt3A_342 = arith.cmpf ogt, %get3A_337, %select_n3A_314 : vector<16xf32>
        %gt3A_343 = arith.cmpf ogt, %get3A_337, %select_n3A_318 : vector<16xf32>
        %gt3A_344 = arith.cmpf ogt, %get3A_337, %select_n3A_322 : vector<16xf32>
        %gt3A_345 = arith.cmpf ogt, %get3A_337, %select_n3A_326 : vector<16xf32>
        %select_n3A_346 = arith.select %gt3A_338, %get3A_337, %select_n3A_298 : vector<16xi1>, vector<16xf32>
        %select_n3A_347 = arith.select %gt3A_338, %broadcast_in_dim3A_332, %select_n3A_299 : vector<16xi1>, vector<16xi32>
        %select_n3A_348 = arith.select %gt3A_339, %get3A_337, %select_n3A_302 : vector<16xi1>, vector<16xf32>
        %select_n3A_349 = arith.select %gt3A_339, %broadcast_in_dim3A_332, %select_n3A_303 : vector<16xi1>, vector<16xi32>
        %select_n3A_350 = arith.select %gt3A_338, %select_n3A_298, %select_n3A_348 : vector<16xi1>, vector<16xf32>
        %select_n3A_351 = arith.select %gt3A_338, %select_n3A_299, %select_n3A_349 : vector<16xi1>, vector<16xi32>
        %select_n3A_352 = arith.select %gt3A_340, %get3A_337, %select_n3A_306 : vector<16xi1>, vector<16xf32>
        %select_n3A_353 = arith.select %gt3A_340, %broadcast_in_dim3A_332, %select_n3A_307 : vector<16xi1>, vector<16xi32>
        %select_n3A_354 = arith.select %gt3A_339, %select_n3A_302, %select_n3A_352 : vector<16xi1>, vector<16xf32>
        %select_n3A_355 = arith.select %gt3A_339, %select_n3A_303, %select_n3A_353 : vector<16xi1>, vector<16xi32>
        %select_n3A_356 = arith.select %gt3A_341, %get3A_337, %select_n3A_310 : vector<16xi1>, vector<16xf32>
        %select_n3A_357 = arith.select %gt3A_341, %broadcast_in_dim3A_332, %select_n3A_311 : vector<16xi1>, vector<16xi32>
        %select_n3A_358 = arith.select %gt3A_340, %select_n3A_306, %select_n3A_356 : vector<16xi1>, vector<16xf32>
        %select_n3A_359 = arith.select %gt3A_340, %select_n3A_307, %select_n3A_357 : vector<16xi1>, vector<16xi32>
        %select_n3A_360 = arith.select %gt3A_342, %get3A_337, %select_n3A_314 : vector<16xi1>, vector<16xf32>
        %select_n3A_361 = arith.select %gt3A_342, %broadcast_in_dim3A_332, %select_n3A_315 : vector<16xi1>, vector<16xi32>
        %select_n3A_362 = arith.select %gt3A_341, %select_n3A_310, %select_n3A_360 : vector<16xi1>, vector<16xf32>
        %select_n3A_363 = arith.select %gt3A_341, %select_n3A_311, %select_n3A_361 : vector<16xi1>, vector<16xi32>
        %select_n3A_364 = arith.select %gt3A_343, %get3A_337, %select_n3A_318 : vector<16xi1>, vector<16xf32>
        %select_n3A_365 = arith.select %gt3A_343, %broadcast_in_dim3A_332, %select_n3A_319 : vector<16xi1>, vector<16xi32>
        %select_n3A_366 = arith.select %gt3A_342, %select_n3A_314, %select_n3A_364 : vector<16xi1>, vector<16xf32>
        %select_n3A_367 = arith.select %gt3A_342, %select_n3A_315, %select_n3A_365 : vector<16xi1>, vector<16xi32>
        %select_n3A_368 = arith.select %gt3A_344, %get3A_337, %select_n3A_322 : vector<16xi1>, vector<16xf32>
        %select_n3A_369 = arith.select %gt3A_344, %broadcast_in_dim3A_332, %select_n3A_323 : vector<16xi1>, vector<16xi32>
        %select_n3A_370 = arith.select %gt3A_343, %select_n3A_318, %select_n3A_368 : vector<16xi1>, vector<16xf32>
        %select_n3A_371 = arith.select %gt3A_343, %select_n3A_319, %select_n3A_369 : vector<16xi1>, vector<16xi32>
        %select_n3A_372 = arith.select %gt3A_345, %get3A_337, %select_n3A_326 : vector<16xi1>, vector<16xf32>
        %select_n3A_373 = arith.select %gt3A_345, %broadcast_in_dim3A_332, %select_n3A_327 : vector<16xi1>, vector<16xi32>
        %select_n3A_374 = arith.select %gt3A_344, %select_n3A_322, %select_n3A_372 : vector<16xi1>, vector<16xf32>
        %select_n3A_375 = arith.select %gt3A_344, %select_n3A_323, %select_n3A_373 : vector<16xi1>, vector<16xi32>
        %mul3A_376 = arith.constant 4 : i32
        %mul3A_377 = arith.muli %scan3A_265, %mul3A_376 : i32
        %add3A_378 = arith.constant 2 : i32
        %add3A_379 = arith.addi %mul3A_377, %add3A_378 : i32
        %broadcast_in_dim3A_380 = vector.broadcast %add3A_379 : i32 to vector<16xi32>
        %mul3A_381 = arith.constant 16 : i32
        %mul3A_382 = arith.muli %add3A_202, %mul3A_381 : i32
        %get3A_383 = arith.index_cast %add3A_379 : i32 to index
        %get3A_384 = arith.index_cast %mul3A_382 : i32 to index
        %get3A_385 = tpu.vector_load %arg5[%get3A_383, %get3A_384] {strides = array<i32>} : memref<64x512xf32, #tpu.memory_space<vmem>>, vector<16xf32>,
        %gt3A_386 = arith.cmpf ogt, %get3A_385, %select_n3A_346 : vector<16xf32>
        %gt3A_387 = arith.cmpf ogt, %get3A_385, %select_n3A_350 : vector<16xf32>
        %gt3A_388 = arith.cmpf ogt, %get3A_385, %select_n3A_354 : vector<16xf32>
        %gt3A_389 = arith.cmpf ogt, %get3A_385, %select_n3A_358 : vector<16xf32>
        %gt3A_390 = arith.cmpf ogt, %get3A_385, %select_n3A_362 : vector<16xf32>
        %gt3A_391 = arith.cmpf ogt, %get3A_385, %select_n3A_366 : vector<16xf32>
        %gt3A_392 = arith.cmpf ogt, %get3A_385, %select_n3A_370 : vector<16xf32>
        %gt3A_393 = arith.cmpf ogt, %get3A_385, %select_n3A_374 : vector<16xf32>
        %select_n3A_394 = arith.select %gt3A_386, %get3A_385, %select_n3A_346 : vector<16xi1>, vector<16xf32>
        %select_n3A_395 = arith.select %gt3A_386, %broadcast_in_dim3A_380, %select_n3A_347 : vector<16xi1>, vector<16xi32>
        %select_n3A_396 = arith.select %gt3A_387, %get3A_385, %select_n3A_350 : vector<16xi1>, vector<16xf32>
        %select_n3A_397 = arith.select %gt3A_387, %broadcast_in_dim3A_380, %select_n3A_351 : vector<16xi1>, vector<16xi32>
        %select_n3A_398 = arith.select %gt3A_386, %select_n3A_346, %select_n3A_396 : vector<16xi1>, vector<16xf32>
        %select_n3A_399 = arith.select %gt3A_386, %select_n3A_347, %select_n3A_397 : vector<16xi1>, vector<16xi32>
        %select_n3A_400 = arith.select %gt3A_388, %get3A_385, %select_n3A_354 : vector<16xi1>, vector<16xf32>
        %select_n3A_401 = arith.select %gt3A_388, %broadcast_in_dim3A_380, %select_n3A_355 : vector<16xi1>, vector<16xi32>
        %select_n3A_402 = arith.select %gt3A_387, %select_n3A_350, %select_n3A_400 : vector<16xi1>, vector<16xf32>
        %select_n3A_403 = arith.select %gt3A_387, %select_n3A_351, %select_n3A_401 : vector<16xi1>, vector<16xi32>
        %select_n3A_404 = arith.select %gt3A_389, %get3A_385, %select_n3A_358 : vector<16xi1>, vector<16xf32>
        %select_n3A_405 = arith.select %gt3A_389, %broadcast_in_dim3A_380, %select_n3A_359 : vector<16xi1>, vector<16xi32>
        %select_n3A_406 = arith.select %gt3A_388, %select_n3A_354, %select_n3A_404 : vector<16xi1>, vector<16xf32>
        %select_n3A_407 = arith.select %gt3A_388, %select_n3A_355, %select_n3A_405 : vector<16xi1>, vector<16xi32>
        %select_n3A_408 = arith.select %gt3A_390, %get3A_385, %select_n3A_362 : vector<16xi1>, vector<16xf32>
        %select_n3A_409 = arith.select %gt3A_390, %broadcast_in_dim3A_380, %select_n3A_363 : vector<16xi1>, vector<16xi32>
        %select_n3A_410 = arith.select %gt3A_389, %select_n3A_358, %select_n3A_408 : vector<16xi1>, vector<16xf32>
        %select_n3A_411 = arith.select %gt3A_389, %select_n3A_359, %select_n3A_409 : vector<16xi1>, vector<16xi32>
        %select_n3A_412 = arith.select %gt3A_391, %get3A_385, %select_n3A_366 : vector<16xi1>, vector<16xf32>
        %select_n3A_413 = arith.select %gt3A_391, %broadcast_in_dim3A_380, %select_n3A_367 : vector<16xi1>, vector<16xi32>
        %select_n3A_414 = arith.select %gt3A_390, %select_n3A_362, %select_n3A_412 : vector<16xi1>, vector<16xf32>
        %select_n3A_415 = arith.select %gt3A_390, %select_n3A_363, %select_n3A_413 : vector<16xi1>, vector<16xi32>
        %select_n3A_416 = arith.select %gt3A_392, %get3A_385, %select_n3A_370 : vector<16xi1>, vector<16xf32>
        %select_n3A_417 = arith.select %gt3A_392, %broadcast_in_dim3A_380, %select_n3A_371 : vector<16xi1>, vector<16xi32>
        %select_n3A_418 = arith.select %gt3A_391, %select_n3A_366, %select_n3A_416 : vector<16xi1>, vector<16xf32>
        %select_n3A_419 = arith.select %gt3A_391, %select_n3A_367, %select_n3A_417 : vector<16xi1>, vector<16xi32>
        %select_n3A_420 = arith.select %gt3A_393, %get3A_385, %select_n3A_374 : vector<16xi1>, vector<16xf32>
        %select_n3A_421 = arith.select %gt3A_393, %broadcast_in_dim3A_380, %select_n3A_375 : vector<16xi1>, vector<16xi32>
        %select_n3A_422 = arith.select %gt3A_392, %select_n3A_370, %select_n3A_420 : vector<16xi1>, vector<16xf32>
        %select_n3A_423 = arith.select %gt3A_392, %select_n3A_371, %select_n3A_421 : vector<16xi1>, vector<16xi32>
        %mul3A_424 = arith.constant 4 : i32
        %mul3A_425 = arith.muli %scan3A_265, %mul3A_424 : i32
        %add3A_426 = arith.constant 3 : i32
        %add3A_427 = arith.addi %mul3A_425, %add3A_426 : i32
        %broadcast_in_dim3A_428 = vector.broadcast %add3A_427 : i32 to vector<16xi32>
        %mul3A_429 = arith.constant 16 : i32
        %mul3A_430 = arith.muli %add3A_202, %mul3A_429 : i32
        %get3A_431 = arith.index_cast %add3A_427 : i32 to index
        %get3A_432 = arith.index_cast %mul3A_430 : i32 to index
        %get3A_433 = tpu.vector_load %arg5[%get3A_431, %get3A_432] {strides = array<i32>} : memref<64x512xf32, #tpu.memory_space<vmem>>, vector<16xf32>,
        %gt3A_434 = arith.cmpf ogt, %get3A_433, %select_n3A_394 : vector<16xf32>
        %gt3A_435 = arith.cmpf ogt, %get3A_433, %select_n3A_398 : vector<16xf32>
        %gt3A_436 = arith.cmpf ogt, %get3A_433, %select_n3A_402 : vector<16xf32>
        %gt3A_437 = arith.cmpf ogt, %get3A_433, %select_n3A_406 : vector<16xf32>
        %gt3A_438 = arith.cmpf ogt, %get3A_433, %select_n3A_410 : vector<16xf32>
        %gt3A_439 = arith.cmpf ogt, %get3A_433, %select_n3A_414 : vector<16xf32>
        %gt3A_440 = arith.cmpf ogt, %get3A_433, %select_n3A_418 : vector<16xf32>
        %gt3A_441 = arith.cmpf ogt, %get3A_433, %select_n3A_422 : vector<16xf32>
        %select_n3A_442 = arith.select %gt3A_434, %get3A_433, %select_n3A_394 : vector<16xi1>, vector<16xf32>
        %select_n3A_443 = arith.select %gt3A_434, %broadcast_in_dim3A_428, %select_n3A_395 : vector<16xi1>, vector<16xi32>
        %select_n3A_444 = arith.select %gt3A_435, %get3A_433, %select_n3A_398 : vector<16xi1>, vector<16xf32>
        %select_n3A_445 = arith.select %gt3A_435, %broadcast_in_dim3A_428, %select_n3A_399 : vector<16xi1>, vector<16xi32>
        %select_n3A_446 = arith.select %gt3A_434, %select_n3A_394, %select_n3A_444 : vector<16xi1>, vector<16xf32>
        %select_n3A_447 = arith.select %gt3A_434, %select_n3A_395, %select_n3A_445 : vector<16xi1>, vector<16xi32>
        %select_n3A_448 = arith.select %gt3A_436, %get3A_433, %select_n3A_402 : vector<16xi1>, vector<16xf32>
        %select_n3A_449 = arith.select %gt3A_436, %broadcast_in_dim3A_428, %select_n3A_403 : vector<16xi1>, vector<16xi32>
        %select_n3A_450 = arith.select %gt3A_435, %select_n3A_398, %select_n3A_448 : vector<16xi1>, vector<16xf32>
        %select_n3A_451 = arith.select %gt3A_435, %select_n3A_399, %select_n3A_449 : vector<16xi1>, vector<16xi32>
        %select_n3A_452 = arith.select %gt3A_437, %get3A_433, %select_n3A_406 : vector<16xi1>, vector<16xf32>
        %select_n3A_453 = arith.select %gt3A_437, %broadcast_in_dim3A_428, %select_n3A_407 : vector<16xi1>, vector<16xi32>
        %select_n3A_454 = arith.select %gt3A_436, %select_n3A_402, %select_n3A_452 : vector<16xi1>, vector<16xf32>
        %select_n3A_455 = arith.select %gt3A_436, %select_n3A_403, %select_n3A_453 : vector<16xi1>, vector<16xi32>
        %select_n3A_456 = arith.select %gt3A_438, %get3A_433, %select_n3A_410 : vector<16xi1>, vector<16xf32>
        %select_n3A_457 = arith.select %gt3A_438, %broadcast_in_dim3A_428, %select_n3A_411 : vector<16xi1>, vector<16xi32>
        %select_n3A_458 = arith.select %gt3A_437, %select_n3A_406, %select_n3A_456 : vector<16xi1>, vector<16xf32>
        %select_n3A_459 = arith.select %gt3A_437, %select_n3A_407, %select_n3A_457 : vector<16xi1>, vector<16xi32>
        %select_n3A_460 = arith.select %gt3A_439, %get3A_433, %select_n3A_414 : vector<16xi1>, vector<16xf32>
        %select_n3A_461 = arith.select %gt3A_439, %broadcast_in_dim3A_428, %select_n3A_415 : vector<16xi1>, vector<16xi32>
        %select_n3A_462 = arith.select %gt3A_438, %select_n3A_410, %select_n3A_460 : vector<16xi1>, vector<16xf32>
        %select_n3A_463 = arith.select %gt3A_438, %select_n3A_411, %select_n3A_461 : vector<16xi1>, vector<16xi32>
        %select_n3A_464 = arith.select %gt3A_440, %get3A_433, %select_n3A_418 : vector<16xi1>, vector<16xf32>
        %select_n3A_465 = arith.select %gt3A_440, %broadcast_in_dim3A_428, %select_n3A_419 : vector<16xi1>, vector<16xi32>
        %select_n3A_466 = arith.select %gt3A_439, %select_n3A_414, %select_n3A_464 : vector<16xi1>, vector<16xf32>
        %select_n3A_467 = arith.select %gt3A_439, %select_n3A_415, %select_n3A_465 : vector<16xi1>, vector<16xi32>
        %select_n3A_468 = arith.select %gt3A_441, %get3A_433, %select_n3A_422 : vector<16xi1>, vector<16xf32>
        %select_n3A_469 = arith.select %gt3A_441, %broadcast_in_dim3A_428, %select_n3A_423 : vector<16xi1>, vector<16xi32>
        %select_n3A_470 = arith.select %gt3A_440, %select_n3A_418, %select_n3A_468 : vector<16xi1>, vector<16xf32>
        %select_n3A_471 = arith.select %gt3A_440, %select_n3A_419, %select_n3A_469 : vector<16xi1>, vector<16xi32>
        scf.yield %select_n3A_442, %select_n3A_446, %select_n3A_450, %select_n3A_454, %select_n3A_458, %select_n3A_462, %select_n3A_466, %select_n3A_470, %select_n3A_443, %select_n3A_447, %select_n3A_451, %select_n3A_455, %select_n3A_459, %select_n3A_463, %select_n3A_467, %select_n3A_471 : vector<16xf32>, vector<16xf32>, vector<16xf32>, vector<16xf32>, vector<16xf32>, vector<16xf32>, vector<16xf32>, vector<16xf32>, vector<16xi32>, vector<16xi32>, vector<16xi32>, vector<16xi32>, vector<16xi32>, vector<16xi32>, vector<16xi32>, vector<16xi32>
      }
      %scan3A_215 = arith.constant 16 : i32
      %sub3A_216 = arith.subf %scan3A_214#0, %scan3A_214#0 : vector<16xf32>
      %exp3A = math.exp %sub3A_216 : vector<16xf32>
      %sub3A_217 = arith.subf %scan3A_214#1, %scan3A_214#0 : vector<16xf32>
      %exp3A_218 = math.exp %sub3A_217 : vector<16xf32>
      %sub3A_219 = arith.subf %scan3A_214#2, %scan3A_214#0 : vector<16xf32>
      %exp3A_220 = math.exp %sub3A_219 : vector<16xf32>
      %sub3A_221 = arith.subf %scan3A_214#3, %scan3A_214#0 : vector<16xf32>
      %exp3A_222 = math.exp %sub3A_221 : vector<16xf32>
      %sub3A_223 = arith.subf %scan3A_214#4, %scan3A_214#0 : vector<16xf32>
      %exp3A_224 = math.exp %sub3A_223 : vector<16xf32>
      %sub3A_225 = arith.subf %scan3A_214#5, %scan3A_214#0 : vector<16xf32>
      %exp3A_226 = math.exp %sub3A_225 : vector<16xf32>
      %sub3A_227 = arith.subf %scan3A_214#6, %scan3A_214#0 : vector<16xf32>
      %exp3A_228 = math.exp %sub3A_227 : vector<16xf32>
      %sub3A_229 = arith.subf %scan3A_214#7, %scan3A_214#0 : vector<16xf32>
      %exp3A_230 = math.exp %sub3A_229 : vector<16xf32>
      %add3A_231 = arith.addf %exp3A, %exp3A_218 : vector<16xf32>
      %add3A_232 = arith.addf %add3A_231, %exp3A_220 : vector<16xf32>
      %add3A_233 = arith.addf %add3A_232, %exp3A_222 : vector<16xf32>
      %add3A_234 = arith.addf %add3A_233, %exp3A_224 : vector<16xf32>
      %add3A_235 = arith.addf %add3A_234, %exp3A_226 : vector<16xf32>
      %add3A_236 = arith.addf %add3A_235, %exp3A_228 : vector<16xf32>
      %add3A_237 = arith.addf %add3A_236, %exp3A_230 : vector<16xf32>
      %div3A_238 = arith.constant 1.000000e+00 : f32
      %div3A_239 = vector.broadcast %div3A_238 : f32 to vector<16xf32>
      %div3A_240 = arith.divf %div3A_239, %add3A_237 : vector<16xf32>
      %broadcast_in_dim3A_241 = arith.constant 0 : i32
      %broadcast_in_dim3A_242 = vector.broadcast %broadcast_in_dim3A_241 : i32 to vector<16xi32>
      tpu.vector_store_idx %arg8[%add3A_206, %broadcast_in_dim3A_242], %scan3A_214#8 : memref<128x8xi32, #tpu.memory_space<vmem>>[vector<16xi32>, vector<16xi32>], vector<16xi32>,
      %mul3A_243 = arith.mulf %exp3A, %div3A_240 : vector<16xf32>
      tpu.vector_store_idx %arg9[%add3A_206, %broadcast_in_dim3A_242], %mul3A_243 : memref<128x8xf32, #tpu.memory_space<vmem>>[vector<16xi32>, vector<16xi32>], vector<16xf32>,
      %broadcast_in_dim3A_244 = arith.constant 1 : i32
      %broadcast_in_dim3A_245 = vector.broadcast %broadcast_in_dim3A_244 : i32 to vector<16xi32>
      tpu.vector_store_idx %arg8[%add3A_206, %broadcast_in_dim3A_245], %scan3A_214#9 : memref<128x8xi32, #tpu.memory_space<vmem>>[vector<16xi32>, vector<16xi32>], vector<16xi32>,
      %mul3A_246 = arith.mulf %exp3A_218, %div3A_240 : vector<16xf32>
      tpu.vector_store_idx %arg9[%add3A_206, %broadcast_in_dim3A_245], %mul3A_246 : memref<128x8xf32, #tpu.memory_space<vmem>>[vector<16xi32>, vector<16xi32>], vector<16xf32>,
      %broadcast_in_dim3A_247 = arith.constant 2 : i32
      %broadcast_in_dim3A_248 = vector.broadcast %broadcast_in_dim3A_247 : i32 to vector<16xi32>
      tpu.vector_store_idx %arg8[%add3A_206, %broadcast_in_dim3A_248], %scan3A_214#10 : memref<128x8xi32, #tpu.memory_space<vmem>>[vector<16xi32>, vector<16xi32>], vector<16xi32>,
      %mul3A_249 = arith.mulf %exp3A_220, %div3A_240 : vector<16xf32>
      tpu.vector_store_idx %arg9[%add3A_206, %broadcast_in_dim3A_248], %mul3A_249 : memref<128x8xf32, #tpu.memory_space<vmem>>[vector<16xi32>, vector<16xi32>], vector<16xf32>,
      %broadcast_in_dim3A_250 = arith.constant 3 : i32
      %broadcast_in_dim3A_251 = vector.broadcast %broadcast_in_dim3A_250 : i32 to vector<16xi32>
      tpu.vector_store_idx %arg8[%add3A_206, %broadcast_in_dim3A_251], %scan3A_214#11 : memref<128x8xi32, #tpu.memory_space<vmem>>[vector<16xi32>, vector<16xi32>], vector<16xi32>,
      %mul3A_252 = arith.mulf %exp3A_222, %div3A_240 : vector<16xf32>
      tpu.vector_store_idx %arg9[%add3A_206, %broadcast_in_dim3A_251], %mul3A_252 : memref<128x8xf32, #tpu.memory_space<vmem>>[vector<16xi32>, vector<16xi32>], vector<16xf32>,
      %broadcast_in_dim3A_253 = arith.constant 4 : i32
      %broadcast_in_dim3A_254 = vector.broadcast %broadcast_in_dim3A_253 : i32 to vector<16xi32>
      tpu.vector_store_idx %arg8[%add3A_206, %broadcast_in_dim3A_254], %scan3A_214#12 : memref<128x8xi32, #tpu.memory_space<vmem>>[vector<16xi32>, vector<16xi32>], vector<16xi32>,
      %mul3A_255 = arith.mulf %exp3A_224, %div3A_240 : vector<16xf32>
      tpu.vector_store_idx %arg9[%add3A_206, %broadcast_in_dim3A_254], %mul3A_255 : memref<128x8xf32, #tpu.memory_space<vmem>>[vector<16xi32>, vector<16xi32>], vector<16xf32>,
      %broadcast_in_dim3A_256 = arith.constant 5 : i32
      %broadcast_in_dim3A_257 = vector.broadcast %broadcast_in_dim3A_256 : i32 to vector<16xi32>
      tpu.vector_store_idx %arg8[%add3A_206, %broadcast_in_dim3A_257], %scan3A_214#13 : memref<128x8xi32, #tpu.memory_space<vmem>>[vector<16xi32>, vector<16xi32>], vector<16xi32>,
      %mul3A_258 = arith.mulf %exp3A_226, %div3A_240 : vector<16xf32>
      tpu.vector_store_idx %arg9[%add3A_206, %broadcast_in_dim3A_257], %mul3A_258 : memref<128x8xf32, #tpu.memory_space<vmem>>[vector<16xi32>, vector<16xi32>], vector<16xf32>,
      %broadcast_in_dim3A_259 = arith.constant 6 : i32
      %broadcast_in_dim3A_260 = vector.broadcast %broadcast_in_dim3A_259 : i32 to vector<16xi32>
      tpu.vector_store_idx %arg8[%add3A_206, %broadcast_in_dim3A_260], %scan3A_214#14 : memref<128x8xi32, #tpu.memory_space<vmem>>[vector<16xi32>, vector<16xi32>], vector<16xi32>,
      %mul3A_261 = arith.mulf %exp3A_228, %div3A_240 : vector<16xf32>
      tpu.vector_store_idx %arg9[%add3A_206, %broadcast_in_dim3A_260], %mul3A_261 : memref<128x8xf32, #tpu.memory_space<vmem>>[vector<16xi32>, vector<16xi32>], vector<16xf32>,
      %broadcast_in_dim3A_262 = arith.constant 7 : i32
      %broadcast_in_dim3A_263 = vector.broadcast %broadcast_in_dim3A_262 : i32 to vector<16xi32>
      tpu.vector_store_idx %arg8[%add3A_206, %broadcast_in_dim3A_263], %scan3A_214#15 : memref<128x8xi32, #tpu.memory_space<vmem>>[vector<16xi32>, vector<16xi32>], vector<16xi32>,
      %mul3A_264 = arith.mulf %exp3A_230, %div3A_240 : vector<16xf32>
      tpu.vector_store_idx %arg9[%add3A_206, %broadcast_in_dim3A_263], %mul3A_264 : memref<128x8xf32, #tpu.memory_space<vmem>>[vector<16xi32>, vector<16xi32>], vector<16xf32>,
    }
    %scan3A_87 = arith.constant 8 : i32
    %add3A_88 = arith.constant 128 : i32
    %add3A_89 = arith.addi %select_n3A_32, %add3A_88 : i32
    %dma_start3A_90 = arith.constant 0 : i32
    %dma_start3A_91 = tpu.memref_slice %arg3[%select_n3A, %add3A_89, %dma_start3A_90] : memref<4x4096x8xi32, #tpu.memory_space<hbm>> -> memref<1x128x8xi32, #tpu.memory_space<hbm>>
    %dma_start3A_92 = tpu.memref_squeeze %dma_start3A_91 : memref<1x128x8xi32, #tpu.memory_space<hbm>> -> memref<128x8xi32, #tpu.memory_space<hbm>>
    %dma_start3A_93 = arith.constant 0 : i32
    %dma_start3A_94 = tpu.memref_slice %arg3[%select_n3A, %add3A_89, %dma_start3A_93] : memref<4x4096x8xi32, #tpu.memory_space<hbm>> -> memref<1x128x8xi32, #tpu.memory_space<hbm>>
    %dma_start3A_95 = tpu.memref_squeeze %dma_start3A_94 : memref<1x128x8xi32, #tpu.memory_space<hbm>> -> memref<128x8xi32, #tpu.memory_space<hbm>>
    tpu.enqueue_dma source(%arg8 : memref<128x8xi32, #tpu.memory_space<vmem>>) target(%dma_start3A_95 : memref<128x8xi32, #tpu.memory_space<hbm>>) target_semaphore(%arg11 : memref<!tpu.dma_semaphore, #tpu.memory_space<semaphore_mem>>)
    %dma_start3A_96 = arith.constant 0 : i32
    %dma_start3A_97 = tpu.memref_slice %arg4[%select_n3A, %add3A_89, %dma_start3A_96] : memref<4x4096x8xf32, #tpu.memory_space<hbm>> -> memref<1x128x8xf32, #tpu.memory_space<hbm>>
    %dma_start3A_98 = tpu.memref_squeeze %dma_start3A_97 : memref<1x128x8xf32, #tpu.memory_space<hbm>> -> memref<128x8xf32, #tpu.memory_space<hbm>>
    %dma_start3A_99 = arith.constant 0 : i32
    %dma_start3A_100 = tpu.memref_slice %arg4[%select_n3A, %add3A_89, %dma_start3A_99] : memref<4x4096x8xf32, #tpu.memory_space<hbm>> -> memref<1x128x8xf32, #tpu.memory_space<hbm>>
    %dma_start3A_101 = tpu.memref_squeeze %dma_start3A_100 : memref<1x128x8xf32, #tpu.memory_space<hbm>> -> memref<128x8xf32, #tpu.memory_space<hbm>>
    tpu.enqueue_dma source(%arg9 : memref<128x8xf32, #tpu.memory_space<vmem>>) target(%dma_start3A_101 : memref<128x8xf32, #tpu.memory_space<hbm>>) target_semaphore(%arg11 : memref<!tpu.dma_semaphore, #tpu.memory_space<semaphore_mem>>)
    %dma_wait3A_102 = arith.constant 0 : i32
    %dma_wait3A_103 = arith.constant 256 : i32
    %dma_wait3A_104 = tpu.memref_slice %arg5[%dma_wait3A_102, %dma_wait3A_103] : memref<64x512xf32, #tpu.memory_space<vmem>> -> memref<64x256xf32, #tpu.memory_space<vmem>>
    %dma_wait3A_105 = arith.constant 0 : i32
    %dma_wait3A_106 = tpu.memref_slice %arg2[%dma_wait3A_105, %add3A_43] : memref<64x16384xf32, #tpu.memory_space<hbm>> -> memref<64x256xf32, #tpu.memory_space<hbm>>
    %dma_wait3A_107 = arith.constant 0 : i32
    %dma_wait3A_108 = arith.constant 256 : i32
    %dma_wait3A_109 = tpu.memref_slice %arg5[%dma_wait3A_107, %dma_wait3A_108] : memref<64x512xf32, #tpu.memory_space<vmem>> -> memref<64x256xf32, #tpu.memory_space<vmem>>
    %dma_wait3A_110 = arith.constant 0 : i32
    %dma_wait3A_111 = tpu.memref_slice %arg2[%dma_wait3A_110, %add3A_43] : memref<64x16384xf32, #tpu.memory_space<hbm>> -> memref<64x256xf32, #tpu.memory_space<hbm>>
    tpu.wait_dma2 semaphore(%arg12 : memref<!tpu.dma_semaphore, #tpu.memory_space<semaphore_mem>>) src(%dma_wait3A_111 : memref<64x256xf32, #tpu.memory_space<hbm>>) dst(%dma_wait3A_109 : memref<64x256xf32, #tpu.memory_space<vmem>>)
    %dma_wait3A_112 = arith.constant 0 : i32
    %dma_wait3A_113 = tpu.memref_slice %arg3[%select_n3A, %add3A_69, %dma_wait3A_112] : memref<4x4096x8xi32, #tpu.memory_space<hbm>> -> memref<1x128x8xi32, #tpu.memory_space<hbm>>
    %dma_wait3A_114 = tpu.memref_squeeze %dma_wait3A_113 : memref<1x128x8xi32, #tpu.memory_space<hbm>> -> memref<128x8xi32, #tpu.memory_space<hbm>>
    %dma_wait3A_115 = arith.constant 0 : i32
    %dma_wait3A_116 = tpu.memref_slice %arg3[%select_n3A, %add3A_69, %dma_wait3A_115] : memref<4x4096x8xi32, #tpu.memory_space<hbm>> -> memref<1x128x8xi32, #tpu.memory_space<hbm>>
    %dma_wait3A_117 = tpu.memref_squeeze %dma_wait3A_116 : memref<1x128x8xi32, #tpu.memory_space<hbm>> -> memref<128x8xi32, #tpu.memory_space<hbm>>
    tpu.wait_dma2 semaphore(%arg10 : memref<!tpu.dma_semaphore, #tpu.memory_space<semaphore_mem>>) src(%arg6 : memref<128x8xi32, #tpu.memory_space<vmem>>) dst(%dma_wait3A_117 : memref<128x8xi32, #tpu.memory_space<hbm>>)
    %dma_wait3A_118 = arith.constant 0 : i32
    %dma_wait3A_119 = tpu.memref_slice %arg4[%select_n3A, %add3A_69, %dma_wait3A_118] : memref<4x4096x8xf32, #tpu.memory_space<hbm>> -> memref<1x128x8xf32, #tpu.memory_space<hbm>>
    %dma_wait3A_120 = tpu.memref_squeeze %dma_wait3A_119 : memref<1x128x8xf32, #tpu.memory_space<hbm>> -> memref<128x8xf32, #tpu.memory_space<hbm>>
    %dma_wait3A_121 = arith.constant 0 : i32
    %dma_wait3A_122 = tpu.memref_slice %arg4[%select_n3A, %add3A_69, %dma_wait3A_121] : memref<4x4096x8xf32, #tpu.memory_space<hbm>> -> memref<1x128x8xf32, #tpu.memory_space<hbm>>
    %dma_wait3A_123 = tpu.memref_squeeze %dma_wait3A_122 : memref<1x128x8xf32, #tpu.memory_space<hbm>> -> memref<128x8xf32, #tpu.memory_space<hbm>>
    tpu.wait_dma2 semaphore(%arg10 : memref<!tpu.dma_semaphore, #tpu.memory_space<semaphore_mem>>) src(%arg7 : memref<128x8xf32, #tpu.memory_space<vmem>>) dst(%dma_wait3A_123 : memref<128x8xf32, #tpu.memory_space<hbm>>)
    %scan3A_124 = arith.constant 0 : i32
    %scan3A_125 = arith.constant 0 : i32
    %scan3A_126 = arith.constant 8 : i32
    %scan3A_127 = arith.addi %scan3A_125, %scan3A_126 : i32
    %scan3A_128 = arith.constant 1 : i32
    scf.for %scan3A_200 = %scan3A_125 to %scan3A_127 step %scan3A_128  : i32 {
      %add3A_201 = arith.constant 16 : i32
      %add3A_202 = arith.addi %add3A_201, %scan3A_200 : i32
      %mul3A_203 = arith.constant 16 : i32
      %mul3A_204 = arith.muli %scan3A_200, %mul3A_203 : i32
      %add3A_205 = vector.broadcast %mul3A_204 : i32 to vector<16xi32>
      %add3A_206 = arith.addi %add3A_205, %iota3A : vector<16xi32>
      %broadcast_in_dim3A = arith.constant 0xFF800000 : f32
      %broadcast_in_dim3A_207 = vector.broadcast %broadcast_in_dim3A : f32 to vector<16xf32>
      %broadcast_in_dim3A_208 = arith.constant 0 : i32
      %broadcast_in_dim3A_209 = vector.broadcast %broadcast_in_dim3A_208 : i32 to vector<16xi32>
      %scan3A_210 = arith.constant 0 : i32
      %scan3A_211 = arith.constant 16 : i32
      %scan3A_212 = arith.addi %scan3A_210, %scan3A_211 : i32
      %scan3A_213 = arith.constant 1 : i32
      %scan3A_214:16 = scf.for %scan3A_265 = %scan3A_210 to %scan3A_212 step %scan3A_213 iter_args(%scan3A_266 = %broadcast_in_dim3A_207, %scan3A_267 = %broadcast_in_dim3A_207, %scan3A_268 = %broadcast_in_dim3A_207, %scan3A_269 = %broadcast_in_dim3A_207, %scan3A_270 = %broadcast_in_dim3A_207, %scan3A_271 = %broadcast_in_dim3A_207, %scan3A_272 = %broadcast_in_dim3A_207, %scan3A_273 = %broadcast_in_dim3A_207, %scan3A_274 = %broadcast_in_dim3A_209, %scan3A_275 = %broadcast_in_dim3A_209, %scan3A_276 = %broadcast_in_dim3A_209, %scan3A_277 = %broadcast_in_dim3A_209, %scan3A_278 = %broadcast_in_dim3A_209, %scan3A_279 = %broadcast_in_dim3A_209, %scan3A_280 = %broadcast_in_dim3A_209, %scan3A_281 = %broadcast_in_dim3A_209) -> (vector<16xf32>, vector<16xf32>, vector<16xf32>, vector<16xf32>, vector<16xf32>, vector<16xf32>, vector<16xf32>, vector<16xf32>, vector<16xi32>, vector<16xi32>, vector<16xi32>, vector<16xi32>, vector<16xi32>, vector<16xi32>, vector<16xi32>, vector<16xi32>)  : i32 {
        %mul3A_282 = arith.constant 4 : i32
        %mul3A_283 = arith.muli %scan3A_265, %mul3A_282 : i32
        %add3A_284 = arith.constant 0 : i32
        %add3A_285 = arith.addi %mul3A_283, %add3A_284 : i32
        %broadcast_in_dim3A_286 = vector.broadcast %add3A_285 : i32 to vector<16xi32>
        %mul3A_287 = arith.constant 16 : i32
        %mul3A_288 = arith.muli %add3A_202, %mul3A_287 : i32
        %get3A = arith.index_cast %add3A_285 : i32 to index
        %get3A_289 = arith.index_cast %mul3A_288 : i32 to index
        %get3A_290 = tpu.vector_load %arg5[%get3A, %get3A_289] {strides = array<i32>} : memref<64x512xf32, #tpu.memory_space<vmem>>, vector<16xf32>,
        %gt3A = arith.cmpf ogt, %get3A_290, %scan3A_266 : vector<16xf32>
        %gt3A_291 = arith.cmpf ogt, %get3A_290, %scan3A_267 : vector<16xf32>
        %gt3A_292 = arith.cmpf ogt, %get3A_290, %scan3A_268 : vector<16xf32>
        %gt3A_293 = arith.cmpf ogt, %get3A_290, %scan3A_269 : vector<16xf32>
        %gt3A_294 = arith.cmpf ogt, %get3A_290, %scan3A_270 : vector<16xf32>
        %gt3A_295 = arith.cmpf ogt, %get3A_290, %scan3A_271 : vector<16xf32>
        %gt3A_296 = arith.cmpf ogt, %get3A_290, %scan3A_272 : vector<16xf32>
        %gt3A_297 = arith.cmpf ogt, %get3A_290, %scan3A_273 : vector<16xf32>
        %select_n3A_298 = arith.select %gt3A, %get3A_290, %scan3A_266 : vector<16xi1>, vector<16xf32>
        %select_n3A_299 = arith.select %gt3A, %broadcast_in_dim3A_286, %scan3A_274 : vector<16xi1>, vector<16xi32>
        %select_n3A_300 = arith.select %gt3A_291, %get3A_290, %scan3A_267 : vector<16xi1>, vector<16xf32>
        %select_n3A_301 = arith.select %gt3A_291, %broadcast_in_dim3A_286, %scan3A_275 : vector<16xi1>, vector<16xi32>
        %select_n3A_302 = arith.select %gt3A, %scan3A_266, %select_n3A_300 : vector<16xi1>, vector<16xf32>
        %select_n3A_303 = arith.select %gt3A, %scan3A_274, %select_n3A_301 : vector<16xi1>, vector<16xi32>
        %select_n3A_304 = arith.select %gt3A_292, %get3A_290, %scan3A_268 : vector<16xi1>, vector<16xf32>
        %select_n3A_305 = arith.select %gt3A_292, %broadcast_in_dim3A_286, %scan3A_276 : vector<16xi1>, vector<16xi32>
        %select_n3A_306 = arith.select %gt3A_291, %scan3A_267, %select_n3A_304 : vector<16xi1>, vector<16xf32>
        %select_n3A_307 = arith.select %gt3A_291, %scan3A_275, %select_n3A_305 : vector<16xi1>, vector<16xi32>
        %select_n3A_308 = arith.select %gt3A_293, %get3A_290, %scan3A_269 : vector<16xi1>, vector<16xf32>
        %select_n3A_309 = arith.select %gt3A_293, %broadcast_in_dim3A_286, %scan3A_277 : vector<16xi1>, vector<16xi32>
        %select_n3A_310 = arith.select %gt3A_292, %scan3A_268, %select_n3A_308 : vector<16xi1>, vector<16xf32>
        %select_n3A_311 = arith.select %gt3A_292, %scan3A_276, %select_n3A_309 : vector<16xi1>, vector<16xi32>
        %select_n3A_312 = arith.select %gt3A_294, %get3A_290, %scan3A_270 : vector<16xi1>, vector<16xf32>
        %select_n3A_313 = arith.select %gt3A_294, %broadcast_in_dim3A_286, %scan3A_278 : vector<16xi1>, vector<16xi32>
        %select_n3A_314 = arith.select %gt3A_293, %scan3A_269, %select_n3A_312 : vector<16xi1>, vector<16xf32>
        %select_n3A_315 = arith.select %gt3A_293, %scan3A_277, %select_n3A_313 : vector<16xi1>, vector<16xi32>
        %select_n3A_316 = arith.select %gt3A_295, %get3A_290, %scan3A_271 : vector<16xi1>, vector<16xf32>
        %select_n3A_317 = arith.select %gt3A_295, %broadcast_in_dim3A_286, %scan3A_279 : vector<16xi1>, vector<16xi32>
        %select_n3A_318 = arith.select %gt3A_294, %scan3A_270, %select_n3A_316 : vector<16xi1>, vector<16xf32>
        %select_n3A_319 = arith.select %gt3A_294, %scan3A_278, %select_n3A_317 : vector<16xi1>, vector<16xi32>
        %select_n3A_320 = arith.select %gt3A_296, %get3A_290, %scan3A_272 : vector<16xi1>, vector<16xf32>
        %select_n3A_321 = arith.select %gt3A_296, %broadcast_in_dim3A_286, %scan3A_280 : vector<16xi1>, vector<16xi32>
        %select_n3A_322 = arith.select %gt3A_295, %scan3A_271, %select_n3A_320 : vector<16xi1>, vector<16xf32>
        %select_n3A_323 = arith.select %gt3A_295, %scan3A_279, %select_n3A_321 : vector<16xi1>, vector<16xi32>
        %select_n3A_324 = arith.select %gt3A_297, %get3A_290, %scan3A_273 : vector<16xi1>, vector<16xf32>
        %select_n3A_325 = arith.select %gt3A_297, %broadcast_in_dim3A_286, %scan3A_281 : vector<16xi1>, vector<16xi32>
        %select_n3A_326 = arith.select %gt3A_296, %scan3A_272, %select_n3A_324 : vector<16xi1>, vector<16xf32>
        %select_n3A_327 = arith.select %gt3A_296, %scan3A_280, %select_n3A_325 : vector<16xi1>, vector<16xi32>
        %mul3A_328 = arith.constant 4 : i32
        %mul3A_329 = arith.muli %scan3A_265, %mul3A_328 : i32
        %add3A_330 = arith.constant 1 : i32
        %add3A_331 = arith.addi %mul3A_329, %add3A_330 : i32
        %broadcast_in_dim3A_332 = vector.broadcast %add3A_331 : i32 to vector<16xi32>
        %mul3A_333 = arith.constant 16 : i32
        %mul3A_334 = arith.muli %add3A_202, %mul3A_333 : i32
        %get3A_335 = arith.index_cast %add3A_331 : i32 to index
        %get3A_336 = arith.index_cast %mul3A_334 : i32 to index
        %get3A_337 = tpu.vector_load %arg5[%get3A_335, %get3A_336] {strides = array<i32>} : memref<64x512xf32, #tpu.memory_space<vmem>>, vector<16xf32>,
        %gt3A_338 = arith.cmpf ogt, %get3A_337, %select_n3A_298 : vector<16xf32>
        %gt3A_339 = arith.cmpf ogt, %get3A_337, %select_n3A_302 : vector<16xf32>
        %gt3A_340 = arith.cmpf ogt, %get3A_337, %select_n3A_306 : vector<16xf32>
        %gt3A_341 = arith.cmpf ogt, %get3A_337, %select_n3A_310 : vector<16xf32>
        %gt3A_342 = arith.cmpf ogt, %get3A_337, %select_n3A_314 : vector<16xf32>
        %gt3A_343 = arith.cmpf ogt, %get3A_337, %select_n3A_318 : vector<16xf32>
        %gt3A_344 = arith.cmpf ogt, %get3A_337, %select_n3A_322 : vector<16xf32>
        %gt3A_345 = arith.cmpf ogt, %get3A_337, %select_n3A_326 : vector<16xf32>
        %select_n3A_346 = arith.select %gt3A_338, %get3A_337, %select_n3A_298 : vector<16xi1>, vector<16xf32>
        %select_n3A_347 = arith.select %gt3A_338, %broadcast_in_dim3A_332, %select_n3A_299 : vector<16xi1>, vector<16xi32>
        %select_n3A_348 = arith.select %gt3A_339, %get3A_337, %select_n3A_302 : vector<16xi1>, vector<16xf32>
        %select_n3A_349 = arith.select %gt3A_339, %broadcast_in_dim3A_332, %select_n3A_303 : vector<16xi1>, vector<16xi32>
        %select_n3A_350 = arith.select %gt3A_338, %select_n3A_298, %select_n3A_348 : vector<16xi1>, vector<16xf32>
        %select_n3A_351 = arith.select %gt3A_338, %select_n3A_299, %select_n3A_349 : vector<16xi1>, vector<16xi32>
        %select_n3A_352 = arith.select %gt3A_340, %get3A_337, %select_n3A_306 : vector<16xi1>, vector<16xf32>
        %select_n3A_353 = arith.select %gt3A_340, %broadcast_in_dim3A_332, %select_n3A_307 : vector<16xi1>, vector<16xi32>
        %select_n3A_354 = arith.select %gt3A_339, %select_n3A_302, %select_n3A_352 : vector<16xi1>, vector<16xf32>
        %select_n3A_355 = arith.select %gt3A_339, %select_n3A_303, %select_n3A_353 : vector<16xi1>, vector<16xi32>
        %select_n3A_356 = arith.select %gt3A_341, %get3A_337, %select_n3A_310 : vector<16xi1>, vector<16xf32>
        %select_n3A_357 = arith.select %gt3A_341, %broadcast_in_dim3A_332, %select_n3A_311 : vector<16xi1>, vector<16xi32>
        %select_n3A_358 = arith.select %gt3A_340, %select_n3A_306, %select_n3A_356 : vector<16xi1>, vector<16xf32>
        %select_n3A_359 = arith.select %gt3A_340, %select_n3A_307, %select_n3A_357 : vector<16xi1>, vector<16xi32>
        %select_n3A_360 = arith.select %gt3A_342, %get3A_337, %select_n3A_314 : vector<16xi1>, vector<16xf32>
        %select_n3A_361 = arith.select %gt3A_342, %broadcast_in_dim3A_332, %select_n3A_315 : vector<16xi1>, vector<16xi32>
        %select_n3A_362 = arith.select %gt3A_341, %select_n3A_310, %select_n3A_360 : vector<16xi1>, vector<16xf32>
        %select_n3A_363 = arith.select %gt3A_341, %select_n3A_311, %select_n3A_361 : vector<16xi1>, vector<16xi32>
        %select_n3A_364 = arith.select %gt3A_343, %get3A_337, %select_n3A_318 : vector<16xi1>, vector<16xf32>
        %select_n3A_365 = arith.select %gt3A_343, %broadcast_in_dim3A_332, %select_n3A_319 : vector<16xi1>, vector<16xi32>
        %select_n3A_366 = arith.select %gt3A_342, %select_n3A_314, %select_n3A_364 : vector<16xi1>, vector<16xf32>
        %select_n3A_367 = arith.select %gt3A_342, %select_n3A_315, %select_n3A_365 : vector<16xi1>, vector<16xi32>
        %select_n3A_368 = arith.select %gt3A_344, %get3A_337, %select_n3A_322 : vector<16xi1>, vector<16xf32>
        %select_n3A_369 = arith.select %gt3A_344, %broadcast_in_dim3A_332, %select_n3A_323 : vector<16xi1>, vector<16xi32>
        %select_n3A_370 = arith.select %gt3A_343, %select_n3A_318, %select_n3A_368 : vector<16xi1>, vector<16xf32>
        %select_n3A_371 = arith.select %gt3A_343, %select_n3A_319, %select_n3A_369 : vector<16xi1>, vector<16xi32>
        %select_n3A_372 = arith.select %gt3A_345, %get3A_337, %select_n3A_326 : vector<16xi1>, vector<16xf32>
        %select_n3A_373 = arith.select %gt3A_345, %broadcast_in_dim3A_332, %select_n3A_327 : vector<16xi1>, vector<16xi32>
        %select_n3A_374 = arith.select %gt3A_344, %select_n3A_322, %select_n3A_372 : vector<16xi1>, vector<16xf32>
        %select_n3A_375 = arith.select %gt3A_344, %select_n3A_323, %select_n3A_373 : vector<16xi1>, vector<16xi32>
        %mul3A_376 = arith.constant 4 : i32
        %mul3A_377 = arith.muli %scan3A_265, %mul3A_376 : i32
        %add3A_378 = arith.constant 2 : i32
        %add3A_379 = arith.addi %mul3A_377, %add3A_378 : i32
        %broadcast_in_dim3A_380 = vector.broadcast %add3A_379 : i32 to vector<16xi32>
        %mul3A_381 = arith.constant 16 : i32
        %mul3A_382 = arith.muli %add3A_202, %mul3A_381 : i32
        %get3A_383 = arith.index_cast %add3A_379 : i32 to index
        %get3A_384 = arith.index_cast %mul3A_382 : i32 to index
        %get3A_385 = tpu.vector_load %arg5[%get3A_383, %get3A_384] {strides = array<i32>} : memref<64x512xf32, #tpu.memory_space<vmem>>, vector<16xf32>,
        %gt3A_386 = arith.cmpf ogt, %get3A_385, %select_n3A_346 : vector<16xf32>
        %gt3A_387 = arith.cmpf ogt, %get3A_385, %select_n3A_350 : vector<16xf32>
        %gt3A_388 = arith.cmpf ogt, %get3A_385, %select_n3A_354 : vector<16xf32>
        %gt3A_389 = arith.cmpf ogt, %get3A_385, %select_n3A_358 : vector<16xf32>
        %gt3A_390 = arith.cmpf ogt, %get3A_385, %select_n3A_362 : vector<16xf32>
        %gt3A_391 = arith.cmpf ogt, %get3A_385, %select_n3A_366 : vector<16xf32>
        %gt3A_392 = arith.cmpf ogt, %get3A_385, %select_n3A_370 : vector<16xf32>
        %gt3A_393 = arith.cmpf ogt, %get3A_385, %select_n3A_374 : vector<16xf32>
        %select_n3A_394 = arith.select %gt3A_386, %get3A_385, %select_n3A_346 : vector<16xi1>, vector<16xf32>
        %select_n3A_395 = arith.select %gt3A_386, %broadcast_in_dim3A_380, %select_n3A_347 : vector<16xi1>, vector<16xi32>
        %select_n3A_396 = arith.select %gt3A_387, %get3A_385, %select_n3A_350 : vector<16xi1>, vector<16xf32>
        %select_n3A_397 = arith.select %gt3A_387, %broadcast_in_dim3A_380, %select_n3A_351 : vector<16xi1>, vector<16xi32>
        %select_n3A_398 = arith.select %gt3A_386, %select_n3A_346, %select_n3A_396 : vector<16xi1>, vector<16xf32>
        %select_n3A_399 = arith.select %gt3A_386, %select_n3A_347, %select_n3A_397 : vector<16xi1>, vector<16xi32>
        %select_n3A_400 = arith.select %gt3A_388, %get3A_385, %select_n3A_354 : vector<16xi1>, vector<16xf32>
        %select_n3A_401 = arith.select %gt3A_388, %broadcast_in_dim3A_380, %select_n3A_355 : vector<16xi1>, vector<16xi32>
        %select_n3A_402 = arith.select %gt3A_387, %select_n3A_350, %select_n3A_400 : vector<16xi1>, vector<16xf32>
        %select_n3A_403 = arith.select %gt3A_387, %select_n3A_351, %select_n3A_401 : vector<16xi1>, vector<16xi32>
        %select_n3A_404 = arith.select %gt3A_389, %get3A_385, %select_n3A_358 : vector<16xi1>, vector<16xf32>
        %select_n3A_405 = arith.select %gt3A_389, %broadcast_in_dim3A_380, %select_n3A_359 : vector<16xi1>, vector<16xi32>
        %select_n3A_406 = arith.select %gt3A_388, %select_n3A_354, %select_n3A_404 : vector<16xi1>, vector<16xf32>
        %select_n3A_407 = arith.select %gt3A_388, %select_n3A_355, %select_n3A_405 : vector<16xi1>, vector<16xi32>
        %select_n3A_408 = arith.select %gt3A_390, %get3A_385, %select_n3A_362 : vector<16xi1>, vector<16xf32>
        %select_n3A_409 = arith.select %gt3A_390, %broadcast_in_dim3A_380, %select_n3A_363 : vector<16xi1>, vector<16xi32>
        %select_n3A_410 = arith.select %gt3A_389, %select_n3A_358, %select_n3A_408 : vector<16xi1>, vector<16xf32>
        %select_n3A_411 = arith.select %gt3A_389, %select_n3A_359, %select_n3A_409 : vector<16xi1>, vector<16xi32>
        %select_n3A_412 = arith.select %gt3A_391, %get3A_385, %select_n3A_366 : vector<16xi1>, vector<16xf32>
        %select_n3A_413 = arith.select %gt3A_391, %broadcast_in_dim3A_380, %select_n3A_367 : vector<16xi1>, vector<16xi32>
        %select_n3A_414 = arith.select %gt3A_390, %select_n3A_362, %select_n3A_412 : vector<16xi1>, vector<16xf32>
        %select_n3A_415 = arith.select %gt3A_390, %select_n3A_363, %select_n3A_413 : vector<16xi1>, vector<16xi32>
        %select_n3A_416 = arith.select %gt3A_392, %get3A_385, %select_n3A_370 : vector<16xi1>, vector<16xf32>
        %select_n3A_417 = arith.select %gt3A_392, %broadcast_in_dim3A_380, %select_n3A_371 : vector<16xi1>, vector<16xi32>
        %select_n3A_418 = arith.select %gt3A_391, %select_n3A_366, %select_n3A_416 : vector<16xi1>, vector<16xf32>
        %select_n3A_419 = arith.select %gt3A_391, %select_n3A_367, %select_n3A_417 : vector<16xi1>, vector<16xi32>
        %select_n3A_420 = arith.select %gt3A_393, %get3A_385, %select_n3A_374 : vector<16xi1>, vector<16xf32>
        %select_n3A_421 = arith.select %gt3A_393, %broadcast_in_dim3A_380, %select_n3A_375 : vector<16xi1>, vector<16xi32>
        %select_n3A_422 = arith.select %gt3A_392, %select_n3A_370, %select_n3A_420 : vector<16xi1>, vector<16xf32>
        %select_n3A_423 = arith.select %gt3A_392, %select_n3A_371, %select_n3A_421 : vector<16xi1>, vector<16xi32>
        %mul3A_424 = arith.constant 4 : i32
        %mul3A_425 = arith.muli %scan3A_265, %mul3A_424 : i32
        %add3A_426 = arith.constant 3 : i32
        %add3A_427 = arith.addi %mul3A_425, %add3A_426 : i32
        %broadcast_in_dim3A_428 = vector.broadcast %add3A_427 : i32 to vector<16xi32>
        %mul3A_429 = arith.constant 16 : i32
        %mul3A_430 = arith.muli %add3A_202, %mul3A_429 : i32
        %get3A_431 = arith.index_cast %add3A_427 : i32 to index
        %get3A_432 = arith.index_cast %mul3A_430 : i32 to index
        %get3A_433 = tpu.vector_load %arg5[%get3A_431, %get3A_432] {strides = array<i32>} : memref<64x512xf32, #tpu.memory_space<vmem>>, vector<16xf32>,
        %gt3A_434 = arith.cmpf ogt, %get3A_433, %select_n3A_394 : vector<16xf32>
        %gt3A_435 = arith.cmpf ogt, %get3A_433, %select_n3A_398 : vector<16xf32>
        %gt3A_436 = arith.cmpf ogt, %get3A_433, %select_n3A_402 : vector<16xf32>
        %gt3A_437 = arith.cmpf ogt, %get3A_433, %select_n3A_406 : vector<16xf32>
        %gt3A_438 = arith.cmpf ogt, %get3A_433, %select_n3A_410 : vector<16xf32>
        %gt3A_439 = arith.cmpf ogt, %get3A_433, %select_n3A_414 : vector<16xf32>
        %gt3A_440 = arith.cmpf ogt, %get3A_433, %select_n3A_418 : vector<16xf32>
        %gt3A_441 = arith.cmpf ogt, %get3A_433, %select_n3A_422 : vector<16xf32>
        %select_n3A_442 = arith.select %gt3A_434, %get3A_433, %select_n3A_394 : vector<16xi1>, vector<16xf32>
        %select_n3A_443 = arith.select %gt3A_434, %broadcast_in_dim3A_428, %select_n3A_395 : vector<16xi1>, vector<16xi32>
        %select_n3A_444 = arith.select %gt3A_435, %get3A_433, %select_n3A_398 : vector<16xi1>, vector<16xf32>
        %select_n3A_445 = arith.select %gt3A_435, %broadcast_in_dim3A_428, %select_n3A_399 : vector<16xi1>, vector<16xi32>
        %select_n3A_446 = arith.select %gt3A_434, %select_n3A_394, %select_n3A_444 : vector<16xi1>, vector<16xf32>
        %select_n3A_447 = arith.select %gt3A_434, %select_n3A_395, %select_n3A_445 : vector<16xi1>, vector<16xi32>
        %select_n3A_448 = arith.select %gt3A_436, %get3A_433, %select_n3A_402 : vector<16xi1>, vector<16xf32>
        %select_n3A_449 = arith.select %gt3A_436, %broadcast_in_dim3A_428, %select_n3A_403 : vector<16xi1>, vector<16xi32>
        %select_n3A_450 = arith.select %gt3A_435, %select_n3A_398, %select_n3A_448 : vector<16xi1>, vector<16xf32>
        %select_n3A_451 = arith.select %gt3A_435, %select_n3A_399, %select_n3A_449 : vector<16xi1>, vector<16xi32>
        %select_n3A_452 = arith.select %gt3A_437, %get3A_433, %select_n3A_406 : vector<16xi1>, vector<16xf32>
        %select_n3A_453 = arith.select %gt3A_437, %broadcast_in_dim3A_428, %select_n3A_407 : vector<16xi1>, vector<16xi32>
        %select_n3A_454 = arith.select %gt3A_436, %select_n3A_402, %select_n3A_452 : vector<16xi1>, vector<16xf32>
        %select_n3A_455 = arith.select %gt3A_436, %select_n3A_403, %select_n3A_453 : vector<16xi1>, vector<16xi32>
        %select_n3A_456 = arith.select %gt3A_438, %get3A_433, %select_n3A_410 : vector<16xi1>, vector<16xf32>
        %select_n3A_457 = arith.select %gt3A_438, %broadcast_in_dim3A_428, %select_n3A_411 : vector<16xi1>, vector<16xi32>
        %select_n3A_458 = arith.select %gt3A_437, %select_n3A_406, %select_n3A_456 : vector<16xi1>, vector<16xf32>
        %select_n3A_459 = arith.select %gt3A_437, %select_n3A_407, %select_n3A_457 : vector<16xi1>, vector<16xi32>
        %select_n3A_460 = arith.select %gt3A_439, %get3A_433, %select_n3A_414 : vector<16xi1>, vector<16xf32>
        %select_n3A_461 = arith.select %gt3A_439, %broadcast_in_dim3A_428, %select_n3A_415 : vector<16xi1>, vector<16xi32>
        %select_n3A_462 = arith.select %gt3A_438, %select_n3A_410, %select_n3A_460 : vector<16xi1>, vector<16xf32>
        %select_n3A_463 = arith.select %gt3A_438, %select_n3A_411, %select_n3A_461 : vector<16xi1>, vector<16xi32>
        %select_n3A_464 = arith.select %gt3A_440, %get3A_433, %select_n3A_418 : vector<16xi1>, vector<16xf32>
        %select_n3A_465 = arith.select %gt3A_440, %broadcast_in_dim3A_428, %select_n3A_419 : vector<16xi1>, vector<16xi32>
        %select_n3A_466 = arith.select %gt3A_439, %select_n3A_414, %select_n3A_464 : vector<16xi1>, vector<16xf32>
        %select_n3A_467 = arith.select %gt3A_439, %select_n3A_415, %select_n3A_465 : vector<16xi1>, vector<16xi32>
        %select_n3A_468 = arith.select %gt3A_441, %get3A_433, %select_n3A_422 : vector<16xi1>, vector<16xf32>
        %select_n3A_469 = arith.select %gt3A_441, %broadcast_in_dim3A_428, %select_n3A_423 : vector<16xi1>, vector<16xi32>
        %select_n3A_470 = arith.select %gt3A_440, %select_n3A_418, %select_n3A_468 : vector<16xi1>, vector<16xf32>
        %select_n3A_471 = arith.select %gt3A_440, %select_n3A_419, %select_n3A_469 : vector<16xi1>, vector<16xi32>
        scf.yield %select_n3A_442, %select_n3A_446, %select_n3A_450, %select_n3A_454, %select_n3A_458, %select_n3A_462, %select_n3A_466, %select_n3A_470, %select_n3A_443, %select_n3A_447, %select_n3A_451, %select_n3A_455, %select_n3A_459, %select_n3A_463, %select_n3A_467, %select_n3A_471 : vector<16xf32>, vector<16xf32>, vector<16xf32>, vector<16xf32>, vector<16xf32>, vector<16xf32>, vector<16xf32>, vector<16xf32>, vector<16xi32>, vector<16xi32>, vector<16xi32>, vector<16xi32>, vector<16xi32>, vector<16xi32>, vector<16xi32>, vector<16xi32>
      }
      %scan3A_215 = arith.constant 16 : i32
      %sub3A_216 = arith.subf %scan3A_214#0, %scan3A_214#0 : vector<16xf32>
      %exp3A = math.exp %sub3A_216 : vector<16xf32>
      %sub3A_217 = arith.subf %scan3A_214#1, %scan3A_214#0 : vector<16xf32>
      %exp3A_218 = math.exp %sub3A_217 : vector<16xf32>
      %sub3A_219 = arith.subf %scan3A_214#2, %scan3A_214#0 : vector<16xf32>
      %exp3A_220 = math.exp %sub3A_219 : vector<16xf32>
      %sub3A_221 = arith.subf %scan3A_214#3, %scan3A_214#0 : vector<16xf32>
      %exp3A_222 = math.exp %sub3A_221 : vector<16xf32>
      %sub3A_223 = arith.subf %scan3A_214#4, %scan3A_214#0 : vector<16xf32>
      %exp3A_224 = math.exp %sub3A_223 : vector<16xf32>
      %sub3A_225 = arith.subf %scan3A_214#5, %scan3A_214#0 : vector<16xf32>
      %exp3A_226 = math.exp %sub3A_225 : vector<16xf32>
      %sub3A_227 = arith.subf %scan3A_214#6, %scan3A_214#0 : vector<16xf32>
      %exp3A_228 = math.exp %sub3A_227 : vector<16xf32>
      %sub3A_229 = arith.subf %scan3A_214#7, %scan3A_214#0 : vector<16xf32>
      %exp3A_230 = math.exp %sub3A_229 : vector<16xf32>
      %add3A_231 = arith.addf %exp3A, %exp3A_218 : vector<16xf32>
      %add3A_232 = arith.addf %add3A_231, %exp3A_220 : vector<16xf32>
      %add3A_233 = arith.addf %add3A_232, %exp3A_222 : vector<16xf32>
      %add3A_234 = arith.addf %add3A_233, %exp3A_224 : vector<16xf32>
      %add3A_235 = arith.addf %add3A_234, %exp3A_226 : vector<16xf32>
      %add3A_236 = arith.addf %add3A_235, %exp3A_228 : vector<16xf32>
      %add3A_237 = arith.addf %add3A_236, %exp3A_230 : vector<16xf32>
      %div3A_238 = arith.constant 1.000000e+00 : f32
      %div3A_239 = vector.broadcast %div3A_238 : f32 to vector<16xf32>
      %div3A_240 = arith.divf %div3A_239, %add3A_237 : vector<16xf32>
      %broadcast_in_dim3A_241 = arith.constant 0 : i32
      %broadcast_in_dim3A_242 = vector.broadcast %broadcast_in_dim3A_241 : i32 to vector<16xi32>
      tpu.vector_store_idx %arg6[%add3A_206, %broadcast_in_dim3A_242], %scan3A_214#8 : memref<128x8xi32, #tpu.memory_space<vmem>>[vector<16xi32>, vector<16xi32>], vector<16xi32>,
      %mul3A_243 = arith.mulf %exp3A, %div3A_240 : vector<16xf32>
      tpu.vector_store_idx %arg7[%add3A_206, %broadcast_in_dim3A_242], %mul3A_243 : memref<128x8xf32, #tpu.memory_space<vmem>>[vector<16xi32>, vector<16xi32>], vector<16xf32>,
      %broadcast_in_dim3A_244 = arith.constant 1 : i32
      %broadcast_in_dim3A_245 = vector.broadcast %broadcast_in_dim3A_244 : i32 to vector<16xi32>
      tpu.vector_store_idx %arg6[%add3A_206, %broadcast_in_dim3A_245], %scan3A_214#9 : memref<128x8xi32, #tpu.memory_space<vmem>>[vector<16xi32>, vector<16xi32>], vector<16xi32>,
      %mul3A_246 = arith.mulf %exp3A_218, %div3A_240 : vector<16xf32>
      tpu.vector_store_idx %arg7[%add3A_206, %broadcast_in_dim3A_245], %mul3A_246 : memref<128x8xf32, #tpu.memory_space<vmem>>[vector<16xi32>, vector<16xi32>], vector<16xf32>,
      %broadcast_in_dim3A_247 = arith.constant 2 : i32
      %broadcast_in_dim3A_248 = vector.broadcast %broadcast_in_dim3A_247 : i32 to vector<16xi32>
      tpu.vector_store_idx %arg6[%add3A_206, %broadcast_in_dim3A_248], %scan3A_214#10 : memref<128x8xi32, #tpu.memory_space<vmem>>[vector<16xi32>, vector<16xi32>], vector<16xi32>,
      %mul3A_249 = arith.mulf %exp3A_220, %div3A_240 : vector<16xf32>
      tpu.vector_store_idx %arg7[%add3A_206, %broadcast_in_dim3A_248], %mul3A_249 : memref<128x8xf32, #tpu.memory_space<vmem>>[vector<16xi32>, vector<16xi32>], vector<16xf32>,
      %broadcast_in_dim3A_250 = arith.constant 3 : i32
      %broadcast_in_dim3A_251 = vector.broadcast %broadcast_in_dim3A_250 : i32 to vector<16xi32>
      tpu.vector_store_idx %arg6[%add3A_206, %broadcast_in_dim3A_251], %scan3A_214#11 : memref<128x8xi32, #tpu.memory_space<vmem>>[vector<16xi32>, vector<16xi32>], vector<16xi32>,
      %mul3A_252 = arith.mulf %exp3A_222, %div3A_240 : vector<16xf32>
      tpu.vector_store_idx %arg7[%add3A_206, %broadcast_in_dim3A_251], %mul3A_252 : memref<128x8xf32, #tpu.memory_space<vmem>>[vector<16xi32>, vector<16xi32>], vector<16xf32>,
      %broadcast_in_dim3A_253 = arith.constant 4 : i32
      %broadcast_in_dim3A_254 = vector.broadcast %broadcast_in_dim3A_253 : i32 to vector<16xi32>
      tpu.vector_store_idx %arg6[%add3A_206, %broadcast_in_dim3A_254], %scan3A_214#12 : memref<128x8xi32, #tpu.memory_space<vmem>>[vector<16xi32>, vector<16xi32>], vector<16xi32>,
      %mul3A_255 = arith.mulf %exp3A_224, %div3A_240 : vector<16xf32>
      tpu.vector_store_idx %arg7[%add3A_206, %broadcast_in_dim3A_254], %mul3A_255 : memref<128x8xf32, #tpu.memory_space<vmem>>[vector<16xi32>, vector<16xi32>], vector<16xf32>,
      %broadcast_in_dim3A_256 = arith.constant 5 : i32
      %broadcast_in_dim3A_257 = vector.broadcast %broadcast_in_dim3A_256 : i32 to vector<16xi32>
      tpu.vector_store_idx %arg6[%add3A_206, %broadcast_in_dim3A_257], %scan3A_214#13 : memref<128x8xi32, #tpu.memory_space<vmem>>[vector<16xi32>, vector<16xi32>], vector<16xi32>,
      %mul3A_258 = arith.mulf %exp3A_226, %div3A_240 : vector<16xf32>
      tpu.vector_store_idx %arg7[%add3A_206, %broadcast_in_dim3A_257], %mul3A_258 : memref<128x8xf32, #tpu.memory_space<vmem>>[vector<16xi32>, vector<16xi32>], vector<16xf32>,
      %broadcast_in_dim3A_259 = arith.constant 6 : i32
      %broadcast_in_dim3A_260 = vector.broadcast %broadcast_in_dim3A_259 : i32 to vector<16xi32>
      tpu.vector_store_idx %arg6[%add3A_206, %broadcast_in_dim3A_260], %scan3A_214#14 : memref<128x8xi32, #tpu.memory_space<vmem>>[vector<16xi32>, vector<16xi32>], vector<16xi32>,
      %mul3A_261 = arith.mulf %exp3A_228, %div3A_240 : vector<16xf32>
      tpu.vector_store_idx %arg7[%add3A_206, %broadcast_in_dim3A_260], %mul3A_261 : memref<128x8xf32, #tpu.memory_space<vmem>>[vector<16xi32>, vector<16xi32>], vector<16xf32>,
      %broadcast_in_dim3A_262 = arith.constant 7 : i32
      %broadcast_in_dim3A_263 = vector.broadcast %broadcast_in_dim3A_262 : i32 to vector<16xi32>
      tpu.vector_store_idx %arg6[%add3A_206, %broadcast_in_dim3A_263], %scan3A_214#15 : memref<128x8xi32, #tpu.memory_space<vmem>>[vector<16xi32>, vector<16xi32>], vector<16xi32>,
      %mul3A_264 = arith.mulf %exp3A_230, %div3A_240 : vector<16xf32>
      tpu.vector_store_idx %arg7[%add3A_206, %broadcast_in_dim3A_263], %mul3A_264 : memref<128x8xf32, #tpu.memory_space<vmem>>[vector<16xi32>, vector<16xi32>], vector<16xf32>,
    }
    %scan3A_129 = arith.constant 8 : i32
    %add3A_130 = arith.constant 256 : i32
    %add3A_131 = arith.addi %select_n3A_32, %add3A_130 : i32
    %dma_start3A_132 = arith.constant 0 : i32
    %dma_start3A_133 = tpu.memref_slice %arg3[%select_n3A, %add3A_131, %dma_start3A_132] : memref<4x4096x8xi32, #tpu.memory_space<hbm>> -> memref<1x128x8xi32, #tpu.memory_space<hbm>>
    %dma_start3A_134 = tpu.memref_squeeze %dma_start3A_133 : memref<1x128x8xi32, #tpu.memory_space<hbm>> -> memref<128x8xi32, #tpu.memory_space<hbm>>
    %dma_start3A_135 = arith.constant 0 : i32
    %dma_start3A_136 = tpu.memref_slice %arg3[%select_n3A, %add3A_131, %dma_start3A_135] : memref<4x4096x8xi32, #tpu.memory_space<hbm>> -> memref<1x128x8xi32, #tpu.memory_space<hbm>>
    %dma_start3A_137 = tpu.memref_squeeze %dma_start3A_136 : memref<1x128x8xi32, #tpu.memory_space<hbm>> -> memref<128x8xi32, #tpu.memory_space<hbm>>
    tpu.enqueue_dma source(%arg6 : memref<128x8xi32, #tpu.memory_space<vmem>>) target(%dma_start3A_137 : memref<128x8xi32, #tpu.memory_space<hbm>>) target_semaphore(%arg10 : memref<!tpu.dma_semaphore, #tpu.memory_space<semaphore_mem>>)
    %dma_start3A_138 = arith.constant 0 : i32
    %dma_start3A_139 = tpu.memref_slice %arg4[%select_n3A, %add3A_131, %dma_start3A_138] : memref<4x4096x8xf32, #tpu.memory_space<hbm>> -> memref<1x128x8xf32, #tpu.memory_space<hbm>>
    %dma_start3A_140 = tpu.memref_squeeze %dma_start3A_139 : memref<1x128x8xf32, #tpu.memory_space<hbm>> -> memref<128x8xf32, #tpu.memory_space<hbm>>
    %dma_start3A_141 = arith.constant 0 : i32
    %dma_start3A_142 = tpu.memref_slice %arg4[%select_n3A, %add3A_131, %dma_start3A_141] : memref<4x4096x8xf32, #tpu.memory_space<hbm>> -> memref<1x128x8xf32, #tpu.memory_space<hbm>>
    %dma_start3A_143 = tpu.memref_squeeze %dma_start3A_142 : memref<1x128x8xf32, #tpu.memory_space<hbm>> -> memref<128x8xf32, #tpu.memory_space<hbm>>
    tpu.enqueue_dma source(%arg7 : memref<128x8xf32, #tpu.memory_space<vmem>>) target(%dma_start3A_143 : memref<128x8xf32, #tpu.memory_space<hbm>>) target_semaphore(%arg10 : memref<!tpu.dma_semaphore, #tpu.memory_space<semaphore_mem>>)
    %dma_wait3A_144 = arith.constant 0 : i32
    %dma_wait3A_145 = tpu.memref_slice %arg3[%select_n3A, %add3A_89, %dma_wait3A_144] : memref<4x4096x8xi32, #tpu.memory_space<hbm>> -> memref<1x128x8xi32, #tpu.memory_space<hbm>>
    %dma_wait3A_146 = tpu.memref_squeeze %dma_wait3A_145 : memref<1x128x8xi32, #tpu.memory_space<hbm>> -> memref<128x8xi32, #tpu.memory_space<hbm>>
    %dma_wait3A_147 = arith.constant 0 : i32
    %dma_wait3A_148 = tpu.memref_slice %arg3[%select_n3A, %add3A_89, %dma_wait3A_147] : memref<4x4096x8xi32, #tpu.memory_space<hbm>> -> memref<1x128x8xi32, #tpu.memory_space<hbm>>
    %dma_wait3A_149 = tpu.memref_squeeze %dma_wait3A_148 : memref<1x128x8xi32, #tpu.memory_space<hbm>> -> memref<128x8xi32, #tpu.memory_space<hbm>>
    tpu.wait_dma2 semaphore(%arg11 : memref<!tpu.dma_semaphore, #tpu.memory_space<semaphore_mem>>) src(%arg8 : memref<128x8xi32, #tpu.memory_space<vmem>>) dst(%dma_wait3A_149 : memref<128x8xi32, #tpu.memory_space<hbm>>)
    %dma_wait3A_150 = arith.constant 0 : i32
    %dma_wait3A_151 = tpu.memref_slice %arg4[%select_n3A, %add3A_89, %dma_wait3A_150] : memref<4x4096x8xf32, #tpu.memory_space<hbm>> -> memref<1x128x8xf32, #tpu.memory_space<hbm>>
    %dma_wait3A_152 = tpu.memref_squeeze %dma_wait3A_151 : memref<1x128x8xf32, #tpu.memory_space<hbm>> -> memref<128x8xf32, #tpu.memory_space<hbm>>
    %dma_wait3A_153 = arith.constant 0 : i32
    %dma_wait3A_154 = tpu.memref_slice %arg4[%select_n3A, %add3A_89, %dma_wait3A_153] : memref<4x4096x8xf32, #tpu.memory_space<hbm>> -> memref<1x128x8xf32, #tpu.memory_space<hbm>>
    %dma_wait3A_155 = tpu.memref_squeeze %dma_wait3A_154 : memref<1x128x8xf32, #tpu.memory_space<hbm>> -> memref<128x8xf32, #tpu.memory_space<hbm>>
    tpu.wait_dma2 semaphore(%arg11 : memref<!tpu.dma_semaphore, #tpu.memory_space<semaphore_mem>>) src(%arg9 : memref<128x8xf32, #tpu.memory_space<vmem>>) dst(%dma_wait3A_155 : memref<128x8xf32, #tpu.memory_space<hbm>>)
    %scan3A_156 = arith.constant 0 : i32
    %scan3A_157 = arith.constant 0 : i32
    %scan3A_158 = arith.constant 8 : i32
    %scan3A_159 = arith.addi %scan3A_157, %scan3A_158 : i32
    %scan3A_160 = arith.constant 1 : i32
    scf.for %scan3A_200 = %scan3A_157 to %scan3A_159 step %scan3A_160  : i32 {
      %add3A_201 = arith.constant 24 : i32
      %add3A_202 = arith.addi %add3A_201, %scan3A_200 : i32
      %mul3A_203 = arith.constant 16 : i32
      %mul3A_204 = arith.muli %scan3A_200, %mul3A_203 : i32
      %add3A_205 = vector.broadcast %mul3A_204 : i32 to vector<16xi32>
      %add3A_206 = arith.addi %add3A_205, %iota3A : vector<16xi32>
      %broadcast_in_dim3A = arith.constant 0xFF800000 : f32
      %broadcast_in_dim3A_207 = vector.broadcast %broadcast_in_dim3A : f32 to vector<16xf32>
      %broadcast_in_dim3A_208 = arith.constant 0 : i32
      %broadcast_in_dim3A_209 = vector.broadcast %broadcast_in_dim3A_208 : i32 to vector<16xi32>
      %scan3A_210 = arith.constant 0 : i32
      %scan3A_211 = arith.constant 16 : i32
      %scan3A_212 = arith.addi %scan3A_210, %scan3A_211 : i32
      %scan3A_213 = arith.constant 1 : i32
      %scan3A_214:16 = scf.for %scan3A_265 = %scan3A_210 to %scan3A_212 step %scan3A_213 iter_args(%scan3A_266 = %broadcast_in_dim3A_207, %scan3A_267 = %broadcast_in_dim3A_207, %scan3A_268 = %broadcast_in_dim3A_207, %scan3A_269 = %broadcast_in_dim3A_207, %scan3A_270 = %broadcast_in_dim3A_207, %scan3A_271 = %broadcast_in_dim3A_207, %scan3A_272 = %broadcast_in_dim3A_207, %scan3A_273 = %broadcast_in_dim3A_207, %scan3A_274 = %broadcast_in_dim3A_209, %scan3A_275 = %broadcast_in_dim3A_209, %scan3A_276 = %broadcast_in_dim3A_209, %scan3A_277 = %broadcast_in_dim3A_209, %scan3A_278 = %broadcast_in_dim3A_209, %scan3A_279 = %broadcast_in_dim3A_209, %scan3A_280 = %broadcast_in_dim3A_209, %scan3A_281 = %broadcast_in_dim3A_209) -> (vector<16xf32>, vector<16xf32>, vector<16xf32>, vector<16xf32>, vector<16xf32>, vector<16xf32>, vector<16xf32>, vector<16xf32>, vector<16xi32>, vector<16xi32>, vector<16xi32>, vector<16xi32>, vector<16xi32>, vector<16xi32>, vector<16xi32>, vector<16xi32>)  : i32 {
        %mul3A_282 = arith.constant 4 : i32
        %mul3A_283 = arith.muli %scan3A_265, %mul3A_282 : i32
        %add3A_284 = arith.constant 0 : i32
        %add3A_285 = arith.addi %mul3A_283, %add3A_284 : i32
        %broadcast_in_dim3A_286 = vector.broadcast %add3A_285 : i32 to vector<16xi32>
        %mul3A_287 = arith.constant 16 : i32
        %mul3A_288 = arith.muli %add3A_202, %mul3A_287 : i32
        %get3A = arith.index_cast %add3A_285 : i32 to index
        %get3A_289 = arith.index_cast %mul3A_288 : i32 to index
        %get3A_290 = tpu.vector_load %arg5[%get3A, %get3A_289] {strides = array<i32>} : memref<64x512xf32, #tpu.memory_space<vmem>>, vector<16xf32>,
        %gt3A = arith.cmpf ogt, %get3A_290, %scan3A_266 : vector<16xf32>
        %gt3A_291 = arith.cmpf ogt, %get3A_290, %scan3A_267 : vector<16xf32>
        %gt3A_292 = arith.cmpf ogt, %get3A_290, %scan3A_268 : vector<16xf32>
        %gt3A_293 = arith.cmpf ogt, %get3A_290, %scan3A_269 : vector<16xf32>
        %gt3A_294 = arith.cmpf ogt, %get3A_290, %scan3A_270 : vector<16xf32>
        %gt3A_295 = arith.cmpf ogt, %get3A_290, %scan3A_271 : vector<16xf32>
        %gt3A_296 = arith.cmpf ogt, %get3A_290, %scan3A_272 : vector<16xf32>
        %gt3A_297 = arith.cmpf ogt, %get3A_290, %scan3A_273 : vector<16xf32>
        %select_n3A_298 = arith.select %gt3A, %get3A_290, %scan3A_266 : vector<16xi1>, vector<16xf32>
        %select_n3A_299 = arith.select %gt3A, %broadcast_in_dim3A_286, %scan3A_274 : vector<16xi1>, vector<16xi32>
        %select_n3A_300 = arith.select %gt3A_291, %get3A_290, %scan3A_267 : vector<16xi1>, vector<16xf32>
        %select_n3A_301 = arith.select %gt3A_291, %broadcast_in_dim3A_286, %scan3A_275 : vector<16xi1>, vector<16xi32>
        %select_n3A_302 = arith.select %gt3A, %scan3A_266, %select_n3A_300 : vector<16xi1>, vector<16xf32>
        %select_n3A_303 = arith.select %gt3A, %scan3A_274, %select_n3A_301 : vector<16xi1>, vector<16xi32>
        %select_n3A_304 = arith.select %gt3A_292, %get3A_290, %scan3A_268 : vector<16xi1>, vector<16xf32>
        %select_n3A_305 = arith.select %gt3A_292, %broadcast_in_dim3A_286, %scan3A_276 : vector<16xi1>, vector<16xi32>
        %select_n3A_306 = arith.select %gt3A_291, %scan3A_267, %select_n3A_304 : vector<16xi1>, vector<16xf32>
        %select_n3A_307 = arith.select %gt3A_291, %scan3A_275, %select_n3A_305 : vector<16xi1>, vector<16xi32>
        %select_n3A_308 = arith.select %gt3A_293, %get3A_290, %scan3A_269 : vector<16xi1>, vector<16xf32>
        %select_n3A_309 = arith.select %gt3A_293, %broadcast_in_dim3A_286, %scan3A_277 : vector<16xi1>, vector<16xi32>
        %select_n3A_310 = arith.select %gt3A_292, %scan3A_268, %select_n3A_308 : vector<16xi1>, vector<16xf32>
        %select_n3A_311 = arith.select %gt3A_292, %scan3A_276, %select_n3A_309 : vector<16xi1>, vector<16xi32>
        %select_n3A_312 = arith.select %gt3A_294, %get3A_290, %scan3A_270 : vector<16xi1>, vector<16xf32>
        %select_n3A_313 = arith.select %gt3A_294, %broadcast_in_dim3A_286, %scan3A_278 : vector<16xi1>, vector<16xi32>
        %select_n3A_314 = arith.select %gt3A_293, %scan3A_269, %select_n3A_312 : vector<16xi1>, vector<16xf32>
        %select_n3A_315 = arith.select %gt3A_293, %scan3A_277, %select_n3A_313 : vector<16xi1>, vector<16xi32>
        %select_n3A_316 = arith.select %gt3A_295, %get3A_290, %scan3A_271 : vector<16xi1>, vector<16xf32>
        %select_n3A_317 = arith.select %gt3A_295, %broadcast_in_dim3A_286, %scan3A_279 : vector<16xi1>, vector<16xi32>
        %select_n3A_318 = arith.select %gt3A_294, %scan3A_270, %select_n3A_316 : vector<16xi1>, vector<16xf32>
        %select_n3A_319 = arith.select %gt3A_294, %scan3A_278, %select_n3A_317 : vector<16xi1>, vector<16xi32>
        %select_n3A_320 = arith.select %gt3A_296, %get3A_290, %scan3A_272 : vector<16xi1>, vector<16xf32>
        %select_n3A_321 = arith.select %gt3A_296, %broadcast_in_dim3A_286, %scan3A_280 : vector<16xi1>, vector<16xi32>
        %select_n3A_322 = arith.select %gt3A_295, %scan3A_271, %select_n3A_320 : vector<16xi1>, vector<16xf32>
        %select_n3A_323 = arith.select %gt3A_295, %scan3A_279, %select_n3A_321 : vector<16xi1>, vector<16xi32>
        %select_n3A_324 = arith.select %gt3A_297, %get3A_290, %scan3A_273 : vector<16xi1>, vector<16xf32>
        %select_n3A_325 = arith.select %gt3A_297, %broadcast_in_dim3A_286, %scan3A_281 : vector<16xi1>, vector<16xi32>
        %select_n3A_326 = arith.select %gt3A_296, %scan3A_272, %select_n3A_324 : vector<16xi1>, vector<16xf32>
        %select_n3A_327 = arith.select %gt3A_296, %scan3A_280, %select_n3A_325 : vector<16xi1>, vector<16xi32>
        %mul3A_328 = arith.constant 4 : i32
        %mul3A_329 = arith.muli %scan3A_265, %mul3A_328 : i32
        %add3A_330 = arith.constant 1 : i32
        %add3A_331 = arith.addi %mul3A_329, %add3A_330 : i32
        %broadcast_in_dim3A_332 = vector.broadcast %add3A_331 : i32 to vector<16xi32>
        %mul3A_333 = arith.constant 16 : i32
        %mul3A_334 = arith.muli %add3A_202, %mul3A_333 : i32
        %get3A_335 = arith.index_cast %add3A_331 : i32 to index
        %get3A_336 = arith.index_cast %mul3A_334 : i32 to index
        %get3A_337 = tpu.vector_load %arg5[%get3A_335, %get3A_336] {strides = array<i32>} : memref<64x512xf32, #tpu.memory_space<vmem>>, vector<16xf32>,
        %gt3A_338 = arith.cmpf ogt, %get3A_337, %select_n3A_298 : vector<16xf32>
        %gt3A_339 = arith.cmpf ogt, %get3A_337, %select_n3A_302 : vector<16xf32>
        %gt3A_340 = arith.cmpf ogt, %get3A_337, %select_n3A_306 : vector<16xf32>
        %gt3A_341 = arith.cmpf ogt, %get3A_337, %select_n3A_310 : vector<16xf32>
        %gt3A_342 = arith.cmpf ogt, %get3A_337, %select_n3A_314 : vector<16xf32>
        %gt3A_343 = arith.cmpf ogt, %get3A_337, %select_n3A_318 : vector<16xf32>
        %gt3A_344 = arith.cmpf ogt, %get3A_337, %select_n3A_322 : vector<16xf32>
        %gt3A_345 = arith.cmpf ogt, %get3A_337, %select_n3A_326 : vector<16xf32>
        %select_n3A_346 = arith.select %gt3A_338, %get3A_337, %select_n3A_298 : vector<16xi1>, vector<16xf32>
        %select_n3A_347 = arith.select %gt3A_338, %broadcast_in_dim3A_332, %select_n3A_299 : vector<16xi1>, vector<16xi32>
        %select_n3A_348 = arith.select %gt3A_339, %get3A_337, %select_n3A_302 : vector<16xi1>, vector<16xf32>
        %select_n3A_349 = arith.select %gt3A_339, %broadcast_in_dim3A_332, %select_n3A_303 : vector<16xi1>, vector<16xi32>
        %select_n3A_350 = arith.select %gt3A_338, %select_n3A_298, %select_n3A_348 : vector<16xi1>, vector<16xf32>
        %select_n3A_351 = arith.select %gt3A_338, %select_n3A_299, %select_n3A_349 : vector<16xi1>, vector<16xi32>
        %select_n3A_352 = arith.select %gt3A_340, %get3A_337, %select_n3A_306 : vector<16xi1>, vector<16xf32>
        %select_n3A_353 = arith.select %gt3A_340, %broadcast_in_dim3A_332, %select_n3A_307 : vector<16xi1>, vector<16xi32>
        %select_n3A_354 = arith.select %gt3A_339, %select_n3A_302, %select_n3A_352 : vector<16xi1>, vector<16xf32>
        %select_n3A_355 = arith.select %gt3A_339, %select_n3A_303, %select_n3A_353 : vector<16xi1>, vector<16xi32>
        %select_n3A_356 = arith.select %gt3A_341, %get3A_337, %select_n3A_310 : vector<16xi1>, vector<16xf32>
        %select_n3A_357 = arith.select %gt3A_341, %broadcast_in_dim3A_332, %select_n3A_311 : vector<16xi1>, vector<16xi32>
        %select_n3A_358 = arith.select %gt3A_340, %select_n3A_306, %select_n3A_356 : vector<16xi1>, vector<16xf32>
        %select_n3A_359 = arith.select %gt3A_340, %select_n3A_307, %select_n3A_357 : vector<16xi1>, vector<16xi32>
        %select_n3A_360 = arith.select %gt3A_342, %get3A_337, %select_n3A_314 : vector<16xi1>, vector<16xf32>
        %select_n3A_361 = arith.select %gt3A_342, %broadcast_in_dim3A_332, %select_n3A_315 : vector<16xi1>, vector<16xi32>
        %select_n3A_362 = arith.select %gt3A_341, %select_n3A_310, %select_n3A_360 : vector<16xi1>, vector<16xf32>
        %select_n3A_363 = arith.select %gt3A_341, %select_n3A_311, %select_n3A_361 : vector<16xi1>, vector<16xi32>
        %select_n3A_364 = arith.select %gt3A_343, %get3A_337, %select_n3A_318 : vector<16xi1>, vector<16xf32>
        %select_n3A_365 = arith.select %gt3A_343, %broadcast_in_dim3A_332, %select_n3A_319 : vector<16xi1>, vector<16xi32>
        %select_n3A_366 = arith.select %gt3A_342, %select_n3A_314, %select_n3A_364 : vector<16xi1>, vector<16xf32>
        %select_n3A_367 = arith.select %gt3A_342, %select_n3A_315, %select_n3A_365 : vector<16xi1>, vector<16xi32>
        %select_n3A_368 = arith.select %gt3A_344, %get3A_337, %select_n3A_322 : vector<16xi1>, vector<16xf32>
        %select_n3A_369 = arith.select %gt3A_344, %broadcast_in_dim3A_332, %select_n3A_323 : vector<16xi1>, vector<16xi32>
        %select_n3A_370 = arith.select %gt3A_343, %select_n3A_318, %select_n3A_368 : vector<16xi1>, vector<16xf32>
        %select_n3A_371 = arith.select %gt3A_343, %select_n3A_319, %select_n3A_369 : vector<16xi1>, vector<16xi32>
        %select_n3A_372 = arith.select %gt3A_345, %get3A_337, %select_n3A_326 : vector<16xi1>, vector<16xf32>
        %select_n3A_373 = arith.select %gt3A_345, %broadcast_in_dim3A_332, %select_n3A_327 : vector<16xi1>, vector<16xi32>
        %select_n3A_374 = arith.select %gt3A_344, %select_n3A_322, %select_n3A_372 : vector<16xi1>, vector<16xf32>
        %select_n3A_375 = arith.select %gt3A_344, %select_n3A_323, %select_n3A_373 : vector<16xi1>, vector<16xi32>
        %mul3A_376 = arith.constant 4 : i32
        %mul3A_377 = arith.muli %scan3A_265, %mul3A_376 : i32
        %add3A_378 = arith.constant 2 : i32
        %add3A_379 = arith.addi %mul3A_377, %add3A_378 : i32
        %broadcast_in_dim3A_380 = vector.broadcast %add3A_379 : i32 to vector<16xi32>
        %mul3A_381 = arith.constant 16 : i32
        %mul3A_382 = arith.muli %add3A_202, %mul3A_381 : i32
        %get3A_383 = arith.index_cast %add3A_379 : i32 to index
        %get3A_384 = arith.index_cast %mul3A_382 : i32 to index
        %get3A_385 = tpu.vector_load %arg5[%get3A_383, %get3A_384] {strides = array<i32>} : memref<64x512xf32, #tpu.memory_space<vmem>>, vector<16xf32>,
        %gt3A_386 = arith.cmpf ogt, %get3A_385, %select_n3A_346 : vector<16xf32>
        %gt3A_387 = arith.cmpf ogt, %get3A_385, %select_n3A_350 : vector<16xf32>
        %gt3A_388 = arith.cmpf ogt, %get3A_385, %select_n3A_354 : vector<16xf32>
        %gt3A_389 = arith.cmpf ogt, %get3A_385, %select_n3A_358 : vector<16xf32>
        %gt3A_390 = arith.cmpf ogt, %get3A_385, %select_n3A_362 : vector<16xf32>
        %gt3A_391 = arith.cmpf ogt, %get3A_385, %select_n3A_366 : vector<16xf32>
        %gt3A_392 = arith.cmpf ogt, %get3A_385, %select_n3A_370 : vector<16xf32>
        %gt3A_393 = arith.cmpf ogt, %get3A_385, %select_n3A_374 : vector<16xf32>
        %select_n3A_394 = arith.select %gt3A_386, %get3A_385, %select_n3A_346 : vector<16xi1>, vector<16xf32>
        %select_n3A_395 = arith.select %gt3A_386, %broadcast_in_dim3A_380, %select_n3A_347 : vector<16xi1>, vector<16xi32>
        %select_n3A_396 = arith.select %gt3A_387, %get3A_385, %select_n3A_350 : vector<16xi1>, vector<16xf32>
        %select_n3A_397 = arith.select %gt3A_387, %broadcast_in_dim3A_380, %select_n3A_351 : vector<16xi1>, vector<16xi32>
        %select_n3A_398 = arith.select %gt3A_386, %select_n3A_346, %select_n3A_396 : vector<16xi1>, vector<16xf32>
        %select_n3A_399 = arith.select %gt3A_386, %select_n3A_347, %select_n3A_397 : vector<16xi1>, vector<16xi32>
        %select_n3A_400 = arith.select %gt3A_388, %get3A_385, %select_n3A_354 : vector<16xi1>, vector<16xf32>
        %select_n3A_401 = arith.select %gt3A_388, %broadcast_in_dim3A_380, %select_n3A_355 : vector<16xi1>, vector<16xi32>
        %select_n3A_402 = arith.select %gt3A_387, %select_n3A_350, %select_n3A_400 : vector<16xi1>, vector<16xf32>
        %select_n3A_403 = arith.select %gt3A_387, %select_n3A_351, %select_n3A_401 : vector<16xi1>, vector<16xi32>
        %select_n3A_404 = arith.select %gt3A_389, %get3A_385, %select_n3A_358 : vector<16xi1>, vector<16xf32>
        %select_n3A_405 = arith.select %gt3A_389, %broadcast_in_dim3A_380, %select_n3A_359 : vector<16xi1>, vector<16xi32>
        %select_n3A_406 = arith.select %gt3A_388, %select_n3A_354, %select_n3A_404 : vector<16xi1>, vector<16xf32>
        %select_n3A_407 = arith.select %gt3A_388, %select_n3A_355, %select_n3A_405 : vector<16xi1>, vector<16xi32>
        %select_n3A_408 = arith.select %gt3A_390, %get3A_385, %select_n3A_362 : vector<16xi1>, vector<16xf32>
        %select_n3A_409 = arith.select %gt3A_390, %broadcast_in_dim3A_380, %select_n3A_363 : vector<16xi1>, vector<16xi32>
        %select_n3A_410 = arith.select %gt3A_389, %select_n3A_358, %select_n3A_408 : vector<16xi1>, vector<16xf32>
        %select_n3A_411 = arith.select %gt3A_389, %select_n3A_359, %select_n3A_409 : vector<16xi1>, vector<16xi32>
        %select_n3A_412 = arith.select %gt3A_391, %get3A_385, %select_n3A_366 : vector<16xi1>, vector<16xf32>
        %select_n3A_413 = arith.select %gt3A_391, %broadcast_in_dim3A_380, %select_n3A_367 : vector<16xi1>, vector<16xi32>
        %select_n3A_414 = arith.select %gt3A_390, %select_n3A_362, %select_n3A_412 : vector<16xi1>, vector<16xf32>
        %select_n3A_415 = arith.select %gt3A_390, %select_n3A_363, %select_n3A_413 : vector<16xi1>, vector<16xi32>
        %select_n3A_416 = arith.select %gt3A_392, %get3A_385, %select_n3A_370 : vector<16xi1>, vector<16xf32>
        %select_n3A_417 = arith.select %gt3A_392, %broadcast_in_dim3A_380, %select_n3A_371 : vector<16xi1>, vector<16xi32>
        %select_n3A_418 = arith.select %gt3A_391, %select_n3A_366, %select_n3A_416 : vector<16xi1>, vector<16xf32>
        %select_n3A_419 = arith.select %gt3A_391, %select_n3A_367, %select_n3A_417 : vector<16xi1>, vector<16xi32>
        %select_n3A_420 = arith.select %gt3A_393, %get3A_385, %select_n3A_374 : vector<16xi1>, vector<16xf32>
        %select_n3A_421 = arith.select %gt3A_393, %broadcast_in_dim3A_380, %select_n3A_375 : vector<16xi1>, vector<16xi32>
        %select_n3A_422 = arith.select %gt3A_392, %select_n3A_370, %select_n3A_420 : vector<16xi1>, vector<16xf32>
        %select_n3A_423 = arith.select %gt3A_392, %select_n3A_371, %select_n3A_421 : vector<16xi1>, vector<16xi32>
        %mul3A_424 = arith.constant 4 : i32
        %mul3A_425 = arith.muli %scan3A_265, %mul3A_424 : i32
        %add3A_426 = arith.constant 3 : i32
        %add3A_427 = arith.addi %mul3A_425, %add3A_426 : i32
        %broadcast_in_dim3A_428 = vector.broadcast %add3A_427 : i32 to vector<16xi32>
        %mul3A_429 = arith.constant 16 : i32
        %mul3A_430 = arith.muli %add3A_202, %mul3A_429 : i32
        %get3A_431 = arith.index_cast %add3A_427 : i32 to index
        %get3A_432 = arith.index_cast %mul3A_430 : i32 to index
        %get3A_433 = tpu.vector_load %arg5[%get3A_431, %get3A_432] {strides = array<i32>} : memref<64x512xf32, #tpu.memory_space<vmem>>, vector<16xf32>,
        %gt3A_434 = arith.cmpf ogt, %get3A_433, %select_n3A_394 : vector<16xf32>
        %gt3A_435 = arith.cmpf ogt, %get3A_433, %select_n3A_398 : vector<16xf32>
        %gt3A_436 = arith.cmpf ogt, %get3A_433, %select_n3A_402 : vector<16xf32>
        %gt3A_437 = arith.cmpf ogt, %get3A_433, %select_n3A_406 : vector<16xf32>
        %gt3A_438 = arith.cmpf ogt, %get3A_433, %select_n3A_410 : vector<16xf32>
        %gt3A_439 = arith.cmpf ogt, %get3A_433, %select_n3A_414 : vector<16xf32>
        %gt3A_440 = arith.cmpf ogt, %get3A_433, %select_n3A_418 : vector<16xf32>
        %gt3A_441 = arith.cmpf ogt, %get3A_433, %select_n3A_422 : vector<16xf32>
        %select_n3A_442 = arith.select %gt3A_434, %get3A_433, %select_n3A_394 : vector<16xi1>, vector<16xf32>
        %select_n3A_443 = arith.select %gt3A_434, %broadcast_in_dim3A_428, %select_n3A_395 : vector<16xi1>, vector<16xi32>
        %select_n3A_444 = arith.select %gt3A_435, %get3A_433, %select_n3A_398 : vector<16xi1>, vector<16xf32>
        %select_n3A_445 = arith.select %gt3A_435, %broadcast_in_dim3A_428, %select_n3A_399 : vector<16xi1>, vector<16xi32>
        %select_n3A_446 = arith.select %gt3A_434, %select_n3A_394, %select_n3A_444 : vector<16xi1>, vector<16xf32>
        %select_n3A_447 = arith.select %gt3A_434, %select_n3A_395, %select_n3A_445 : vector<16xi1>, vector<16xi32>
        %select_n3A_448 = arith.select %gt3A_436, %get3A_433, %select_n3A_402 : vector<16xi1>, vector<16xf32>
        %select_n3A_449 = arith.select %gt3A_436, %broadcast_in_dim3A_428, %select_n3A_403 : vector<16xi1>, vector<16xi32>
        %select_n3A_450 = arith.select %gt3A_435, %select_n3A_398, %select_n3A_448 : vector<16xi1>, vector<16xf32>
        %select_n3A_451 = arith.select %gt3A_435, %select_n3A_399, %select_n3A_449 : vector<16xi1>, vector<16xi32>
        %select_n3A_452 = arith.select %gt3A_437, %get3A_433, %select_n3A_406 : vector<16xi1>, vector<16xf32>
        %select_n3A_453 = arith.select %gt3A_437, %broadcast_in_dim3A_428, %select_n3A_407 : vector<16xi1>, vector<16xi32>
        %select_n3A_454 = arith.select %gt3A_436, %select_n3A_402, %select_n3A_452 : vector<16xi1>, vector<16xf32>
        %select_n3A_455 = arith.select %gt3A_436, %select_n3A_403, %select_n3A_453 : vector<16xi1>, vector<16xi32>
        %select_n3A_456 = arith.select %gt3A_438, %get3A_433, %select_n3A_410 : vector<16xi1>, vector<16xf32>
        %select_n3A_457 = arith.select %gt3A_438, %broadcast_in_dim3A_428, %select_n3A_411 : vector<16xi1>, vector<16xi32>
        %select_n3A_458 = arith.select %gt3A_437, %select_n3A_406, %select_n3A_456 : vector<16xi1>, vector<16xf32>
        %select_n3A_459 = arith.select %gt3A_437, %select_n3A_407, %select_n3A_457 : vector<16xi1>, vector<16xi32>
        %select_n3A_460 = arith.select %gt3A_439, %get3A_433, %select_n3A_414 : vector<16xi1>, vector<16xf32>
        %select_n3A_461 = arith.select %gt3A_439, %broadcast_in_dim3A_428, %select_n3A_415 : vector<16xi1>, vector<16xi32>
        %select_n3A_462 = arith.select %gt3A_438, %select_n3A_410, %select_n3A_460 : vector<16xi1>, vector<16xf32>
        %select_n3A_463 = arith.select %gt3A_438, %select_n3A_411, %select_n3A_461 : vector<16xi1>, vector<16xi32>
        %select_n3A_464 = arith.select %gt3A_440, %get3A_433, %select_n3A_418 : vector<16xi1>, vector<16xf32>
        %select_n3A_465 = arith.select %gt3A_440, %broadcast_in_dim3A_428, %select_n3A_419 : vector<16xi1>, vector<16xi32>
        %select_n3A_466 = arith.select %gt3A_439, %select_n3A_414, %select_n3A_464 : vector<16xi1>, vector<16xf32>
        %select_n3A_467 = arith.select %gt3A_439, %select_n3A_415, %select_n3A_465 : vector<16xi1>, vector<16xi32>
        %select_n3A_468 = arith.select %gt3A_441, %get3A_433, %select_n3A_422 : vector<16xi1>, vector<16xf32>
        %select_n3A_469 = arith.select %gt3A_441, %broadcast_in_dim3A_428, %select_n3A_423 : vector<16xi1>, vector<16xi32>
        %select_n3A_470 = arith.select %gt3A_440, %select_n3A_418, %select_n3A_468 : vector<16xi1>, vector<16xf32>
        %select_n3A_471 = arith.select %gt3A_440, %select_n3A_419, %select_n3A_469 : vector<16xi1>, vector<16xi32>
        scf.yield %select_n3A_442, %select_n3A_446, %select_n3A_450, %select_n3A_454, %select_n3A_458, %select_n3A_462, %select_n3A_466, %select_n3A_470, %select_n3A_443, %select_n3A_447, %select_n3A_451, %select_n3A_455, %select_n3A_459, %select_n3A_463, %select_n3A_467, %select_n3A_471 : vector<16xf32>, vector<16xf32>, vector<16xf32>, vector<16xf32>, vector<16xf32>, vector<16xf32>, vector<16xf32>, vector<16xf32>, vector<16xi32>, vector<16xi32>, vector<16xi32>, vector<16xi32>, vector<16xi32>, vector<16xi32>, vector<16xi32>, vector<16xi32>
      }
      %scan3A_215 = arith.constant 16 : i32
      %sub3A_216 = arith.subf %scan3A_214#0, %scan3A_214#0 : vector<16xf32>
      %exp3A = math.exp %sub3A_216 : vector<16xf32>
      %sub3A_217 = arith.subf %scan3A_214#1, %scan3A_214#0 : vector<16xf32>
      %exp3A_218 = math.exp %sub3A_217 : vector<16xf32>
      %sub3A_219 = arith.subf %scan3A_214#2, %scan3A_214#0 : vector<16xf32>
      %exp3A_220 = math.exp %sub3A_219 : vector<16xf32>
      %sub3A_221 = arith.subf %scan3A_214#3, %scan3A_214#0 : vector<16xf32>
      %exp3A_222 = math.exp %sub3A_221 : vector<16xf32>
      %sub3A_223 = arith.subf %scan3A_214#4, %scan3A_214#0 : vector<16xf32>
      %exp3A_224 = math.exp %sub3A_223 : vector<16xf32>
      %sub3A_225 = arith.subf %scan3A_214#5, %scan3A_214#0 : vector<16xf32>
      %exp3A_226 = math.exp %sub3A_225 : vector<16xf32>
      %sub3A_227 = arith.subf %scan3A_214#6, %scan3A_214#0 : vector<16xf32>
      %exp3A_228 = math.exp %sub3A_227 : vector<16xf32>
      %sub3A_229 = arith.subf %scan3A_214#7, %scan3A_214#0 : vector<16xf32>
      %exp3A_230 = math.exp %sub3A_229 : vector<16xf32>
      %add3A_231 = arith.addf %exp3A, %exp3A_218 : vector<16xf32>
      %add3A_232 = arith.addf %add3A_231, %exp3A_220 : vector<16xf32>
      %add3A_233 = arith.addf %add3A_232, %exp3A_222 : vector<16xf32>
      %add3A_234 = arith.addf %add3A_233, %exp3A_224 : vector<16xf32>
      %add3A_235 = arith.addf %add3A_234, %exp3A_226 : vector<16xf32>
      %add3A_236 = arith.addf %add3A_235, %exp3A_228 : vector<16xf32>
      %add3A_237 = arith.addf %add3A_236, %exp3A_230 : vector<16xf32>
      %div3A_238 = arith.constant 1.000000e+00 : f32
      %div3A_239 = vector.broadcast %div3A_238 : f32 to vector<16xf32>
      %div3A_240 = arith.divf %div3A_239, %add3A_237 : vector<16xf32>
      %broadcast_in_dim3A_241 = arith.constant 0 : i32
      %broadcast_in_dim3A_242 = vector.broadcast %broadcast_in_dim3A_241 : i32 to vector<16xi32>
      tpu.vector_store_idx %arg8[%add3A_206, %broadcast_in_dim3A_242], %scan3A_214#8 : memref<128x8xi32, #tpu.memory_space<vmem>>[vector<16xi32>, vector<16xi32>], vector<16xi32>,
      %mul3A_243 = arith.mulf %exp3A, %div3A_240 : vector<16xf32>
      tpu.vector_store_idx %arg9[%add3A_206, %broadcast_in_dim3A_242], %mul3A_243 : memref<128x8xf32, #tpu.memory_space<vmem>>[vector<16xi32>, vector<16xi32>], vector<16xf32>,
      %broadcast_in_dim3A_244 = arith.constant 1 : i32
      %broadcast_in_dim3A_245 = vector.broadcast %broadcast_in_dim3A_244 : i32 to vector<16xi32>
      tpu.vector_store_idx %arg8[%add3A_206, %broadcast_in_dim3A_245], %scan3A_214#9 : memref<128x8xi32, #tpu.memory_space<vmem>>[vector<16xi32>, vector<16xi32>], vector<16xi32>,
      %mul3A_246 = arith.mulf %exp3A_218, %div3A_240 : vector<16xf32>
      tpu.vector_store_idx %arg9[%add3A_206, %broadcast_in_dim3A_245], %mul3A_246 : memref<128x8xf32, #tpu.memory_space<vmem>>[vector<16xi32>, vector<16xi32>], vector<16xf32>,
      %broadcast_in_dim3A_247 = arith.constant 2 : i32
      %broadcast_in_dim3A_248 = vector.broadcast %broadcast_in_dim3A_247 : i32 to vector<16xi32>
      tpu.vector_store_idx %arg8[%add3A_206, %broadcast_in_dim3A_248], %scan3A_214#10 : memref<128x8xi32, #tpu.memory_space<vmem>>[vector<16xi32>, vector<16xi32>], vector<16xi32>,
      %mul3A_249 = arith.mulf %exp3A_220, %div3A_240 : vector<16xf32>
      tpu.vector_store_idx %arg9[%add3A_206, %broadcast_in_dim3A_248], %mul3A_249 : memref<128x8xf32, #tpu.memory_space<vmem>>[vector<16xi32>, vector<16xi32>], vector<16xf32>,
      %broadcast_in_dim3A_250 = arith.constant 3 : i32
      %broadcast_in_dim3A_251 = vector.broadcast %broadcast_in_dim3A_250 : i32 to vector<16xi32>
      tpu.vector_store_idx %arg8[%add3A_206, %broadcast_in_dim3A_251], %scan3A_214#11 : memref<128x8xi32, #tpu.memory_space<vmem>>[vector<16xi32>, vector<16xi32>], vector<16xi32>,
      %mul3A_252 = arith.mulf %exp3A_222, %div3A_240 : vector<16xf32>
      tpu.vector_store_idx %arg9[%add3A_206, %broadcast_in_dim3A_251], %mul3A_252 : memref<128x8xf32, #tpu.memory_space<vmem>>[vector<16xi32>, vector<16xi32>], vector<16xf32>,
      %broadcast_in_dim3A_253 = arith.constant 4 : i32
      %broadcast_in_dim3A_254 = vector.broadcast %broadcast_in_dim3A_253 : i32 to vector<16xi32>
      tpu.vector_store_idx %arg8[%add3A_206, %broadcast_in_dim3A_254], %scan3A_214#12 : memref<128x8xi32, #tpu.memory_space<vmem>>[vector<16xi32>, vector<16xi32>], vector<16xi32>,
      %mul3A_255 = arith.mulf %exp3A_224, %div3A_240 : vector<16xf32>
      tpu.vector_store_idx %arg9[%add3A_206, %broadcast_in_dim3A_254], %mul3A_255 : memref<128x8xf32, #tpu.memory_space<vmem>>[vector<16xi32>, vector<16xi32>], vector<16xf32>,
      %broadcast_in_dim3A_256 = arith.constant 5 : i32
      %broadcast_in_dim3A_257 = vector.broadcast %broadcast_in_dim3A_256 : i32 to vector<16xi32>
      tpu.vector_store_idx %arg8[%add3A_206, %broadcast_in_dim3A_257], %scan3A_214#13 : memref<128x8xi32, #tpu.memory_space<vmem>>[vector<16xi32>, vector<16xi32>], vector<16xi32>,
      %mul3A_258 = arith.mulf %exp3A_226, %div3A_240 : vector<16xf32>
      tpu.vector_store_idx %arg9[%add3A_206, %broadcast_in_dim3A_257], %mul3A_258 : memref<128x8xf32, #tpu.memory_space<vmem>>[vector<16xi32>, vector<16xi32>], vector<16xf32>,
      %broadcast_in_dim3A_259 = arith.constant 6 : i32
      %broadcast_in_dim3A_260 = vector.broadcast %broadcast_in_dim3A_259 : i32 to vector<16xi32>
      tpu.vector_store_idx %arg8[%add3A_206, %broadcast_in_dim3A_260], %scan3A_214#14 : memref<128x8xi32, #tpu.memory_space<vmem>>[vector<16xi32>, vector<16xi32>], vector<16xi32>,
      %mul3A_261 = arith.mulf %exp3A_228, %div3A_240 : vector<16xf32>
      tpu.vector_store_idx %arg9[%add3A_206, %broadcast_in_dim3A_260], %mul3A_261 : memref<128x8xf32, #tpu.memory_space<vmem>>[vector<16xi32>, vector<16xi32>], vector<16xf32>,
      %broadcast_in_dim3A_262 = arith.constant 7 : i32
      %broadcast_in_dim3A_263 = vector.broadcast %broadcast_in_dim3A_262 : i32 to vector<16xi32>
      tpu.vector_store_idx %arg8[%add3A_206, %broadcast_in_dim3A_263], %scan3A_214#15 : memref<128x8xi32, #tpu.memory_space<vmem>>[vector<16xi32>, vector<16xi32>], vector<16xi32>,
      %mul3A_264 = arith.mulf %exp3A_230, %div3A_240 : vector<16xf32>
      tpu.vector_store_idx %arg9[%add3A_206, %broadcast_in_dim3A_263], %mul3A_264 : memref<128x8xf32, #tpu.memory_space<vmem>>[vector<16xi32>, vector<16xi32>], vector<16xf32>,
    }
    %scan3A_161 = arith.constant 8 : i32
    %add3A_162 = arith.constant 384 : i32
    %add3A_163 = arith.addi %select_n3A_32, %add3A_162 : i32
    %dma_start3A_164 = arith.constant 0 : i32
    %dma_start3A_165 = tpu.memref_slice %arg3[%select_n3A, %add3A_163, %dma_start3A_164] : memref<4x4096x8xi32, #tpu.memory_space<hbm>> -> memref<1x128x8xi32, #tpu.memory_space<hbm>>
    %dma_start3A_166 = tpu.memref_squeeze %dma_start3A_165 : memref<1x128x8xi32, #tpu.memory_space<hbm>> -> memref<128x8xi32, #tpu.memory_space<hbm>>
    %dma_start3A_167 = arith.constant 0 : i32
    %dma_start3A_168 = tpu.memref_slice %arg3[%select_n3A, %add3A_163, %dma_start3A_167] : memref<4x4096x8xi32, #tpu.memory_space<hbm>> -> memref<1x128x8xi32, #tpu.memory_space<hbm>>
    %dma_start3A_169 = tpu.memref_squeeze %dma_start3A_168 : memref<1x128x8xi32, #tpu.memory_space<hbm>> -> memref<128x8xi32, #tpu.memory_space<hbm>>
    tpu.enqueue_dma source(%arg8 : memref<128x8xi32, #tpu.memory_space<vmem>>) target(%dma_start3A_169 : memref<128x8xi32, #tpu.memory_space<hbm>>) target_semaphore(%arg11 : memref<!tpu.dma_semaphore, #tpu.memory_space<semaphore_mem>>)
    %dma_start3A_170 = arith.constant 0 : i32
    %dma_start3A_171 = tpu.memref_slice %arg4[%select_n3A, %add3A_163, %dma_start3A_170] : memref<4x4096x8xf32, #tpu.memory_space<hbm>> -> memref<1x128x8xf32, #tpu.memory_space<hbm>>
    %dma_start3A_172 = tpu.memref_squeeze %dma_start3A_171 : memref<1x128x8xf32, #tpu.memory_space<hbm>> -> memref<128x8xf32, #tpu.memory_space<hbm>>
    %dma_start3A_173 = arith.constant 0 : i32
    %dma_start3A_174 = tpu.memref_slice %arg4[%select_n3A, %add3A_163, %dma_start3A_173] : memref<4x4096x8xf32, #tpu.memory_space<hbm>> -> memref<1x128x8xf32, #tpu.memory_space<hbm>>
    %dma_start3A_175 = tpu.memref_squeeze %dma_start3A_174 : memref<1x128x8xf32, #tpu.memory_space<hbm>> -> memref<128x8xf32, #tpu.memory_space<hbm>>
    tpu.enqueue_dma source(%arg9 : memref<128x8xf32, #tpu.memory_space<vmem>>) target(%dma_start3A_175 : memref<128x8xf32, #tpu.memory_space<hbm>>) target_semaphore(%arg11 : memref<!tpu.dma_semaphore, #tpu.memory_space<semaphore_mem>>)
    %dma_wait3A_176 = arith.constant 0 : i32
    %dma_wait3A_177 = tpu.memref_slice %arg3[%select_n3A, %add3A_131, %dma_wait3A_176] : memref<4x4096x8xi32, #tpu.memory_space<hbm>> -> memref<1x128x8xi32, #tpu.memory_space<hbm>>
    %dma_wait3A_178 = tpu.memref_squeeze %dma_wait3A_177 : memref<1x128x8xi32, #tpu.memory_space<hbm>> -> memref<128x8xi32, #tpu.memory_space<hbm>>
    %dma_wait3A_179 = arith.constant 0 : i32
    %dma_wait3A_180 = tpu.memref_slice %arg3[%select_n3A, %add3A_131, %dma_wait3A_179] : memref<4x4096x8xi32, #tpu.memory_space<hbm>> -> memref<1x128x8xi32, #tpu.memory_space<hbm>>
    %dma_wait3A_181 = tpu.memref_squeeze %dma_wait3A_180 : memref<1x128x8xi32, #tpu.memory_space<hbm>> -> memref<128x8xi32, #tpu.memory_space<hbm>>
    tpu.wait_dma2 semaphore(%arg10 : memref<!tpu.dma_semaphore, #tpu.memory_space<semaphore_mem>>) src(%arg6 : memref<128x8xi32, #tpu.memory_space<vmem>>) dst(%dma_wait3A_181 : memref<128x8xi32, #tpu.memory_space<hbm>>)
    %dma_wait3A_182 = arith.constant 0 : i32
    %dma_wait3A_183 = tpu.memref_slice %arg4[%select_n3A, %add3A_131, %dma_wait3A_182] : memref<4x4096x8xf32, #tpu.memory_space<hbm>> -> memref<1x128x8xf32, #tpu.memory_space<hbm>>
    %dma_wait3A_184 = tpu.memref_squeeze %dma_wait3A_183 : memref<1x128x8xf32, #tpu.memory_space<hbm>> -> memref<128x8xf32, #tpu.memory_space<hbm>>
    %dma_wait3A_185 = arith.constant 0 : i32
    %dma_wait3A_186 = tpu.memref_slice %arg4[%select_n3A, %add3A_131, %dma_wait3A_185] : memref<4x4096x8xf32, #tpu.memory_space<hbm>> -> memref<1x128x8xf32, #tpu.memory_space<hbm>>
    %dma_wait3A_187 = tpu.memref_squeeze %dma_wait3A_186 : memref<1x128x8xf32, #tpu.memory_space<hbm>> -> memref<128x8xf32, #tpu.memory_space<hbm>>
    tpu.wait_dma2 semaphore(%arg10 : memref<!tpu.dma_semaphore, #tpu.memory_space<semaphore_mem>>) src(%arg7 : memref<128x8xf32, #tpu.memory_space<vmem>>) dst(%dma_wait3A_187 : memref<128x8xf32, #tpu.memory_space<hbm>>)
    %dma_wait3A_188 = arith.constant 0 : i32
    %dma_wait3A_189 = tpu.memref_slice %arg3[%select_n3A, %add3A_163, %dma_wait3A_188] : memref<4x4096x8xi32, #tpu.memory_space<hbm>> -> memref<1x128x8xi32, #tpu.memory_space<hbm>>
    %dma_wait3A_190 = tpu.memref_squeeze %dma_wait3A_189 : memref<1x128x8xi32, #tpu.memory_space<hbm>> -> memref<128x8xi32, #tpu.memory_space<hbm>>
    %dma_wait3A_191 = arith.constant 0 : i32
    %dma_wait3A_192 = tpu.memref_slice %arg3[%select_n3A, %add3A_163, %dma_wait3A_191] : memref<4x4096x8xi32, #tpu.memory_space<hbm>> -> memref<1x128x8xi32, #tpu.memory_space<hbm>>
    %dma_wait3A_193 = tpu.memref_squeeze %dma_wait3A_192 : memref<1x128x8xi32, #tpu.memory_space<hbm>> -> memref<128x8xi32, #tpu.memory_space<hbm>>
    tpu.wait_dma2 semaphore(%arg11 : memref<!tpu.dma_semaphore, #tpu.memory_space<semaphore_mem>>) src(%arg8 : memref<128x8xi32, #tpu.memory_space<vmem>>) dst(%dma_wait3A_193 : memref<128x8xi32, #tpu.memory_space<hbm>>)
    %dma_wait3A_194 = arith.constant 0 : i32
    %dma_wait3A_195 = tpu.memref_slice %arg4[%select_n3A, %add3A_163, %dma_wait3A_194] : memref<4x4096x8xf32, #tpu.memory_space<hbm>> -> memref<1x128x8xf32, #tpu.memory_space<hbm>>
    %dma_wait3A_196 = tpu.memref_squeeze %dma_wait3A_195 : memref<1x128x8xf32, #tpu.memory_space<hbm>> -> memref<128x8xf32, #tpu.memory_space<hbm>>
    %dma_wait3A_197 = arith.constant 0 : i32
    %dma_wait3A_198 = tpu.memref_slice %arg4[%select_n3A, %add3A_163, %dma_wait3A_197] : memref<4x4096x8xf32, #tpu.memory_space<hbm>> -> memref<1x128x8xf32, #tpu.memory_space<hbm>>
    %dma_wait3A_199 = tpu.memref_squeeze %dma_wait3A_198 : memref<1x128x8xf32, #tpu.memory_space<hbm>> -> memref<128x8xf32, #tpu.memory_space<hbm>>
    tpu.wait_dma2 semaphore(%arg11 : memref<!tpu.dma_semaphore, #tpu.memory_space<semaphore_mem>>) src(%arg9 : memref<128x8xf32, #tpu.memory_space<vmem>>) dst(%dma_wait3A_199 : memref<128x8xf32, #tpu.memory_space<hbm>>)
    return
  }
}

module attributes {stable_mosaic.version = 14 : i64} {
  func.func @_mm_kernel(%arg0: i32, %arg1: memref<512x4096xf32, #tpu.memory_space<vmem>>, %arg2: memref<64x4096xf32, #tpu.memory_space<vmem>>, %arg3: memref<64x512xf32, #tpu.memory_space<vmem>>) attributes {dimension_semantics = [#tpu.dimension_semantics<arbitrary>], iteration_bounds = array<i64: 32>, scalar_prefetch = 0 : i64, scratch_operands = 0 : i64, tpu.core_type = #tpu.core_type<tc>, window_params = [{transform_indices = @transform_0, window_bounds = array<i64: 512, 4096>}, {pipeline_mode = #tpu.pipeline_mode<synchronous>, transform_indices = @transform_1, window_bounds = array<i64: 64, 4096>}, {transform_indices = @transform_2, window_bounds = array<i64: 64, 512>}]} {
    %get3A = arith.constant 0 : index
    %get3A_0 = arith.constant 0 : index
    %get3A_1 = vector.load %arg2[%get3A, %get3A_0] : memref<64x4096xf32, #tpu.memory_space<vmem>>, vector<64x4096xf32>
    %get3A_2 = arith.constant 0 : index
    %get3A_3 = arith.constant 0 : index
    %get3A_4 = vector.load %arg1[%get3A_2, %get3A_3] : memref<512x4096xf32, #tpu.memory_space<vmem>>, vector<512x4096xf32>
    %dot_general3A = arith.constant dense<0.000000e+00> : vector<64x512xf32>
    %dot_general3A_5 = tpu.matmul %get3A_1, %get3A_4, %dot_general3A {dimension_numbers = #tpu.dot_dimension_numbers<[1], [1], [0], [0], [0, 0, 1, 0], [], []>, transpose_lhs_hint = false} : vector<64x4096xf32>, vector<512x4096xf32>, vector<64x512xf32> -> vector<64x512xf32>
    %swap3A = arith.constant 0 : index
    %swap3A_6 = arith.constant 0 : index
    %swap3A_7 = vector.load %arg3[%swap3A, %swap3A_6] : memref<64x512xf32, #tpu.memory_space<vmem>>, vector<64x512xf32>
    tpu.vector_store %arg3[%swap3A, %swap3A_6], %dot_general3A_5 {strides = array<i32>} : memref<64x512xf32, #tpu.memory_space<vmem>>, vector<64x512xf32>,
    return
  }
  func.func @transform_0(%arg0: i32) -> (i32, i32) {
    %c0_i32 = arith.constant 0 : i32
    %c0_i32_0 = arith.constant 0 : i32
    return %arg0, %c0_i32 : i32, i32
  }
  func.func @transform_1(%arg0: i32) -> (i32, i32) {
    %c0_i32 = arith.constant 0 : i32
    %c0_i32_0 = arith.constant 0 : i32
    %c0_i32_1 = arith.constant 0 : i32
    return %c0_i32, %c0_i32_0 : i32, i32
  }
  func.func @transform_2(%arg0: i32) -> (i32, i32) {
    %c0_i32 = arith.constant 0 : i32
    %c0_i32_0 = arith.constant 0 : i32
    return %c0_i32, %arg0 : i32, i32
  }
}

</mosaic_0001>

<sc_bundles>
// kernel: kernel.4.cloned.1.call-start
scs
__scs_entry_jumppad:
0x0: {  	(pc) =	sbr.rel $0x88, $3  }
0x1: {  	(tag) =	ssettag $0x0;
	lr =	simm.s32 $0x1  }
0x2: {  	[smem:$0x3F9F] =	sst lr;
	_ =	strace $0xD0000000  }
0x3: {  	_ = 	snop  }
0x4: {  	_ = 	snop  }
0x5: {  	_ = 	snop  }
0x6: {  	_ = 	snop  }
0x7: {  	_ = 	snop  }
__scs_overlays_trampoline_lowered:
0x8: {  	[smem:$0x3FAE] =	sst s0  }
0x9: {  	[smem:$0x3FAF] =	sst s1  }
0xa: {  	[smem:$0x3FB0] =	sst s2  }
0xb: {  	[smem:$0x3FB1] =	sst s3  }
0xc: {  	[smem:$0x3FB2] =	sst s4  }
0xd: {  	[smem:$0x3FB3] =	sst s5  }
0xe: {  	[smem:$0x3FB4] =	sst s6  }
0xf: {  	[smem:$0x3FB5] =	sst s7  }
0x10: {  	[smem:$0x3FB6] =	sst s8  }
0x11: {  	[smem:$0x3FB7] =	sst s9;
	s0 =	simm.s32 @!p0 $0x0  }
0x12: {  	s1 =	sld [smem:$0x3F9D];
	s0 =	simm.s32 @p0 $0x1  }
0x13: {  	[smem:$0x3FB8] =	sst s0;
	s0 =	simm.s32 @!p1 $0x0  }
0x14: {  	s2 =	sld [smem:$0x3F9C];
	s0 =	simm.s32 @p1 $0x1  }
0x15: {  	[smem:$0x3FB9] =	sst s0;
	s0 =	simm.s32 @!p2 $0x0  }
0x16: {  	s3 =	sld [smem:$0x3FDB];
	s0 =	simm.s32 @p2 $0x1  }
0x17: {  	s4 =	simm.s32 $0x1BF5;
	[smem:$0x3FBB] =	sst s0  }
0x18: {  	s0 =	sld [smem:$0x3F9E];
	_ =	swait.ge [sflag:s4], $0x0  }
0x19: {  	s7 =	sld [smem:$0x3F9F]  }
0x1a: {  	s8 =	sadd.s32 $0xFFFFE003, lr  }
0x1b: {  	s9 =	sadd.s32 $0xFFFFFEF7, lr;
	s5 =	simm.s32 $0xFFFFFFFF;
	p2 =	slt.u32 s8, $0xFFFFF086  }
0x1c: {  	p1 =	slt.u32 s9, $0xF7A;
	s5 =	simm.s32 @!p2 $0x0  }
0x1d: {  	s5 =	simm.s32 @p1 $0x1;
	p0 =	seq.s32 s7, s2  }
0x1e: {  	s7 =	smul.u32 @!p0 $0xF7A, s2;
	p2 =	seq.s32 @!p0 s5, $0x0  }
0x1f: {  	s9 =	smul.u32 $0xF7A, s1;
	s8 =	simm.s32 @!p0 $0x1BF5;
	p2 =	por !p2, p0  }
0x20: {  	[sflag:s8] =	ssyncset.s32 @!p0 $0xFFFFF086;
	s6 =	sadd.s32 @!p0 s3, s7;
	s7 =	simm.s32 @!p0 $0x108  }
0x21: {  	s3 =	sadd.s32 s3, s9;
	s6 =	sadd.s32 @!p0 $0x88, s6;
	s7 =	simm.s32 @p2 $0x1082  }
0x22: {  	[simem:s7], [sflag:s8] =	dma.local @!p0 [hbm:s6], $0xF7A  }
0x23: {  	s9 =	sor.u32 $0xD0000000, s2;
	s6 =	simm.s32 $0x108;
	_ =	swait.ge @!p0 [sflag:s8], $0x0  }
0x24: {  	s3 =	sadd.s32 $0x88, s3;
	s6 =	simm.s32 @!p1 $0x1082;
	[sflag:s4] =	ssyncset.s32 $0xFFFFF086  }
0x25: {  	[simem:s6], [sflag:s4] =	dma.local [hbm:s3], $0xF7A  }
0x26: {  	[smem:$0x3F9F] =	sst s1;
	(tag) =	ssettag s2;
	_ =	strace s9  }
0x27: {  	s1 =	sld [smem:$0x3FAF]  }
0x28: {  	s2 =	sld [smem:$0x3FB0]  }
0x29: {  	s4 =	sld [smem:$0x3FB2]  }
0x2a: {  	p0 =	seq.s32 s5, $0x0;
	s5 =	sld [smem:$0x3FB3]  }
0x2b: {  	s6 =	sld [smem:$0x3FB4]  }
0x2c: {  	s7 =	sld [smem:$0x3FB5]  }
0x2d: {  	s3 =	simm.s32 $0x108;
	s8 =	sld [smem:$0x3FB6]  }
0x2e: {  	s3 =	simm.s32 @!p0 $0x1082;
	s9 =	sld [smem:$0x3FB7]  }
0x2f: {  	lr =	sadd.s32 s0, s3;
	s0 =	sld [smem:$0x3FAE]  }
0x30: {  	s3 =	sld [smem:$0x3FB1]  }
0x31: {  	[smem:$0x3FBA] =	sst s10  }
0x32: {  	s10 =	sld [smem:$0x3FB8];
	_ =	sdelay $0x3  }
0x33: {  	p0 =	seq.s32 s10, $0x1;
	s10 =	sld [smem:$0x3FBA];
	_ =	sdelay $0x3  }
0x34: {  	[smem:$0x3FBA] =	sst s10  }
0x35: {  	s10 =	sld [smem:$0x3FB9];
	_ =	sdelay $0x3  }
0x36: {  	p1 =	seq.s32 s10, $0x1;
	s10 =	sld [smem:$0x3FBA];
	_ =	sdelay $0x3  }
0x37: {  	[smem:$0x3FBA] =	sst s10  }
0x38: {  	s10 =	sld [smem:$0x3FBB]  }
0x39: {  	_ = 	snop;
	(pc) =	sbr.ind lr, $3  }
0x3a: {  	_ = 	snop  }
0x3b: {  	_ = 	snop  }
0x3c: {  	p2 =	seq.s32 s10, $0x1;
	s10 =	sld [smem:$0x3FBA]  }
0x3d: {  	_ =	shalt  }
0x3e: {  	_ =	shalt  }
0x3f: {  	_ =	shalt  }
0x40: {  	_ =	shalt  }
0x41: {  	_ =	shalt  }
0x42: {  	_ =	shalt  }
0x43: {  	_ =	shalt  }
0x44: {  	_ =	shalt  }
0x45: {  	_ =	shalt  }
0x46: {  	_ =	shalt  }
0x47: {  	_ =	shalt  }
0x48: {  	_ =	shalt  }
0x49: {  	_ =	shalt  }
0x4a: {  	_ =	shalt  }
0x4b: {  	_ =	shalt  }
0x4c: {  	_ =	shalt  }
0x4d: {  	_ =	shalt  }
0x4e: {  	_ =	shalt  }
0x4f: {  	_ =	shalt  }
0x50: {  	_ =	shalt  }
0x51: {  	_ =	shalt  }
0x52: {  	_ =	shalt  }
0x53: {  	_ =	shalt  }
0x54: {  	_ =	shalt  }
0x55: {  	_ =	shalt  }
0x56: {  	_ =	shalt  }
0x57: {  	_ =	shalt  }
0x58: {  	_ =	shalt  }
0x59: {  	_ =	shalt  }
0x5a: {  	_ =	shalt  }
0x5b: {  	_ =	shalt  }
0x5c: {  	_ =	shalt  }
0x5d: {  	_ =	shalt  }
0x5e: {  	_ =	shalt  }
0x5f: {  	_ =	shalt  }
0x60: {  	_ =	shalt  }
0x61: {  	_ =	shalt  }
0x62: {  	_ =	shalt  }
0x63: {  	_ =	shalt  }
0x64: {  	_ =	shalt  }
0x65: {  	_ =	shalt  }
0x66: {  	_ =	shalt  }
0x67: {  	_ =	shalt  }
0x68: {  	_ =	shalt  }
0x69: {  	_ =	shalt  }
0x6a: {  	_ =	shalt  }
0x6b: {  	_ =	shalt  }
0x6c: {  	_ =	shalt  }
0x6d: {  	_ =	shalt  }
0x6e: {  	_ =	shalt  }
0x6f: {  	_ =	shalt  }
0x70: {  	_ =	shalt  }
0x71: {  	_ =	shalt  }
0x72: {  	_ =	shalt  }
0x73: {  	_ =	shalt  }
0x74: {  	_ =	shalt  }
0x75: {  	_ =	shalt  }
0x76: {  	_ =	shalt  }
0x77: {  	_ =	shalt  }
0x78: {  	_ =	shalt  }
0x79: {  	_ =	shalt  }
0x7a: {  	_ =	shalt  }
0x7b: {  	_ =	shalt  }
0x7c: {  	_ =	shalt  }
0x7d: {  	_ =	shalt  }
0x7e: {  	_ =	shalt  }
0x7f: {  	_ =	shalt  }
0x80: {  	_ =	shalt  }
0x81: {  	_ =	shalt  }
0x82: {  	_ =	shalt  }
0x83: {  	_ =	shalt  }
0x84: {  	_ =	shalt  }
0x85: {  	_ =	shalt  }
0x86: {  	_ =	shalt  }
0x87: {  	_ =	shalt  }
.Lfunc_end0:
.L_simem_size_0:
called_computation_lowered:
.L_overlay_start_0:
0x88: {  	s2 =	sld [smem:$0x3FD9]  }
0x89: {  	s3 =	sld [smem:$0x3FFE];
	_ =	sdelay $0x1  }
0x8a: {  	s1 =	srdreg.scid  }
0x8b: {  	s0 =	sand.u32 $0x1, s1  }
0x8c: {  	s16 =	sshll.u32 s0, $0xA;
	s2 =	sadd.s32 s3, s2  }
0x8d: {  	s2 =	sadd.s32 s2, s16  }
0x8e: {  	[smem:$0x3FC6] =	sst s2  }
0x8f: {  	_ = 	snop  }
0x90: {  	(tm) =	ssettm $0x1  }
0x91: {  	s17 =	sld [smem:$0x3FFB];
	_ =	sdelay $0x3  }
0x92: {  	_ =	strace s17  }
0x93: {  	s2 =	sld [smem:$0x3FFC];
	_ =	sdelay $0x3  }
0x94: {  	_ =	strace s2  }
0x95: {  	s2 =	sld [smem:$0x3FFD];
	_ =	sdelay $0x3  }
0x96: {  	_ =	strace s2  }
0x97: {  	_ =	strace $0x8FFFFFFF  }
0x98: {  	s18 =	sld [smem:$0x3FDB];
	_ =	sdelay $0x1  }
0x99: {  	s19 =	simm.s32 $_scs_section_size  }
0x9a: {  	s4 =	simm.s32 $_size__tile_overlayer_lowered;
	s5 =	simm.s32 $_tile_overlayer_lowered  }
0x9b: {  	s22 =	simm.s32 $0x1BFF;
	s21 =	sshll.u32 s5, $0x1;
	s2 =	sadd.s32 s19, s18  }
0x9c: {  	s6 =	simm.s32 $0x0;
	s20 =	sshll.u32 s4, $0x1;
	s4 =	sadd.s32 s21, s2  }
0x9d: {  	[timem:s6], [sflag:s22] =	dma.local [hbm:s4], s20  }
0x9e: {  	_ =	swait.ge [sflag:s22], s20  }
0x9f: {  	s3 =	ssub.s32 $0x0, s20;
	[sflag:s22] =	ssyncset.done $0x0  }
0xa0: {  	[sflag:s22] =	ssyncadd.s32 s3;
	_ =	sdelay $0x1  }
0xa1: {  	s23 =	simm.s32 $0x1B8B  }
0xa2: {  	_ =	swait.ge [sflag:s23], $0x1  }
0xa3: {  	[sflag:s23] =	ssyncset.done $0x0  }
0xa4: {  	s25 =	simm.s32 $0x1B8E;
	s24 =	sld [smem:$0x3FFE];
	[sflag:s23] =	ssyncadd.s32 $0xFFFFFFFF  }
0xa5: {  	s26 =	simm.s32 $execute0_lowered;
	[smem:$0x3FD2] =	sst s25  }
0xa6: {  	s4 =	sshll.u32 s26, $0x1;
	_ =	strace $0x80000046;
	[dreg:$0x1] =	wrdreg $0xFFFFFFFF  }
0xa7: {  	s28 =	simm.s32 $_size_execute0_lowered;
	s2 =	sadd.s32 s2, s4;
	[dreg:$0x0] =	wrdreg $0x0  }
0xa8: {  	s4 =	sshll.u32 s28, $0x1;
	[dreg:$0x2] =	wrdreg s2  }
0xa9: {  	[dreg:$0x3] =	wrdreg s4  }
0xaa: {  	[dreg:$0x4] =	wrdreg $0xC0  }
0xab: {  	_ =	task [dreg:s6], $0x5FFFF  }
0xac: {  	[dreg:$0x1] =	wrdreg $0xFFFFFFFF  }
0xad: {  	[dreg:$0x0] =	wrdreg $0x60  }
0xae: {  	[dreg:$0x2] =	wrdreg s24  }
0xaf: {  	[dreg:$0x3] =	wrdreg $0x9  }
0xb0: {  	_ =	task.clear_ibuf [dreg:s6], $0x4FFFF;
	_ =	strace $0x90000046  }
0xb1: {  	s29 =	simm.s32 $0x9;
	_ =	strace $0x80000048  }
0xb2: {  	_ =	swait.ge [sflag:s29], $0x1  }
0xb3: {  	[sflag:s29] =	ssyncadd.s32 $0xFFFFFFFF  }
0xb4: {  	_ =	strace $0x90000048  }
0xb5: {  	_ =	sfence  }
0xb6: {  	s30 =	sld [smem:$0x0];
	_ =	sdelay $0x2  }
0xb7: {  	s31 =	sshll.u32 s1, $0xD;
	s1 =	sshrl.u32 s1, $0x2  }
0xb8: {  	s3 =	sand.u32 $0x4000, s31;
	s1 =	sadd.s32 s1, s30  }
0xb9: {  	s0 =	sor.u32 s3, s0;
	s1 =	sshll.u32 s1, $0x11  }
0xba: {  	s0 =	sor.u32 s1, s0  }
0xbb: {  	s0 =	sadd.s32 $0x8F2B, s0  }
0xbc: {  	[sflag:s0] =	ssyncadd.remote.s32 $0x1  }
0xbd: {  	_ =	sfence.sel $0xFFFF  }
0xbe: {  	[dreg:$0x0] =	wrdreg $0xFFFFFFFF;
	(pc) =	sbr.abs _section_cstart, $3  }
0xbf: {  	[dreg:$0x1] =	wrdreg $0xFFFFFFFF  }
0xc0: {  	_ =	task.clear_ibuf [dreg:s6], $0x2FFFF;
	_ =	strace $0x9FFFFFFF  }
0xc1: {  	(tm) =	ssettm $0x7FFFFFFF  }
tec
execute0_lowered:
.L_overlay_start_1:
0x0: {  	(tag) =	ssettag $0x1  }
0x1: {  	s0 =	rddreg [dreg:$0x0]  }
0x2: {  	s1 =	srdreg.scid;
	s6 =	stileid.u32;
	s2 =	simm.s32 $0x0  }
0x3: {  	s29 =	simm.s32 $0x3;
	s30 =	simm.s32 $0x8000;
	s31 =	simm.s32 $0xC000  }
0x4: {  	s1 =	sand.u32 $0x1, s1;
	s3 =	sshll.u32 s6, $0xA;
	[smem:$0x7FF] =	sst s2  }
0x5: {  	s5 =	sadd.s32 $0x20E00, s0;
	s6 =	sshll.u32 s6, $0xE;
	s4 =	sshll.u32 s1, $0x9  }
0x6: {  	_ =	strace $0x80000047;
	s1 =	ssub.s32 $0x2, s1;
	s3 =	sor.u32 s4, s3  }
0x7: {  	s6 =	sand.u32 $0x30000, s6;
	s7 =	sshrl.u32 s1, $0x1;
	s4 =	sadd.s32 s3, s0  }
0x8: {  	s3 =	sshll.u32 s3, $0x4;
	s0 =	sadd.s32 $0x60E00, s0;
	s16 =	sadd.s32 $0xE00, s4  }
0x9: {  	s1 =	ssub.s32 s1, s7;
	s17 =	sadd.s32 $0xF00, s4;
	[dreg:$0x2] =	wrdreg s16  }
0xa: {  	s3 =	sand.u32 $0xE000, s3;
	s24 =	smax.u32 s1, $0x1;
	[dreg:$0x3] =	wrdreg s17  }
0xb: {  	s25 =	sadd.s32 $0x4E00, s4;
	s26 =	sadd.s32 $0x8E00, s4;
	[dreg:$0xc] =	wrdreg s24  }
0xc: {  	s28 =	sadd.s32 $0x1CF00, s4;
	s1 =	simm.s32 $0x14000;
	[dreg:$0xd] =	wrdreg s25  }
0xd: {  	s3 =	sor.u32 s6, s3;
	[dreg:$0xe] =	wrdreg s26;
	s16 =	sadd.s32 $0xCE00, s4  }
0xe: {  	s17 =	sadd.s32 $0x10E00, s4;
	s24 =	sadd.s32 $0x10F00, s4;
	s25 =	sadd.s32 $0x14F00, s4  }
0xf: {  	s26 =	sadd.s32 $0x18F00, s4;
	s18 =	sor.u32 $0x800, s3;
	s19 =	sadd.s32 s5, s3  }
0x10: {  	s20 =	sadd.s32 s0, s3;
	s22 =	sor.u32 $0x1000, s3;
	[dreg:$0x4] =	wrdreg s19  }
0x11: {  	s3 =	sor.u32 $0x1800, s3;
	[dreg:$0x5] =	wrdreg s20;
	s21 =	sadd.s32 s5, s18  }
0x12: {  	s6 =	sadd.s32 s0, s18;
	s23 =	sadd.s32 s5, s22;
	[dreg:$0x6] =	wrdreg s21  }
0x13: {  	s5 =	sadd.s32 s5, s3;
	s18 =	sadd.s32 $0x14E00, s4;
	[dreg:$0x7] =	wrdreg s6  }
0x14: {  	s19 =	sadd.s32 $0x18E00, s4;
	s20 =	sadd.s32 $0x1CE00, s4;
	[dreg:$0x8] =	wrdreg s23  }
0x15: {  	s6 =	sadd.s32 s0, s22;
	[dreg:$0xa] =	wrdreg s5;
	s0 =	sadd.s32 s0, s3  }
0x16: {  	s21 =	sadd.s32 $0x4F00, s4;
	s22 =	sadd.s32 $0x8F00, s4;
	s23 =	sadd.s32 $0xCF00, s4  }
0x17: {  	v0 =	vlaneseq.u32;
	s3 =	simm.s32 $0x1;
	s4 =	simm.s32 $0x2;
	[dreg:$0x9] =	wrdreg s6  }
0x18: {  	v0 =	vmul.u32 $0x80, v0;
	s5 =	simm.s32 $0x0;
	[dreg:$0xb] =	wrdreg s0;
	s0 =	simm.s32 $0x10000  }
.LBB2_1:
0x19: {  	s6 =	rddreg [dreg:$0x2]  }
0x1a: {  	[tilespmem:s2], [sflag:$0x3] =	stream.linear.gather [hbm4b:s6+s2], $0x800, $0x38;
	[tilespmem:$0x18000] =	vst v63  }
0x1b: {  	s8 =	rddreg [dreg:$0xd];
	s7 =	simm.s32 $0x1000  }
0x1c: {  	[tilespmem:s7], [sflag:$0x3] =	stream.linear.gather [hbm4b:s8+s2], $0x800, $0x38;
	[tilespmem:$0x18000] =	vst v63  }
0x1d: {  	s9 =	rddreg [dreg:$0xe];
	s10 =	simm.s32 $0x2000  }
0x1e: {  	[tilespmem:s10], [sflag:$0x3] =	stream.linear.gather [hbm4b:s9+s2], $0x800, $0x38;
	[tilespmem:$0x18000] =	vst v63  }
0x1f: {  	s11 =	simm.s32 $0x3000  }
0x20: {  	[tilespmem:s11], [sflag:$0x3] =	stream.linear.gather [hbm4b:s16+s2], $0x800, $0x38;
	[tilespmem:$0x18000] =	vst v63  }
0x21: {  	s12 =	simm.s32 $0x4000  }
0x22: {  	[tilespmem:s12], [sflag:$0x3] =	stream.linear.gather [hbm4b:s17+s2], $0x800, $0x38;
	[tilespmem:$0x18000] =	vst v63  }
0x23: {  	s13 =	simm.s32 $0x5000  }
0x24: {  	[tilespmem:s13], [sflag:$0x3] =	stream.linear.gather [hbm4b:s18+s2], $0x800, $0x38;
	[tilespmem:$0x18000] =	vst v63  }
0x25: {  	s14 =	simm.s32 $0x6000  }
0x26: {  	[tilespmem:s14], [sflag:$0x3] =	stream.linear.gather [hbm4b:s19+s2], $0x800, $0x38;
	[tilespmem:$0x18000] =	vst v63  }
0x27: {  	s15 =	simm.s32 $0x7000  }
0x28: {  	[tilespmem:s15], [sflag:$0x3] =	stream.linear.gather [hbm4b:s20+s2], $0x800, $0x38;
	[tilespmem:$0x18000] =	vst v63  }
0x29: {  	s7 =	rddreg [dreg:$0x3];
	s8 =	simm.s32 $0x800  }
0x2a: {  	[tilespmem:s8], [sflag:$0x3] =	stream.linear.gather [hbm4b:s7+s2], $0x800, $0x38;
	[tilespmem:$0x18000] =	vst v63  }
0x2b: {  	s9 =	simm.s32 $0x1800  }
0x2c: {  	[tilespmem:s9], [sflag:$0x3] =	stream.linear.gather [hbm4b:s21+s2], $0x800, $0x38;
	[tilespmem:$0x18000] =	vst v63  }
0x2d: {  	s10 =	simm.s32 $0x2800  }
0x2e: {  	[tilespmem:s10], [sflag:$0x3] =	stream.linear.gather [hbm4b:s22+s2], $0x800, $0x38;
	[tilespmem:$0x18000] =	vst v63  }
0x2f: {  	s11 =	simm.s32 $0x3800  }
0x30: {  	[tilespmem:s11], [sflag:$0x3] =	stream.linear.gather [hbm4b:s23+s2], $0x800, $0x38;
	[tilespmem:$0x18000] =	vst v63  }
0x31: {  	s12 =	simm.s32 $0x4800  }
0x32: {  	[tilespmem:s12], [sflag:$0x3] =	stream.linear.gather [hbm4b:s24+s2], $0x800, $0x38;
	[tilespmem:$0x18000] =	vst v63  }
0x33: {  	s13 =	simm.s32 $0x5800  }
0x34: {  	[tilespmem:s13], [sflag:$0x3] =	stream.linear.gather [hbm4b:s25+s2], $0x800, $0x38;
	[tilespmem:$0x18000] =	vst v63  }
0x35: {  	s14 =	simm.s32 $0x6800  }
0x36: {  	[tilespmem:s14], [sflag:$0x3] =	stream.linear.gather [hbm4b:s26+s2], $0x800, $0x38;
	[tilespmem:$0x18000] =	vst v63  }
0x37: {  	s15 =	simm.s32 $0x7800  }
0x38: {  	[tilespmem:s15], [sflag:$0x3] =	stream.linear.gather [hbm4b:s28+s2], $0x800, $0x38;
	[tilespmem:$0x18000] =	vst v63  }
0x39: {  	_ =	swait.ge [sflag:s29], $0x4000  }
0x3a: {  	[sflag:s29] =	ssyncset.done $0x0  }
0x3b: {  	s6 =	simm.s32 $0x0;
	[sflag:s29] =	ssyncadd.s32 $0xFFFFC000  }
.LBB2_2:
0x3c: {  	s7 =	sshll.u32 s6, $0x4  }
0x3d: {  	v1 =	vmov s7;
	_ =	sdelay $0x1  }
0x3e: {  	s9 =	simm.s32 $0x0  }
0x3f: {  	s8 =	sand.u32 $0x7000, s9;
	s7 =	sand.u32 $0x200, s9  }
0x40: {  	s7 =	sor.u32 s7, s8  }
0x41: {  	s10 =	simm.s32 $0x80;
	v2 =	vld.idx.msk [tilespmem:v1+s7+$0x0 ss:$0x1], $0xffff  }
0x42: {  	s7 =	sand.u32 $0x280, s10  }
0x43: {  	s11 =	simm.s32 $0x100;
	s7 =	sor.u32 s7, s8  }
0x44: {  	v3 =	vld.idx.msk [tilespmem:v1+s7+$0x0 ss:$0x1], $0xffff;
	s7 =	sand.u32 $0x300, s11  }
0x45: {  	v4 =	vimm.f32 $-Inf;
	s7 =	sor.u32 s7, s8  }
0x46: {  	v5 =	vld.idx.msk [tilespmem:v1+s7+$0x0 ss:$0x1], $0xffff;
	vm0 =	vgt.f32 v2, v4  }
0x47: {  	v6 =	vimm.s32 $0x0;
	s12 =	simm.s32 $0x0;
	v2 =	vsel vm0, v2, v4  }
0x48: {  	s9 =	simm.s32 $0x180;
	v7 =	vsel vm0, s12, v6;
	v4 =	vsel vm0, v4, v2  }
0x49: {  	s14 =	simm.s32 $0x1;
	s13 =	sand.u32 $0x380, s9;
	v9 =	vsel vm0, v6, v7;
	vm0 =	vgt.f32 v3, v2;
	vm1 =	vgt.f32 v3, v4  }
0x4a: {  	s7 =	sor.u32 s13, s8;
	v11 =	vsel vm0, v3, v2;
	v12 =	vsel vm0, s14, v7;
	v8 =	vsel vm1, v3, v4  }
0x4b: {  	v6 =	vld.idx.msk [tilespmem:v1+s7+$0x0 ss:$0x1], $0xffff;
	v10 =	vsel vm1, s14, v9;
	vm5 =	vgt.f32 v5, v11;
	v4 =	vsel vm1, v4, v8  }
0x4c: {  	s15 =	simm.s32 $0x2;
	v9 =	vsel vm1, v9, v10;
	v13 =	vsel vm0, v2, v8;
	vm1 =	vgt.f32 v5, v4  }
0x4d: {  	v21 =	vsel vm5, v5, v11;
	vm4 =	vgt.f32 v5, v13;
	v2 =	vsel vm1, s15, v9  }
0x4e: {  	v18 =	vsel vm1, v5, v4;
	v8 =	vsel vm1, v5, v4;
	v3 =	vsel vm1, v9, v2  }
0x4f: {  	v17 =	vsel vm1, v4, v8;
	v4 =	vsel vm4, v5, v13;
	v5 =	vsel vm0, v7, v10  }
0x50: {  	vm1 =	vgt.f32 v6, v21;
	vm2 =	vgt.f32 v6, v17;
	v20 =	vsel vm5, v11, v4  }
0x51: {  	s7 =	simm.s32 $0x3;
	v4 =	vsel vm5, s15, v12;
	v9 =	vsel vm4, v5, v2;
	v5 =	vsel vm4, s15, v5  }
0x52: {  	v7 =	vsel vm1, v6, v21;
	v19 =	vmovc v17;
	v8 =	vsel vm2, s7, v3;
	v2 =	vsel vm1, s7, v4  }
0x53: {  	v11 =	vmovc v3;
	v15 =	vmovc v17;
	vm3 =	vgt.f32 v6, v20;
	v22 =	vsel vm2, v6, v17;
	v10 =	vsel vm2, s7, v3  }
0x54: {  	s9 =	simm.s32 $0x7;
	s13 =	simm.s32 $0x200;
	s8 =	simm.s32 $0x800;
	v14 =	vsel vm5, v12, v5;
	v12 =	vmovc v3;
	vm0 =	vmmov vm2;
	v16 =	vsel vm2, v17, v22;
	v5 =	vmovc v3  }
.LBB2_3:
0x55: {  	s11 =	sand.u32 $0x7000, s8  }
0x56: {  	s14 =	sand.u32 $0x200, s13;
	v13 =	vsel vm4, v13, v18;
	vm4 =	vgt.f32 v6, v17;
	v18 =	vsel vm2, s7, v3;
	s12 =	smov.u32 s13;
	s10 =	sadd.s32 $0x200, s13  }
0x57: {  	p0 =	sne.s32 s13, $0x1E00;
	vm6 =	vgt.f32 v6, v19;
	s14 =	sor.u32 s14, s11;
	v23 =	vsel vm4, v6, v17;
	v24 =	vsel vm4, s7, v12  }
0x58: {  	v26 =	vsel vm3, v6, v20;
	vm5 =	vgt.f32 v6, v13;
	v25 =	vld.idx.msk [tilespmem:v1+s14+$0x0 ss:$0x1], $0xffff;
	v23 =	vsel vm6, v19, v23  }
0x59: {  	s13 =	sadd.s32 $0x80, s12;
	v21 =	vsel vm1, v21, v26;
	v12 =	vsel vm4, v12, v18;
	v24 =	vsel vm6, v11, v24  }
0x5a: {  	v17 =	vsel vm4, v17, v22;
	s13 =	sand.u32 $0x280, s13;
	v18 =	vsel vm5, v6, v13;
	v26 =	vsel vm5, s7, v9  }
0x5b: {  	v3 =	vsel vm2, v3, v10;
	s13 =	sor.u32 s13, s11;
	v18 =	vsel vm3, v20, v18;
	v20 =	vsel vm3, v14, v26  }
0x5c: {  	v8 =	vsel vm5, v9, v8;
	v9 =	vsel vm6, v6, v19;
	v14 =	vsel vm3, s7, v14;
	v22 =	vld.idx.msk [tilespmem:v1+s13+$0x0 ss:$0x1], $0xffff;
	s13 =	sadd.s32 $0x100, s12  }
0x5d: {  	v10 =	vsel vm6, s7, v11;
	v6 =	vsel vm0, v6, v15;
	v9 =	vsel vm0, v15, v9;
	s7 =	smov.u32 s9;
	s13 =	sand.u32 $0x300, s13  }
0x5e: {  	v5 =	vsel vm0, v5, v10;
	vm2 =	vgt.f32 v25, v21;
	vm3 =	vgt.f32 v25, v18;
	s13 =	sor.u32 s13, s11  }
0x5f: {  	v6 =	vsel vm5, v13, v6;
	vm6 =	vgt.f32 v25, v9;
	vm4 =	vgt.f32 v25, v23;
	v10 =	vld.idx.msk [tilespmem:v1+s13+$0x0 ss:$0x1], $0xffff  }
0x60: {  	vm9 =	vgt.f32 v25, v16;
	v11 =	vsel vm6, v25, v9  }
0x61: {  	v4 =	vsel vm1, v4, v14;
	vm8 =	vgt.f32 v25, v17;
	v13 =	vsel vm4, v25, v23  }
0x62: {  	vm0 =	vgt.f32 v25, v7;
	vm7 =	vgt.f32 v25, v6;
	v14 =	vsel vm9, v25, v16  }
0x63: {  	v15 =	vsel vm3, v25, v18;
	v16 =	vsel vm7, v25, v6;
	v19 =	vsel vm8, v25, v17;
	s13 =	sadd.s32 $0xFFFFFFFD, s9  }
0x64: {  	v15 =	vsel vm2, v21, v15;
	v9 =	vsel vm6, v9, v13;
	v26 =	vsel vm6, s13, v5  }
0x65: {  	v13 =	vsel vm3, s13, v20;
	vm1 =	vgt.f32 v22, v15;
	vm5 =	vgt.f32 v22, v9  }
0x66: {  	v6 =	vsel vm7, v6, v11;
	v11 =	vsel vm8, s13, v12;
	v27 =	vsel vm5, v22, v9  }
0x67: {  	v21 =	vsel vm2, v25, v21;
	v14 =	vsel vm8, v17, v14;
	v3 =	vsel vm9, s13, v3  }
0x68: {  	v17 =	vsel vm0, v25, v7;
	v19 =	vsel vm4, v23, v19;
	vm9 =	vgt.f32 v22, v14  }
0x69: {  	v23 =	vsel vm7, s13, v8;
	v25 =	vsel vm4, s13, v24;
	v3 =	vsel vm8, v12, v3  }
0x6a: {  	s14 =	sadd.s32 $0xFFFFFFFE, s9;
	v7 =	vsel vm0, v7, v21;
	v5 =	vsel vm6, v5, v25;
	v12 =	vsel vm9, v22, v14  }
0x6b: {  	v8 =	vsel vm7, v8, v26;
	vm8 =	vgt.f32 v22, v19;
	v14 =	vsel vm5, s14, v5  }
0x6c: {  	v21 =	vsel vm2, s13, v4;
	v25 =	vsel vm8, v22, v19;
	v3 =	vsel vm9, s14, v3  }
0x6d: {  	v11 =	vsel vm4, v24, v11;
	vm4 =	vgt.f32 v22, v6;
	v24 =	vsel vm1, v22, v15  }
0x6e: {  	v21 =	vsel vm0, v2, v21;
	vm7 =	vgt.f32 v22, v7;
	v26 =	vsel vm8, s14, v11  }
0x6f: {  	v16 =	vsel vm3, v18, v16;
	v20 =	vsel vm3, v20, v23;
	v23 =	vsel vm7, s14, v21  }
0x70: {  	vm3 =	vgt.f32 v22, v17;
	vm6 =	vgt.f32 v22, v16;
	v5 =	vsel vm5, v5, v26  }
0x71: {  	v4 =	vsel vm2, v4, v13;
	v18 =	vsel vm6, v22, v16;
	v3 =	vsel vm8, v11, v3  }
0x72: {  	v11 =	vsel vm7, v22, v7;
	v26 =	vsel vm1, s14, v4;
	v25 =	vsel vm5, v9, v25  }
0x73: {  	v9 =	vsel vm3, v22, v17;
	v13 =	vsel vm3, v17, v11;
	v11 =	vsel vm8, v19, v12  }
0x74: {  	v27 =	vsel vm4, v6, v27;
	v12 =	vsel vm6, s14, v20;
	v17 =	vsel vm4, s14, v8  }
0x75: {  	s15 =	sadd.s32 $0xFFFFFFFF, s9;
	s12 =	sadd.s32 $0x180, s12;
	v28 =	vsel vm1, v4, v12;
	v4 =	vsel vm4, v22, v6;
	vm2 =	vgt.f32 v10, v11  }
0x76: {  	s12 =	sand.u32 $0x380, s12;
	v7 =	vsel vm7, v7, v24;
	v12 =	vsel vm7, v21, v26;
	v3 =	vsel vm2, s15, v3  }
0x77: {  	s11 =	sor.u32 s12, s11;
	vm8 =	vgt.f32 v10, v7;
	vm5 =	vgt.f32 v10, v25;
	v16 =	vsel vm6, v16, v4  }
0x78: {  	v19 =	vsel vm5, v10, v25;
	v4 =	vsel vm1, v15, v18;
	v18 =	vsel vm8, v10, v7;
	v6 =	vld.idx.msk [tilespmem:v1+s11+$0x0 ss:$0x1], $0xffff  }
0x79: {  	v24 =	vsel vm5, s15, v5;
	v22 =	vsel vm8, s15, v12;
	v26 =	vsel vm5, v5, v3  }
0x7a: {  	v14 =	vsel vm4, v8, v14;
	v3 =	vsel vm6, v20, v17;
	vm7 =	vgt.f32 v10, v16  }
0x7b: {  	vm6 =	vgt.f32 v10, v4;
	v8 =	vsel vm7, v10, v16;
	v29 =	vsel vm7, s15, v3  }
0x7c: {  	v2 =	vsel vm0, s13, v2;
	v5 =	vsel vm6, v10, v4;
	v17 =	vsel vm6, s15, v28  }
0x7d: {  	v30 =	vsel vm3, s14, v2;
	v15 =	vsel vm8, v7, v5;
	v5 =	vsel vm8, v12, v17  }
0x7e: {  	vm9 =	vgt.f32 v10, v27;
	vm4 =	vgt.f32 v10, v13;
	vm0 =	vgt.f32 v6, v15  }
0x7f: {  	v31 =	vsel vm9, v27, v19;
	vm8 =	vgt.f32 v10, v9;
	v7 =	vsel vm4, v10, v13  }
0x80: {  	v19 =	vsel vm6, v4, v8;
	v21 =	vsel vm8, v10, v9;
	v20 =	vsel vm8, v9, v7  }
0x81: {  	v4 =	vsel vm8, s15, v30;
	v7 =	vsel vm9, s15, v14;
	v8 =	vsel vm0, s9, v5  }
0x82: {  	v2 =	vsel vm3, v2, v23;
	v17 =	vsel vm9, v10, v27;
	vm1 =	vgt.f32 v6, v21  }
0x83: {  	v9 =	vsel vm4, v2, v22;
	v12 =	vsel vm7, v3, v7;
	v3 =	vsel vm9, v14, v24  }
.Ltmp0:
0x84: {  	v17 =	vsel vm7, v16, v17;
	v14 =	vsel vm4, s15, v2;
	v2 =	vsel vm2, v10, v11;
	(pc) =	sbr.rel @p0 .LBB2_3-.Ltmp0, $4  }
0x85: {  	v10 =	vsel vm5, v25, v2;
	v7 =	vsel vm1, v6, v21;
	v2 =	vsel vm1, s9, v4  }
0x86: {  	v11 =	vsel vm6, v28, v29;
	vm3 =	vgt.f32 v6, v20;
	vm5 =	vgt.f32 v6, v10  }
0x87: {  	vm2 =	vgt.f32 v6, v31;
	v16 =	vsel vm5, v6, v10;
	v10 =	vsel vm5, s9, v26  }
0x88: {  	s8 =	sadd.s32 $0x800, s8;
	s13 =	smov.u32 s10;
	v14 =	vsel vm8, v30, v14;
	v22 =	vsel vm2, v6, v31;
	s9 =	sadd.s32 $0x4, s9;
	v16 =	vsel vm2, v31, v16  }
0x89: {  	v13 =	vsel vm4, v13, v18;
	v60 =	vsel vm3, v6, v20  }
0x8a: {  	v61 =	vsub.f32 v7, v7;
	vm6 =	vgt.f32 v6, v13;
	v18 =	vsel vm1, v21, v60  }
0x8b: {  	vm15 =	vgt.f32 v6, v17;
	v23 =	vsel vm6, v6, v13;
	v18 =	vsub.f32 v18, v7  }
0x8c: {  	vm5 =	vgt.f32 v6, v19;
	v21 =	vmul.f32 $1.442695020e+00, v61;
	v62 =	vsel vm3, v20, v23  }
0x8d: {  	v63 =	vsel vm0, v6, v15;
	v18 =	vmul.f32 $1.442695020e+00, v18;
	v20 =	vsub.f32 v62, v7  }
0x8e: {  	v24 =	vsel vm5, v6, v19;
	v13 =	vsel vm6, v13, v63;
	(erf) = vpow2.f32 v21  }
0x8f: {  	v13 =	vsub.f32 v13, v7;
	(erf) = vpow2.f32 v18;
	v27 =	vmul.f32 $1.442695020e+00, v20  }
0x90: {  	v28 =	vsel vm15, v6, v17;
	v29 =	vsel vm0, v15, v24  }
0x91: {  	v15 =	vsub.f32 v29, v7;
	v13 =	vmul.f32 $1.442695020e+00, v13;
	(erf) = vpow2.f32 v27  }
0x92: {  	v6 =	vsel vm5, v19, v28  }
0x93: {  	v6 =	vsub.f32 v6, v7;
	v30 =	vmul.f32 $1.442695020e+00, v15;
	(erf) = vpow2.f32 v13  }
0x94: {  	v31 =	vsel vm15, v17, v22  }
0x95: {  	v32 =	vsub.f32 v31, v7;
	v6 =	vmul.f32 $1.442695020e+00, v6;
	(erf) = vpow2.f32 v30;
	_ =	sdelay $0x1  }
0x96: {  	v35 =	vsub.f32 v16, v7;
	v34 =	vmul.f32 $1.442695020e+00, v32;
	v33 =	vpop (erf);
	(erf) = vpow2.f32 v6  }
0x97: {  	v36 =	vpop (erf)  }
0x98: {  	v37 =	vmul.f32 $1.442695020e+00, v35;
	(erf) = vpow2.f32 v34;
	v38 =	vadd.f32 v36, v33  }
0x99: {  	v39 =	vpop (erf)  }
0x9a: {  	(erf) = vpow2.f32 v37;
	v40 =	vadd.f32 v39, v38  }
0x9b: {  	v41 =	vpop (erf)  }
0x9c: {  	v6 =	vadd.f32 v41, v40  }
0x9d: {  	v42 =	vpop (erf)  }
0x9e: {  	v6 =	vadd.f32 v42, v6  }
0x9f: {  	v43 =	vpop (erf)  }
0xa0: {  	v6 =	vadd.f32 v43, v6  }
0xa1: {  	v44 =	vpop (erf)  }
0xa2: {  	v6 =	vadd.f32 v44, v6  }
0xa3: {  	v45 =	vpop (erf)  }
0xa4: {  	v6 =	vadd.f32 v45, v6;
	_ =	sdelay $0x1  }
0xa5: {  	(erf) = vrcp.f32 v6;
	_ =	sdelay $0x4  }
0xa6: {  	v1 =	vshll.u32 v1, $0x7  }
0xa7: {  	v1 =	vor.u32 v0, v1;
	_ =	sdelay $0x1  }
0xa8: {  	v46 =	vor.u32 $0x1, v1  }
0xa9: {  	v47 =	vpop (erf)  }
0xaa: {  	v48 =	vor.u32 $0x2, v1;
	v15 =	vmul.f32 v47, v33  }
0xab: {  	v49 =	vsel vm3, s7, v14;
	[tilespmem:v1+s30+$0x0] =	vst.idx.msk $0xffff, v2  }
0xac: {  	v51 =	vor.u32 $0x3, v1;
	v2 =	vsel vm1, v4, v49;
	v50 =	vmul.f32 v47, v36;
	[tilespmem:v1+s31+$0x0] =	vst.idx.msk $0xffff, v15  }
0xad: {  	v52 =	vsel vm6, s7, v9;
	[tilespmem:v46+s30+$0x0] =	vst.idx.msk $0xffff, v2  }
0xae: {  	v54 =	vor.u32 $0x4, v1;
	v53 =	vmul.f32 v47, v39;
	v2 =	vsel vm3, v14, v52;
	[tilespmem:v46+s31+$0x0] =	vst.idx.msk $0xffff, v50  }
0xaf: {  	[tilespmem:v48+s30+$0x0] =	vst.idx.msk $0xffff, v2  }
0xb0: {  	v56 =	vor.u32 $0x5, v1;
	v55 =	vmul.f32 v47, v41;
	v2 =	vsel vm6, v9, v8;
	[tilespmem:v48+s31+$0x0] =	vst.idx.msk $0xffff, v53  }
0xb1: {  	v57 =	vsel vm5, s7, v11;
	[tilespmem:v51+s30+$0x0] =	vst.idx.msk $0xffff, v2  }
0xb2: {  	v59 =	vor.u32 $0x6, v1;
	v58 =	vmul.f32 v47, v42;
	v2 =	vsel vm0, v5, v57;
	[tilespmem:v51+s31+$0x0] =	vst.idx.msk $0xffff, v55  }
0xb3: {  	v60 =	vsel vm15, s7, v12;
	[tilespmem:v54+s30+$0x0] =	vst.idx.msk $0xffff, v2  }
0xb4: {  	s6 =	sadd.s32 $0x1, s6;
	v61 =	vmul.f32 v47, v43;
	v1 =	vor.u32 $0x7, v1;
	v2 =	vsel vm5, v11, v60;
	[tilespmem:v54+s31+$0x0] =	vst.idx.msk $0xffff, v58  }
0xb5: {  	p0 =	sne.s32 s6, $0x8;
	v62 =	vsel vm2, s7, v3;
	[tilespmem:v56+s30+$0x0] =	vst.idx.msk $0xffff, v2  }
.Ltmp1:
0xb6: {  	v63 =	vmul.f32 v47, v44;
	v2 =	vsel vm15, v12, v62;
	[tilespmem:v56+s31+$0x0] =	vst.idx.msk $0xffff, v61;
	(pc) =	sbr.rel @p0 .LBB2_2-.Ltmp1, $4  }
0xb7: {  	[tilespmem:v59+s30+$0x0] =	vst.idx.msk $0xffff, v2  }
0xb8: {  	v2 =	vsel vm2, v3, v10;
	v3 =	vmul.f32 v47, v45;
	[tilespmem:v59+s31+$0x0] =	vst.idx.msk $0xffff, v63  }
0xb9: {  	[tilespmem:v1+s30+$0x0] =	vst.idx.msk $0xffff, v2  }
0xba: {  	[tilespmem:v1+s31+$0x0] =	vst.idx.msk $0xffff, v3  }
0xbb: {  	s6 =	simm.s32 $0x0;
	s7 =	rddreg [dreg:$0x4]  }
0xbc: {  	[hbm4b:s7+s6] =	stream.linear.scatter [tilespmem:s30], [sflag:$0x1], $0x4000, $0x38;
	[tilespmem:$0x18000] =	vst v63  }
0xbd: {  	s15 =	rddreg [dreg:$0x5];
	s7 =	simm.s32 $0x0  }
0xbe: {  	[hbm4b:s15+s6] =	stream.linear.scatter [tilespmem:s31], [sflag:$0x1], $0x4000, $0x38;
	[tilespmem:$0x18000] =	vst v63  }
.LBB2_6:
0xbf: {  	s8 =	sshll.u32 s7, $0x4  }
0xc0: {  	v1 =	vmov s8;
	_ =	sdelay $0x1  }
0xc1: {  	s10 =	sand.u32 $0x7000, s6  }
0xc2: {  	s9 =	sand.u32 $0x200, s6;
	s8 =	sor.u32 $0x400, s10  }
0xc3: {  	s9 =	sor.u32 s9, s8  }
0xc4: {  	s11 =	simm.s32 $0x80;
	v2 =	vld.idx.msk [tilespmem:v1+s9+$0x0 ss:$0x1], $0xffff  }
0xc5: {  	s9 =	sand.u32 $0x280, s11  }
0xc6: {  	s12 =	simm.s32 $0x100;
	s9 =	sor.u32 s9, s8  }
0xc7: {  	v3 =	vld.idx.msk [tilespmem:v1+s9+$0x0 ss:$0x1], $0xffff;
	s9 =	sand.u32 $0x300, s12  }
0xc8: {  	v4 =	vimm.f32 $-Inf;
	s9 =	sor.u32 s9, s8  }
0xc9: {  	s13 =	simm.s32 $0x180;
	v8 =	vld.idx.msk [tilespmem:v1+s9+$0x0 ss:$0x1], $0xffff;
	vm0 =	vgt.f32 v2, v4  }
0xca: {  	v5 =	vimm.s32 $0x0;
	s14 =	simm.s32 $0x0;
	s9 =	sand.u32 $0x380, s13;
	v6 =	vsel vm0, v2, v4  }
0xcb: {  	s8 =	sor.u32 s9, s8;
	v9 =	vsel vm0, s14, v5;
	v4 =	vsel vm0, v4, v6  }
0xcc: {  	s15 =	simm.s32 $0x1;
	v2 =	vld.idx.msk [tilespmem:v1+s8+$0x0 ss:$0x1], $0xffff;
	v5 =	vsel vm0, v5, v9;
	vm3 =	vgt.f32 v3, v6;
	vm1 =	vgt.f32 v3, v4  }
0xcd: {  	v15 =	vsel vm3, v3, v6;
	v7 =	vsel vm1, v3, v4;
	v10 =	vsel vm1, s15, v5  }
0xce: {  	vm2 =	vgt.f32 v8, v15;
	v4 =	vsel vm1, v4, v7;
	v11 =	vsel vm1, v5, v10  }
0xcf: {  	v5 =	vsel vm3, s15, v9;
	v6 =	vsel vm3, v6, v7;
	v19 =	vsel vm2, v8, v15  }
0xd0: {  	s12 =	simm.s32 $0x2;
	v12 =	vsel vm3, v9, v10;
	vm4 =	vgt.f32 v8, v4;
	vm6 =	vgt.f32 v8, v6  }
0xd1: {  	vm10 =	vgt.f32 v2, v19;
	v14 =	vsel vm4, v8, v4;
	v13 =	vsel vm4, s12, v11  }
0xd2: {  	v8 =	vsel vm6, v8, v6;
	v20 =	vsel vm6, s12, v12;
	vm1 =	vmmov vm4  }
0xd3: {  	vm5 =	vmmov vm4;
	v17 =	vsel vm4, v4, v14;
	v4 =	vsel vm4, s12, v11  }
0xd4: {  	v7 =	vsel vm4, v11, v13;
	v21 =	vsel vm2, v15, v8;
	v22 =	vsel vm6, v6, v14  }
0xd5: {  	s8 =	simm.s32 $0x3;
	v15 =	vsel vm2, s12, v5;
	vm0 =	vgt.f32 v2, v17;
	vm7 =	vgt.f32 v2, v21  }
0xd6: {  	v18 =	vsel vm0, v2, v17;
	v10 =	vsel vm0, s8, v7;
	v8 =	vsel vm0, s8, v7  }
0xd7: {  	v9 =	vmovc v11;
	v16 =	vmovc v7;
	v6 =	vsel vm7, v2, v21;
	vm3 =	vmmov vm0;
	vm9 =	vmmov vm0  }
0xd8: {  	v24 =	vmovc v17;
	vm11 =	vmmov vm0;
	vm8 =	vmmov vm0;
	v14 =	vmovc v17;
	v3 =	vsel vm0, v17, v18  }
0xd9: {  	s10 =	simm.s32 $0x800;
	s11 =	simm.s32 $0x3;
	s9 =	simm.s32 $0x200;
	v23 =	vsel vm10, v19, v6;
	v6 =	vsel vm0, v7, v8;
	v25 =	vmovc v18;
	v26 =	vmovc v18;
	v8 =	vmov v11  }
.LBB2_7:
0xda: {  	s14 =	sand.u32 $0x7000, s10  }
0xdb: {  	p0 =	sne.s32 s9, $0x1E00;
	v11 =	vsel vm4, s12, v11;
	v9 =	vsel vm1, v9, v13;
	v13 =	vsel vm0, s8, v7;
	s11 =	sadd.s32 $0x4, s11;
	s13 =	smov.u32 s9  }
0xdc: {  	s9 =	sadd.s32 $0x200, s9;
	v4 =	vsel vm5, v8, v4;
	s15 =	sand.u32 $0x200, s13;
	s12 =	sor.u32 $0x400, s14;
	v8 =	vsel vm3, v16, v13  }
0xdd: {  	v5 =	vsel vm2, v5, v20;
	vm1 =	vgt.f32 v2, v22;
	v4 =	vsel vm9, s8, v4;
	s14 =	sor.u32 s15, s12  }
0xde: {  	v17 =	vsel vm11, v17, v18;
	v16 =	vsel vm7, s8, v5;
	v4 =	vsel vm8, v9, v4;
	v13 =	vld.idx.msk [tilespmem:v1+s14+$0x0 ss:$0x1], $0xffff  }
0xdf: {  	v11 =	vsel vm6, v12, v11;
	v12 =	vsel vm10, v15, v16;
	v16 =	vsel vm8, v24, v25  }
0xe0: {  	v18 =	vsel vm10, s8, v15;
	v15 =	vsel vm1, s8, v11;
	v9 =	vsel vm8, s8, v9;
	s8 =	smov.u32 s11;
	s14 =	sadd.s32 $0x80, s13  }
0xe1: {  	v19 =	vsel vm10, v2, v19;
	v20 =	vsel vm1, v22, v26;
	v5 =	vsel vm7, v5, v15;
	s14 =	sand.u32 $0x280, s14  }
0xe2: {  	v11 =	vsel vm1, v11, v10;
	v15 =	vsel vm1, v2, v22;
	v2 =	vsel vm8, v2, v24;
	s14 =	sor.u32 s14, s12  }
0xe3: {  	v7 =	vsel vm0, v7, v9;
	v21 =	vsel vm7, v21, v15;
	v2 =	vsel vm0, v14, v2;
	v10 =	vld.idx.msk [tilespmem:v1+s14+$0x0 ss:$0x1], $0xffff  }
0xe4: {  	vm2 =	vgt.f32 v13, v23;
	vm0 =	vgt.f32 v13, v21;
	vm5 =	vgt.f32 v13, v2  }
0xe5: {  	s15 =	sadd.s32 $0x100, s13;
	vm4 =	vgt.f32 v13, v17;
	vm1 =	vgt.f32 v13, v3;
	v9 =	vsel vm0, v13, v21  }
0xe6: {  	s15 =	sand.u32 $0x300, s15;
	s14 =	sadd.s32 $0xFFFFFFFD, s11;
	vm3 =	vgt.f32 v13, v16;
	v14 =	vsel vm2, v13, v23;
	v9 =	vsel vm2, v23, v9  }
0xe7: {  	s15 =	sor.u32 s15, s12;
	v22 =	vsel vm2, s14, v12;
	v15 =	vsel vm3, v13, v16;
	v23 =	vsel vm1, v13, v3  }
0xe8: {  	s13 =	sadd.s32 $0x180, s13;
	v16 =	vsel vm1, s14, v8;
	v24 =	vsel vm5, v13, v2;
	v2 =	vsel vm5, v2, v15;
	v15 =	vld.idx.msk [tilespmem:v1+s15+$0x0 ss:$0x1], $0xffff  }
0xe9: {  	v25 =	vsel vm0, s14, v5;
	v26 =	vsel vm5, s14, v7;
	v4 =	vsel vm3, s14, v4;
	s15 =	sand.u32 $0x380, s13  }
0xea: {  	v12 =	vsel vm2, v12, v25;
	s13 =	sadd.s32 $0xFFFFFFFE, s11;
	vm3 =	vgt.f32 v10, v9;
	vm6 =	vgt.f32 v10, v2;
	s12 =	sor.u32 s15, s12  }
0xeb: {  	v23 =	vsel vm4, v17, v23;
	v25 =	vsel vm3, s13, v12;
	v27 =	vsel vm6, v10, v2;
	v2 =	vld.idx.msk [tilespmem:v1+s12+$0x0 ss:$0x1], $0xffff  }
0xec: {  	vm2 =	vgt.f32 v13, v19;
	v4 =	vsel vm5, v7, v4;
	v17 =	vsel vm4, v13, v17  }
0xed: {  	v8 =	vsel vm1, v8, v26;
	v7 =	vsel vm2, v13, v19;
	v4 =	vsel vm6, s13, v4  }
0xee: {  	vm7 =	vgt.f32 v13, v20;
	v26 =	vsel vm2, s14, v18;
	vm5 =	vgt.f32 v10, v23  }
0xef: {  	v28 =	vsel vm4, s14, v6;
	v6 =	vsel vm4, v6, v16;
	v16 =	vsel vm5, v10, v23  }
0xf0: {  	v13 =	vsel vm7, v13, v20;
	v17 =	vsel vm7, v20, v17;
	v20 =	vsel vm3, v10, v9  }
0xf1: {  	v3 =	vsel vm1, v3, v24;
	v13 =	vsel vm0, v21, v13;
	v21 =	vsel vm5, s13, v6  }
0xf2: {  	v19 =	vsel vm2, v19, v14;
	vm4 =	vgt.f32 v10, v17;
	vm6 =	vgt.f32 v10, v13  }
0xf3: {  	v24 =	vsel vm7, v11, v28;
	vm11 =	vgt.f32 v10, v3;
	v14 =	vsel vm6, v10, v13  }
0xf4: {  	vm9 =	vgt.f32 v10, v19;
	v4 =	vsel vm11, v8, v4;
	v14 =	vsel vm3, v9, v14  }
0xf5: {  	v9 =	vsel vm7, s14, v11;
	v11 =	vsel vm11, v3, v27;
	vm7 =	vgt.f32 v15, v14  }
0xf6: {  	vm8 =	vgt.f32 v10, v7;
	v8 =	vsel vm11, s13, v8;
	v27 =	vsel vm7, v15, v14  }
0xf7: {  	v28 =	vsel vm0, v5, v9;
	v5 =	vsel vm8, s13, v26;
	v9 =	vsel vm4, v10, v17  }
0xf8: {  	v29 =	vsel vm8, v10, v7;
	v30 =	vsel vm4, v17, v16;
	v13 =	vsel vm6, v13, v9  }
0xf9: {  	v9 =	vsel vm4, v24, v21;
	vm1 =	vgt.f32 v15, v30;
	vm10 =	vgt.f32 v15, v13  }
0xfa: {  	v8 =	vsel vm5, v6, v8;
	v16 =	vsel vm1, v15, v30;
	v6 =	vsel vm10, v15, v13  }
0xfb: {  	s12 =	sadd.s32 $0xFFFFFFFF, s11;
	vm12 =	vgt.f32 v15, v11;
	v6 =	vsel vm7, v14, v6;
	v14 =	vsel vm10, v13, v16  }
0xfc: {  	v4 =	vsel vm12, s12, v4;
	v13 =	vsel vm2, v18, v22;
	vm0 =	vgt.f32 v2, v14  }
0xfd: {  	v20 =	vsel vm9, v19, v20;
	vm2 =	vgt.f32 v15, v29;
	v16 =	vsel vm0, v2, v14  }
0xfe: {  	v3 =	vsel vm11, v10, v3;
	v17 =	vsel vm6, s13, v28;
	v21 =	vsel vm12, v15, v11  }
0xff: {  	v22 =	vsel vm3, v12, v17;
	v11 =	vsel vm9, v13, v25;
	vm3 =	vgt.f32 v2, v6  }
0x100: {  	v12 =	vsel vm4, s13, v24;
	vm4 =	vgt.f32 v15, v20;
	v18 =	vsel vm3, v2, v6  }
0x101: {  	v23 =	vsel vm5, v23, v3;
	v17 =	vsel vm4, v20, v27;
	v3 =	vsel vm3, v6, v16  }
0x102: {  	v6 =	vsel vm9, v10, v19;
	v10 =	vsel vm9, s13, v13;
	v13 =	vsel vm6, v28, v12  }
0x103: {  	v19 =	vsel vm2, v15, v29;
	v12 =	vsel vm7, s12, v22;
	v16 =	vsel vm10, s12, v13  }
0x104: {  	vm5 =	vgt.f32 v15, v23;
	vm11 =	vgt.f32 v2, v17;
	v27 =	vsel vm4, v11, v12  }
0x105: {  	v6 =	vsel vm8, v7, v6;
	v12 =	vsel vm8, v26, v10;
	v10 =	vsel vm11, s11, v27  }
0x106: {  	v24 =	vsel vm5, v15, v23;
	v7 =	vsel vm1, s12, v9;
	vm6 =	vgt.f32 v15, v6  }
0x107: {  	v16 =	vsel vm7, v22, v16;
	v7 =	vsel vm10, v13, v7;
	v13 =	vsel vm5, s12, v8  }
0x108: {  	v23 =	vsel vm5, v23, v21;
	v22 =	vsel vm6, v15, v6;
	v28 =	vsel vm3, s11, v16  }
.Ltmp2:
0x109: {  	vm9 =	vgt.f32 v2, v23;
	v15 =	vsel vm4, v15, v20;
	v21 =	vsel vm2, v29, v22;
	(pc) =	sbr.rel @p0 .LBB2_7-.Ltmp2, $4  }
0x10a: {  	v26 =	vsel vm11, v2, v17;
	v20 =	vsel vm6, s12, v12;
	v22 =	vsel vm6, v6, v15  }
0x10b: {  	v25 =	vsel vm9, v2, v23;
	v15 =	vsel vm2, s12, v5;
	vm7 =	vgt.f32 v2, v21  }
0x10c: {  	v24 =	vsel vm1, v30, v24;
	vm10 =	vgt.f32 v2, v19;
	v6 =	vsel vm7, v2, v21  }
0x10d: {  	s10 =	sadd.s32 $0x800, s10;
	vm8 =	vgt.f32 v2, v24;
	v23 =	vsel vm10, v19, v6;
	v6 =	vsel vm11, v27, v28  }
0x10e: {  	v19 =	vsel vm10, v2, v19  }
0x10f: {  	v27 =	vsub.f32 v19, v19  }
0x110: {  	vm12 =	vgt.f32 v2, v22;
	v23 =	vsub.f32 v23, v19  }
0x111: {  	v28 =	vsel vm12, v2, v22;
	v27 =	vmul.f32 $1.442695020e+00, v27  }
0x112: {  	v21 =	vsel vm7, v21, v28;
	v23 =	vmul.f32 $1.442695020e+00, v23  }
0x113: {  	v21 =	vsub.f32 v21, v19;
	(erf) = vpow2.f32 v27  }
0x114: {  	v40 =	vsel vm12, v22, v26;
	(erf) = vpow2.f32 v23  }
0x115: {  	v22 =	vsub.f32 v40, v19;
	v21 =	vmul.f32 $1.442695020e+00, v21  }
0x116: {  	v17 =	vsel vm11, v17, v18  }
0x117: {  	v17 =	vsub.f32 v17, v19;
	v41 =	vmul.f32 $1.442695020e+00, v22;
	(erf) = vpow2.f32 v21  }
0x118: {  	v2 =	vsel vm8, v2, v24;
	v3 =	vsub.f32 v3, v19  }
0x119: {  	v2 =	vsel vm0, v14, v2;
	v17 =	vmul.f32 $1.442695020e+00, v17;
	(erf) = vpow2.f32 v41  }
0x11a: {  	v3 =	vmul.f32 $1.442695020e+00, v3;
	v2 =	vsub.f32 v2, v19  }
0x11b: {  	v42 =	vsel vm8, v24, v25;
	(erf) = vpow2.f32 v17  }
0x11c: {  	v2 =	vmul.f32 $1.442695020e+00, v2;
	v43 =	vpop (erf);
	(erf) = vpow2.f32 v3;
	v3 =	vsub.f32 v42, v19  }
0x11d: {  	v44 =	vpop (erf)  }
0x11e: {  	(erf) = vpow2.f32 v2;
	v2 =	vmul.f32 $1.442695020e+00, v3;
	v3 =	vadd.f32 v44, v43;
	_ =	sdelay $0x1  }
0x11f: {  	v45 =	vpop (erf)  }
0x120: {  	(erf) = vpow2.f32 v2;
	v2 =	vadd.f32 v45, v3  }
0x121: {  	v3 =	vpop (erf)  }
0x122: {  	v2 =	vadd.f32 v3, v2  }
0x123: {  	v46 =	vpop (erf)  }
0x124: {  	v2 =	vadd.f32 v46, v2  }
0x125: {  	v47 =	vpop (erf)  }
0x126: {  	v2 =	vadd.f32 v47, v2  }
0x127: {  	v48 =	vpop (erf)  }
0x128: {  	v2 =	vadd.f32 v48, v2  }
0x129: {  	v49 =	vpop (erf)  }
0x12a: {  	v2 =	vadd.f32 v49, v2;
	_ =	sdelay $0x1  }
0x12b: {  	(erf) = vrcp.f32 v2;
	_ =	sdelay $0x4  }
0x12c: {  	v1 =	vshll.u32 v1, $0x7  }
0x12d: {  	v1 =	vor.u32 v0, v1;
	_ =	sdelay $0x1  }
0x12e: {  	v2 =	vor.u32 $0x1, v1  }
0x12f: {  	v11 =	vsel vm4, s12, v11;
	v5 =	vsel vm2, v5, v20;
	v50 =	vpop (erf)  }
0x130: {  	v51 =	vsel vm10, s8, v15;
	v52 =	vor.u32 $0x2, v1;
	v17 =	vmul.f32 v50, v43  }
0x131: {  	v53 =	vsel vm7, s8, v5;
	v11 =	vsel vm6, v12, v11;
	[tilespmem:v1+s0+$0x0] =	vst.idx.msk $0xffff, v51  }
0x132: {  	v54 =	vsel vm10, v15, v53;
	v55 =	vor.u32 $0x3, v1;
	v14 =	vmul.f32 v50, v44;
	[tilespmem:v1+s1+$0x0] =	vst.idx.msk $0xffff, v17  }
0x133: {  	v56 =	vsel vm12, s8, v11;
	[tilespmem:v2+s0+$0x0] =	vst.idx.msk $0xffff, v54  }
0x134: {  	v57 =	vor.u32 $0x4, v1;
	v5 =	vsel vm7, v5, v56;
	[tilespmem:v2+s1+$0x0] =	vst.idx.msk $0xffff, v14;
	v2 =	vmul.f32 v50, v45  }
0x135: {  	[tilespmem:v52+s0+$0x0] =	vst.idx.msk $0xffff, v5  }
0x136: {  	v58 =	vsel vm12, v11, v10;
	[tilespmem:v52+s1+$0x0] =	vst.idx.msk $0xffff, v2;
	v2 =	vmul.f32 v50, v3;
	v3 =	vor.u32 $0x5, v1  }
0x137: {  	[tilespmem:v55+s0+$0x0] =	vst.idx.msk $0xffff, v58  }
0x138: {  	v59 =	vor.u32 $0x6, v1;
	[tilespmem:v55+s1+$0x0] =	vst.idx.msk $0xffff, v2;
	v2 =	vmul.f32 v50, v46  }
0x139: {  	v9 =	vsel vm1, v9, v13;
	v60 =	vsel vm0, s8, v7;
	[tilespmem:v57+s0+$0x0] =	vst.idx.msk $0xffff, v6  }
0x13a: {  	s7 =	sadd.s32 $0x1, s7;
	v61 =	vsel vm3, v16, v60;
	v1 =	vor.u32 $0x7, v1;
	[tilespmem:v57+s1+$0x0] =	vst.idx.msk $0xffff, v2;
	v2 =	vmul.f32 v50, v47  }
0x13b: {  	v4 =	vsel vm5, v8, v4;
	v62 =	vsel vm8, s8, v9;
	p0 =	sne.s32 s7, $0x8;
	[tilespmem:v3+s0+$0x0] =	vst.idx.msk $0xffff, v61  }
.Ltmp3:
0x13c: {  	v63 =	vsel vm0, v7, v62;
	[tilespmem:v3+s1+$0x0] =	vst.idx.msk $0xffff, v2;
	v2 =	vmul.f32 v50, v48;
	(pc) =	sbr.rel @p0 .LBB2_6-.Ltmp3, $4  }
0x13d: {  	v3 =	vsel vm9, s8, v4;
	[tilespmem:v59+s0+$0x0] =	vst.idx.msk $0xffff, v63  }
0x13e: {  	v3 =	vsel vm8, v9, v3;
	[tilespmem:v59+s1+$0x0] =	vst.idx.msk $0xffff, v2;
	v2 =	vmul.f32 v50, v49  }
0x13f: {  	[tilespmem:v1+s0+$0x0] =	vst.idx.msk $0xffff, v3  }
0x140: {  	[tilespmem:v1+s1+$0x0] =	vst.idx.msk $0xffff, v2  }
0x141: {  	s6 =	simm.s32 $0x0;
	s7 =	rddreg [dreg:$0x6]  }
0x142: {  	[hbm4b:s7+s6] =	stream.linear.scatter [tilespmem:s0], [sflag:$0x2], $0x4000, $0x38;
	[tilespmem:$0x18000] =	vst v63  }
0x143: {  	s15 =	rddreg [dreg:$0x7]  }
0x144: {  	[hbm4b:s15+s6] =	stream.linear.scatter [tilespmem:s1], [sflag:$0x2], $0x4000, $0x38;
	[tilespmem:$0x18000] =	vst v63  }
0x145: {  	_ =	swait.ge [sflag:s29], $0x4000  }
0x146: {  	[sflag:s29] =	ssyncset.done $0x0  }
0x147: {  	[sflag:s29] =	ssyncadd.s32 $0xFFFFC000  }
0x148: {  	_ =	swait.ge [sflag:s3], $0x4000  }
0x149: {  	[sflag:s3] =	ssyncset.done $0x0  }
0x14a: {  	[sflag:s3] =	ssyncadd.s32 $0xFFFFC000  }
0x14b: {  	_ =	swait.ge [sflag:s3], $0x4000  }
0x14c: {  	[sflag:s3] =	ssyncset.done $0x0  }
0x14d: {  	s7 =	simm.s32 $0x0;
	[sflag:s3] =	ssyncadd.s32 $0xFFFFC000  }
.LBB2_10:
0x14e: {  	s8 =	sshll.u32 s7, $0x4  }
0x14f: {  	v1 =	vmov s8;
	_ =	sdelay $0x1  }
0x150: {  	s10 =	sand.u32 $0x7000, s6  }
0x151: {  	s9 =	sand.u32 $0x200, s6;
	s8 =	sor.u32 $0x800, s10  }
0x152: {  	s9 =	sor.u32 s9, s8  }
0x153: {  	s11 =	simm.s32 $0x80;
	v2 =	vld.idx.msk [tilespmem:v1+s9+$0x0 ss:$0x1], $0xffff  }
0x154: {  	s9 =	sand.u32 $0x280, s11  }
0x155: {  	s12 =	simm.s32 $0x100;
	s9 =	sor.u32 s9, s8  }
0x156: {  	v3 =	vld.idx.msk [tilespmem:v1+s9+$0x0 ss:$0x1], $0xffff;
	s9 =	sand.u32 $0x300, s12  }
0x157: {  	v4 =	vimm.f32 $-Inf;
	s9 =	sor.u32 s9, s8  }
0x158: {  	s13 =	simm.s32 $0x180;
	v8 =	vld.idx.msk [tilespmem:v1+s9+$0x0 ss:$0x1], $0xffff;
	vm0 =	vgt.f32 v2, v4  }
0x159: {  	v5 =	vimm.s32 $0x0;
	s14 =	simm.s32 $0x0;
	s9 =	sand.u32 $0x380, s13;
	v6 =	vsel vm0, v2, v4  }
0x15a: {  	s8 =	sor.u32 s9, s8;
	v9 =	vsel vm0, s14, v5;
	v4 =	vsel vm0, v4, v6  }
0x15b: {  	s15 =	simm.s32 $0x1;
	v2 =	vld.idx.msk [tilespmem:v1+s8+$0x0 ss:$0x1], $0xffff;
	v5 =	vsel vm0, v5, v9;
	vm3 =	vgt.f32 v3, v6;
	vm1 =	vgt.f32 v3, v4  }
0x15c: {  	v15 =	vsel vm3, v3, v6;
	v7 =	vsel vm1, v3, v4;
	v10 =	vsel vm1, s15, v5  }
0x15d: {  	vm2 =	vgt.f32 v8, v15;
	v4 =	vsel vm1, v4, v7;
	v11 =	vsel vm1, v5, v10  }
0x15e: {  	v5 =	vsel vm3, s15, v9;
	v6 =	vsel vm3, v6, v7;
	v19 =	vsel vm2, v8, v15  }
0x15f: {  	s12 =	simm.s32 $0x2;
	v12 =	vsel vm3, v9, v10;
	vm4 =	vgt.f32 v8, v4;
	vm6 =	vgt.f32 v8, v6  }
0x160: {  	vm10 =	vgt.f32 v2, v19;
	v14 =	vsel vm4, v8, v4;
	v13 =	vsel vm4, s12, v11  }
0x161: {  	v8 =	vsel vm6, v8, v6;
	v20 =	vsel vm6, s12, v12;
	vm1 =	vmmov vm4  }
0x162: {  	vm5 =	vmmov vm4;
	v17 =	vsel vm4, v4, v14;
	v4 =	vsel vm4, s12, v11  }
0x163: {  	v7 =	vsel vm4, v11, v13;
	v21 =	vsel vm2, v15, v8;
	v22 =	vsel vm6, v6, v14  }
0x164: {  	s8 =	simm.s32 $0x3;
	v15 =	vsel vm2, s12, v5;
	vm0 =	vgt.f32 v2, v17;
	vm7 =	vgt.f32 v2, v21  }
0x165: {  	v18 =	vsel vm0, v2, v17;
	v10 =	vsel vm0, s8, v7;
	v8 =	vsel vm0, s8, v7  }
0x166: {  	v9 =	vmovc v11;
	v16 =	vmovc v7;
	v6 =	vsel vm7, v2, v21;
	vm3 =	vmmov vm0;
	vm9 =	vmmov vm0  }
0x167: {  	v24 =	vmovc v17;
	vm11 =	vmmov vm0;
	vm8 =	vmmov vm0;
	v14 =	vmovc v17;
	v3 =	vsel vm0, v17, v18  }
0x168: {  	s10 =	simm.s32 $0x800;
	s11 =	simm.s32 $0x3;
	s9 =	simm.s32 $0x200;
	v23 =	vsel vm10, v19, v6;
	v6 =	vsel vm0, v7, v8;
	v25 =	vmovc v18;
	v26 =	vmovc v18;
	v8 =	vmov v11  }
.LBB2_11:
0x169: {  	s14 =	sand.u32 $0x7000, s10  }
0x16a: {  	p0 =	sne.s32 s9, $0x1E00;
	v11 =	vsel vm4, s12, v11;
	v9 =	vsel vm1, v9, v13;
	v13 =	vsel vm0, s8, v7;
	s11 =	sadd.s32 $0x4, s11;
	s13 =	smov.u32 s9  }
0x16b: {  	s9 =	sadd.s32 $0x200, s9;
	v4 =	vsel vm5, v8, v4;
	s15 =	sand.u32 $0x200, s13;
	s12 =	sor.u32 $0x800, s14;
	v8 =	vsel vm3, v16, v13  }
0x16c: {  	v5 =	vsel vm2, v5, v20;
	vm1 =	vgt.f32 v2, v22;
	v4 =	vsel vm9, s8, v4;
	s14 =	sor.u32 s15, s12  }
0x16d: {  	v17 =	vsel vm11, v17, v18;
	v16 =	vsel vm7, s8, v5;
	v4 =	vsel vm8, v9, v4;
	v13 =	vld.idx.msk [tilespmem:v1+s14+$0x0 ss:$0x1], $0xffff  }
0x16e: {  	v11 =	vsel vm6, v12, v11;
	v12 =	vsel vm10, v15, v16;
	v16 =	vsel vm8, v24, v25  }
0x16f: {  	v18 =	vsel vm10, s8, v15;
	v15 =	vsel vm1, s8, v11;
	v9 =	vsel vm8, s8, v9;
	s8 =	smov.u32 s11;
	s14 =	sadd.s32 $0x80, s13  }
0x170: {  	v19 =	vsel vm10, v2, v19;
	v20 =	vsel vm1, v22, v26;
	v5 =	vsel vm7, v5, v15;
	s14 =	sand.u32 $0x280, s14  }
0x171: {  	v11 =	vsel vm1, v11, v10;
	v15 =	vsel vm1, v2, v22;
	v2 =	vsel vm8, v2, v24;
	s14 =	sor.u32 s14, s12  }
0x172: {  	v7 =	vsel vm0, v7, v9;
	v21 =	vsel vm7, v21, v15;
	v2 =	vsel vm0, v14, v2;
	v10 =	vld.idx.msk [tilespmem:v1+s14+$0x0 ss:$0x1], $0xffff  }
0x173: {  	vm2 =	vgt.f32 v13, v23;
	vm0 =	vgt.f32 v13, v21;
	vm5 =	vgt.f32 v13, v2  }
0x174: {  	s15 =	sadd.s32 $0x100, s13;
	vm4 =	vgt.f32 v13, v17;
	vm1 =	vgt.f32 v13, v3;
	v9 =	vsel vm0, v13, v21  }
0x175: {  	s15 =	sand.u32 $0x300, s15;
	s14 =	sadd.s32 $0xFFFFFFFD, s11;
	vm3 =	vgt.f32 v13, v16;
	v14 =	vsel vm2, v13, v23;
	v9 =	vsel vm2, v23, v9  }
0x176: {  	s15 =	sor.u32 s15, s12;
	v22 =	vsel vm2, s14, v12;
	v15 =	vsel vm3, v13, v16;
	v23 =	vsel vm1, v13, v3  }
0x177: {  	s13 =	sadd.s32 $0x180, s13;
	v16 =	vsel vm1, s14, v8;
	v24 =	vsel vm5, v13, v2;
	v2 =	vsel vm5, v2, v15;
	v15 =	vld.idx.msk [tilespmem:v1+s15+$0x0 ss:$0x1], $0xffff  }
0x178: {  	v25 =	vsel vm0, s14, v5;
	v26 =	vsel vm5, s14, v7;
	v4 =	vsel vm3, s14, v4;
	s15 =	sand.u32 $0x380, s13  }
0x179: {  	v12 =	vsel vm2, v12, v25;
	s13 =	sadd.s32 $0xFFFFFFFE, s11;
	vm3 =	vgt.f32 v10, v9;
	vm6 =	vgt.f32 v10, v2;
	s12 =	sor.u32 s15, s12  }
0x17a: {  	v23 =	vsel vm4, v17, v23;
	v25 =	vsel vm3, s13, v12;
	v27 =	vsel vm6, v10, v2;
	v2 =	vld.idx.msk [tilespmem:v1+s12+$0x0 ss:$0x1], $0xffff  }
0x17b: {  	vm2 =	vgt.f32 v13, v19;
	v4 =	vsel vm5, v7, v4;
	v17 =	vsel vm4, v13, v17  }
0x17c: {  	v8 =	vsel vm1, v8, v26;
	v7 =	vsel vm2, v13, v19;
	v4 =	vsel vm6, s13, v4  }
0x17d: {  	vm7 =	vgt.f32 v13, v20;
	v26 =	vsel vm2, s14, v18;
	vm5 =	vgt.f32 v10, v23  }
0x17e: {  	v28 =	vsel vm4, s14, v6;
	v6 =	vsel vm4, v6, v16;
	v16 =	vsel vm5, v10, v23  }
0x17f: {  	v13 =	vsel vm7, v13, v20;
	v17 =	vsel vm7, v20, v17;
	v20 =	vsel vm3, v10, v9  }
0x180: {  	v3 =	vsel vm1, v3, v24;
	v13 =	vsel vm0, v21, v13;
	v21 =	vsel vm5, s13, v6  }
0x181: {  	v19 =	vsel vm2, v19, v14;
	vm4 =	vgt.f32 v10, v17;
	vm6 =	vgt.f32 v10, v13  }
0x182: {  	v24 =	vsel vm7, v11, v28;
	vm11 =	vgt.f32 v10, v3;
	v14 =	vsel vm6, v10, v13  }
0x183: {  	vm9 =	vgt.f32 v10, v19;
	v4 =	vsel vm11, v8, v4;
	v14 =	vsel vm3, v9, v14  }
0x184: {  	v9 =	vsel vm7, s14, v11;
	v11 =	vsel vm11, v3, v27;
	vm7 =	vgt.f32 v15, v14  }
0x185: {  	vm8 =	vgt.f32 v10, v7;
	v8 =	vsel vm11, s13, v8;
	v27 =	vsel vm7, v15, v14  }
0x186: {  	v28 =	vsel vm0, v5, v9;
	v5 =	vsel vm8, s13, v26;
	v9 =	vsel vm4, v10, v17  }
0x187: {  	v29 =	vsel vm8, v10, v7;
	v30 =	vsel vm4, v17, v16;
	v13 =	vsel vm6, v13, v9  }
0x188: {  	v9 =	vsel vm4, v24, v21;
	vm1 =	vgt.f32 v15, v30;
	vm10 =	vgt.f32 v15, v13  }
0x189: {  	v8 =	vsel vm5, v6, v8;
	v16 =	vsel vm1, v15, v30;
	v6 =	vsel vm10, v15, v13  }
0x18a: {  	s12 =	sadd.s32 $0xFFFFFFFF, s11;
	vm12 =	vgt.f32 v15, v11;
	v6 =	vsel vm7, v14, v6;
	v14 =	vsel vm10, v13, v16  }
0x18b: {  	v4 =	vsel vm12, s12, v4;
	v13 =	vsel vm2, v18, v22;
	vm0 =	vgt.f32 v2, v14  }
0x18c: {  	v20 =	vsel vm9, v19, v20;
	vm2 =	vgt.f32 v15, v29;
	v16 =	vsel vm0, v2, v14  }
0x18d: {  	v3 =	vsel vm11, v10, v3;
	v17 =	vsel vm6, s13, v28;
	v21 =	vsel vm12, v15, v11  }
0x18e: {  	v22 =	vsel vm3, v12, v17;
	v11 =	vsel vm9, v13, v25;
	vm3 =	vgt.f32 v2, v6  }
0x18f: {  	v12 =	vsel vm4, s13, v24;
	vm4 =	vgt.f32 v15, v20;
	v18 =	vsel vm3, v2, v6  }
0x190: {  	v23 =	vsel vm5, v23, v3;
	v17 =	vsel vm4, v20, v27;
	v3 =	vsel vm3, v6, v16  }
0x191: {  	v6 =	vsel vm9, v10, v19;
	v10 =	vsel vm9, s13, v13;
	v13 =	vsel vm6, v28, v12  }
0x192: {  	v19 =	vsel vm2, v15, v29;
	v12 =	vsel vm7, s12, v22;
	v16 =	vsel vm10, s12, v13  }
0x193: {  	vm5 =	vgt.f32 v15, v23;
	vm11 =	vgt.f32 v2, v17;
	v27 =	vsel vm4, v11, v12  }
0x194: {  	v6 =	vsel vm8, v7, v6;
	v12 =	vsel vm8, v26, v10;
	v10 =	vsel vm11, s11, v27  }
0x195: {  	v24 =	vsel vm5, v15, v23;
	v7 =	vsel vm1, s12, v9;
	vm6 =	vgt.f32 v15, v6  }
0x196: {  	v16 =	vsel vm7, v22, v16;
	v7 =	vsel vm10, v13, v7;
	v13 =	vsel vm5, s12, v8  }
0x197: {  	v23 =	vsel vm5, v23, v21;
	v22 =	vsel vm6, v15, v6;
	v28 =	vsel vm3, s11, v16  }
.Ltmp4:
0x198: {  	vm9 =	vgt.f32 v2, v23;
	v15 =	vsel vm4, v15, v20;
	v21 =	vsel vm2, v29, v22;
	(pc) =	sbr.rel @p0 .LBB2_11-.Ltmp4, $4  }
0x199: {  	v26 =	vsel vm11, v2, v17;
	v20 =	vsel vm6, s12, v12;
	v22 =	vsel vm6, v6, v15  }
0x19a: {  	v25 =	vsel vm9, v2, v23;
	v15 =	vsel vm2, s12, v5;
	vm7 =	vgt.f32 v2, v21  }
0x19b: {  	v24 =	vsel vm1, v30, v24;
	vm10 =	vgt.f32 v2, v19;
	v6 =	vsel vm7, v2, v21  }
0x19c: {  	s10 =	sadd.s32 $0x800, s10;
	vm8 =	vgt.f32 v2, v24;
	v23 =	vsel vm10, v19, v6;
	v6 =	vsel vm11, v27, v28  }
0x19d: {  	v19 =	vsel vm10, v2, v19  }
0x19e: {  	v27 =	vsub.f32 v19, v19  }
0x19f: {  	vm12 =	vgt.f32 v2, v22;
	v23 =	vsub.f32 v23, v19  }
0x1a0: {  	v28 =	vsel vm12, v2, v22;
	v27 =	vmul.f32 $1.442695020e+00, v27  }
0x1a1: {  	v21 =	vsel vm7, v21, v28;
	v23 =	vmul.f32 $1.442695020e+00, v23  }
0x1a2: {  	v21 =	vsub.f32 v21, v19;
	(erf) = vpow2.f32 v27  }
0x1a3: {  	v40 =	vsel vm12, v22, v26;
	(erf) = vpow2.f32 v23  }
0x1a4: {  	v22 =	vsub.f32 v40, v19;
	v21 =	vmul.f32 $1.442695020e+00, v21  }
0x1a5: {  	v17 =	vsel vm11, v17, v18  }
0x1a6: {  	v17 =	vsub.f32 v17, v19;
	v41 =	vmul.f32 $1.442695020e+00, v22;
	(erf) = vpow2.f32 v21  }
0x1a7: {  	v2 =	vsel vm8, v2, v24;
	v3 =	vsub.f32 v3, v19  }
0x1a8: {  	v2 =	vsel vm0, v14, v2;
	v17 =	vmul.f32 $1.442695020e+00, v17;
	(erf) = vpow2.f32 v41  }
0x1a9: {  	v3 =	vmul.f32 $1.442695020e+00, v3;
	v2 =	vsub.f32 v2, v19  }
0x1aa: {  	v42 =	vsel vm8, v24, v25;
	(erf) = vpow2.f32 v17  }
0x1ab: {  	v2 =	vmul.f32 $1.442695020e+00, v2;
	v43 =	vpop (erf);
	(erf) = vpow2.f32 v3;
	v3 =	vsub.f32 v42, v19  }
0x1ac: {  	v44 =	vpop (erf)  }
0x1ad: {  	(erf) = vpow2.f32 v2;
	v2 =	vmul.f32 $1.442695020e+00, v3;
	v3 =	vadd.f32 v44, v43;
	_ =	sdelay $0x1  }
0x1ae: {  	v45 =	vpop (erf)  }
0x1af: {  	(erf) = vpow2.f32 v2;
	v2 =	vadd.f32 v45, v3  }
0x1b0: {  	v3 =	vpop (erf)  }
0x1b1: {  	v2 =	vadd.f32 v3, v2  }
0x1b2: {  	v46 =	vpop (erf)  }
0x1b3: {  	v2 =	vadd.f32 v46, v2  }
0x1b4: {  	v47 =	vpop (erf)  }
0x1b5: {  	v2 =	vadd.f32 v47, v2  }
0x1b6: {  	v48 =	vpop (erf)  }
0x1b7: {  	v2 =	vadd.f32 v48, v2  }
0x1b8: {  	v49 =	vpop (erf)  }
0x1b9: {  	v2 =	vadd.f32 v49, v2;
	_ =	sdelay $0x1  }
0x1ba: {  	(erf) = vrcp.f32 v2;
	_ =	sdelay $0x4  }
0x1bb: {  	v1 =	vshll.u32 v1, $0x7  }
0x1bc: {  	v1 =	vor.u32 v0, v1;
	_ =	sdelay $0x1  }
0x1bd: {  	v2 =	vor.u32 $0x1, v1  }
0x1be: {  	v11 =	vsel vm4, s12, v11;
	v5 =	vsel vm2, v5, v20;
	v50 =	vpop (erf)  }
0x1bf: {  	v51 =	vsel vm10, s8, v15;
	v52 =	vor.u32 $0x2, v1;
	v17 =	vmul.f32 v50, v43  }
0x1c0: {  	v53 =	vsel vm7, s8, v5;
	v11 =	vsel vm6, v12, v11;
	[tilespmem:v1+s30+$0x0] =	vst.idx.msk $0xffff, v51  }
0x1c1: {  	v54 =	vsel vm10, v15, v53;
	v55 =	vor.u32 $0x3, v1;
	v14 =	vmul.f32 v50, v44;
	[tilespmem:v1+s31+$0x0] =	vst.idx.msk $0xffff, v17  }
0x1c2: {  	v56 =	vsel vm12, s8, v11;
	[tilespmem:v2+s30+$0x0] =	vst.idx.msk $0xffff, v54  }
0x1c3: {  	v57 =	vor.u32 $0x4, v1;
	v5 =	vsel vm7, v5, v56;
	[tilespmem:v2+s31+$0x0] =	vst.idx.msk $0xffff, v14;
	v2 =	vmul.f32 v50, v45  }
0x1c4: {  	[tilespmem:v52+s30+$0x0] =	vst.idx.msk $0xffff, v5  }
0x1c5: {  	v58 =	vsel vm12, v11, v10;
	[tilespmem:v52+s31+$0x0] =	vst.idx.msk $0xffff, v2;
	v2 =	vmul.f32 v50, v3;
	v3 =	vor.u32 $0x5, v1  }
0x1c6: {  	[tilespmem:v55+s30+$0x0] =	vst.idx.msk $0xffff, v58  }
0x1c7: {  	v59 =	vor.u32 $0x6, v1;
	[tilespmem:v55+s31+$0x0] =	vst.idx.msk $0xffff, v2;
	v2 =	vmul.f32 v50, v46  }
0x1c8: {  	v9 =	vsel vm1, v9, v13;
	v60 =	vsel vm0, s8, v7;
	[tilespmem:v57+s30+$0x0] =	vst.idx.msk $0xffff, v6  }
0x1c9: {  	s7 =	sadd.s32 $0x1, s7;
	v61 =	vsel vm3, v16, v60;
	v1 =	vor.u32 $0x7, v1;
	[tilespmem:v57+s31+$0x0] =	vst.idx.msk $0xffff, v2;
	v2 =	vmul.f32 v50, v47  }
0x1ca: {  	v4 =	vsel vm5, v8, v4;
	v62 =	vsel vm8, s8, v9;
	p0 =	sne.s32 s7, $0x8;
	[tilespmem:v3+s30+$0x0] =	vst.idx.msk $0xffff, v61  }
.Ltmp5:
0x1cb: {  	v63 =	vsel vm0, v7, v62;
	[tilespmem:v3+s31+$0x0] =	vst.idx.msk $0xffff, v2;
	v2 =	vmul.f32 v50, v48;
	(pc) =	sbr.rel @p0 .LBB2_10-.Ltmp5, $4  }
0x1cc: {  	v3 =	vsel vm9, s8, v4;
	[tilespmem:v59+s30+$0x0] =	vst.idx.msk $0xffff, v63  }
0x1cd: {  	v3 =	vsel vm8, v9, v3;
	[tilespmem:v59+s31+$0x0] =	vst.idx.msk $0xffff, v2;
	v2 =	vmul.f32 v50, v49  }
0x1ce: {  	[tilespmem:v1+s30+$0x0] =	vst.idx.msk $0xffff, v3  }
0x1cf: {  	[tilespmem:v1+s31+$0x0] =	vst.idx.msk $0xffff, v2  }
0x1d0: {  	s6 =	simm.s32 $0x0;
	s7 =	rddreg [dreg:$0x8]  }
0x1d1: {  	[hbm4b:s7+s6] =	stream.linear.scatter [tilespmem:s30], [sflag:$0x1], $0x4000, $0x38;
	[tilespmem:$0x18000] =	vst v63  }
0x1d2: {  	s15 =	rddreg [dreg:$0x9]  }
0x1d3: {  	[hbm4b:s15+s6] =	stream.linear.scatter [tilespmem:s31], [sflag:$0x1], $0x4000, $0x38;
	[tilespmem:$0x18000] =	vst v63  }
0x1d4: {  	_ =	swait.ge [sflag:s4], $0x4000  }
0x1d5: {  	[sflag:s4] =	ssyncset.done $0x0  }
0x1d6: {  	[sflag:s4] =	ssyncadd.s32 $0xFFFFC000  }
0x1d7: {  	_ =	swait.ge [sflag:s4], $0x4000  }
0x1d8: {  	[sflag:s4] =	ssyncset.done $0x0  }
0x1d9: {  	s7 =	simm.s32 $0x0;
	[sflag:s4] =	ssyncadd.s32 $0xFFFFC000  }
.LBB2_14:
0x1da: {  	s8 =	sshll.u32 s7, $0x4  }
0x1db: {  	v1 =	vmov s8;
	_ =	sdelay $0x1  }
0x1dc: {  	s10 =	sand.u32 $0x7000, s6  }
0x1dd: {  	s9 =	sand.u32 $0x200, s6;
	s8 =	sor.u32 $0xC00, s10  }
0x1de: {  	s9 =	sor.u32 s9, s8  }
0x1df: {  	s11 =	simm.s32 $0x80;
	v2 =	vld.idx.msk [tilespmem:v1+s9+$0x0 ss:$0x1], $0xffff  }
0x1e0: {  	s9 =	sand.u32 $0x280, s11  }
0x1e1: {  	s12 =	simm.s32 $0x100;
	s9 =	sor.u32 s9, s8  }
0x1e2: {  	v3 =	vld.idx.msk [tilespmem:v1+s9+$0x0 ss:$0x1], $0xffff;
	s9 =	sand.u32 $0x300, s12  }
0x1e3: {  	v4 =	vimm.f32 $-Inf;
	s9 =	sor.u32 s9, s8  }
0x1e4: {  	s13 =	simm.s32 $0x180;
	v8 =	vld.idx.msk [tilespmem:v1+s9+$0x0 ss:$0x1], $0xffff;
	vm0 =	vgt.f32 v2, v4  }
0x1e5: {  	v5 =	vimm.s32 $0x0;
	s14 =	simm.s32 $0x0;
	s9 =	sand.u32 $0x380, s13;
	v6 =	vsel vm0, v2, v4  }
0x1e6: {  	s8 =	sor.u32 s9, s8;
	v9 =	vsel vm0, s14, v5;
	v4 =	vsel vm0, v4, v6  }
0x1e7: {  	s15 =	simm.s32 $0x1;
	v2 =	vld.idx.msk [tilespmem:v1+s8+$0x0 ss:$0x1], $0xffff;
	v5 =	vsel vm0, v5, v9;
	vm3 =	vgt.f32 v3, v6;
	vm1 =	vgt.f32 v3, v4  }
0x1e8: {  	v15 =	vsel vm3, v3, v6;
	v7 =	vsel vm1, v3, v4;
	v10 =	vsel vm1, s15, v5  }
0x1e9: {  	vm2 =	vgt.f32 v8, v15;
	v4 =	vsel vm1, v4, v7;
	v11 =	vsel vm1, v5, v10  }
0x1ea: {  	v5 =	vsel vm3, s15, v9;
	v6 =	vsel vm3, v6, v7;
	v19 =	vsel vm2, v8, v15  }
0x1eb: {  	s12 =	simm.s32 $0x2;
	v12 =	vsel vm3, v9, v10;
	vm4 =	vgt.f32 v8, v4;
	vm6 =	vgt.f32 v8, v6  }
0x1ec: {  	vm10 =	vgt.f32 v2, v19;
	v14 =	vsel vm4, v8, v4;
	v13 =	vsel vm4, s12, v11  }
0x1ed: {  	v8 =	vsel vm6, v8, v6;
	v20 =	vsel vm6, s12, v12;
	vm1 =	vmmov vm4  }
0x1ee: {  	vm5 =	vmmov vm4;
	v17 =	vsel vm4, v4, v14;
	v4 =	vsel vm4, s12, v11  }
0x1ef: {  	v7 =	vsel vm4, v11, v13;
	v21 =	vsel vm2, v15, v8;
	v22 =	vsel vm6, v6, v14  }
0x1f0: {  	s8 =	simm.s32 $0x3;
	v15 =	vsel vm2, s12, v5;
	vm0 =	vgt.f32 v2, v17;
	vm7 =	vgt.f32 v2, v21  }
0x1f1: {  	v18 =	vsel vm0, v2, v17;
	v10 =	vsel vm0, s8, v7;
	v8 =	vsel vm0, s8, v7  }
0x1f2: {  	v9 =	vmovc v11;
	v16 =	vmovc v7;
	v6 =	vsel vm7, v2, v21;
	vm3 =	vmmov vm0;
	vm9 =	vmmov vm0  }
0x1f3: {  	v24 =	vmovc v17;
	vm11 =	vmmov vm0;
	vm8 =	vmmov vm0;
	v14 =	vmovc v17;
	v3 =	vsel vm0, v17, v18  }
0x1f4: {  	s10 =	simm.s32 $0x800;
	s11 =	simm.s32 $0x3;
	s9 =	simm.s32 $0x200;
	v23 =	vsel vm10, v19, v6;
	v6 =	vsel vm0, v7, v8;
	v25 =	vmovc v18;
	v26 =	vmovc v18;
	v8 =	vmov v11  }
.LBB2_15:
0x1f5: {  	s14 =	sand.u32 $0x7000, s10  }
0x1f6: {  	p0 =	sne.s32 s9, $0x1E00;
	v11 =	vsel vm4, s12, v11;
	v9 =	vsel vm1, v9, v13;
	v13 =	vsel vm0, s8, v7;
	s11 =	sadd.s32 $0x4, s11;
	s13 =	smov.u32 s9  }
0x1f7: {  	s9 =	sadd.s32 $0x200, s9;
	v4 =	vsel vm5, v8, v4;
	s15 =	sand.u32 $0x200, s13;
	s12 =	sor.u32 $0xC00, s14;
	v8 =	vsel vm3, v16, v13  }
0x1f8: {  	v5 =	vsel vm2, v5, v20;
	vm1 =	vgt.f32 v2, v22;
	v4 =	vsel vm9, s8, v4;
	s14 =	sor.u32 s15, s12  }
0x1f9: {  	v17 =	vsel vm11, v17, v18;
	v16 =	vsel vm7, s8, v5;
	v4 =	vsel vm8, v9, v4;
	v13 =	vld.idx.msk [tilespmem:v1+s14+$0x0 ss:$0x1], $0xffff  }
0x1fa: {  	v11 =	vsel vm6, v12, v11;
	v12 =	vsel vm10, v15, v16;
	v16 =	vsel vm8, v24, v25  }
0x1fb: {  	v18 =	vsel vm10, s8, v15;
	v15 =	vsel vm1, s8, v11;
	v9 =	vsel vm8, s8, v9;
	s8 =	smov.u32 s11;
	s14 =	sadd.s32 $0x80, s13  }
0x1fc: {  	v19 =	vsel vm10, v2, v19;
	v20 =	vsel vm1, v22, v26;
	v5 =	vsel vm7, v5, v15;
	s14 =	sand.u32 $0x280, s14  }
0x1fd: {  	v11 =	vsel vm1, v11, v10;
	v15 =	vsel vm1, v2, v22;
	v2 =	vsel vm8, v2, v24;
	s14 =	sor.u32 s14, s12  }
0x1fe: {  	v7 =	vsel vm0, v7, v9;
	v21 =	vsel vm7, v21, v15;
	v2 =	vsel vm0, v14, v2;
	v10 =	vld.idx.msk [tilespmem:v1+s14+$0x0 ss:$0x1], $0xffff  }
0x1ff: {  	vm2 =	vgt.f32 v13, v23;
	vm0 =	vgt.f32 v13, v21;
	vm5 =	vgt.f32 v13, v2  }
0x200: {  	s15 =	sadd.s32 $0x100, s13;
	vm4 =	vgt.f32 v13, v17;
	vm1 =	vgt.f32 v13, v3;
	v9 =	vsel vm0, v13, v21  }
0x201: {  	s15 =	sand.u32 $0x300, s15;
	s14 =	sadd.s32 $0xFFFFFFFD, s11;
	vm3 =	vgt.f32 v13, v16;
	v14 =	vsel vm2, v13, v23;
	v9 =	vsel vm2, v23, v9  }
0x202: {  	s15 =	sor.u32 s15, s12;
	v22 =	vsel vm2, s14, v12;
	v15 =	vsel vm3, v13, v16;
	v23 =	vsel vm1, v13, v3  }
0x203: {  	s13 =	sadd.s32 $0x180, s13;
	v16 =	vsel vm1, s14, v8;
	v24 =	vsel vm5, v13, v2;
	v2 =	vsel vm5, v2, v15;
	v15 =	vld.idx.msk [tilespmem:v1+s15+$0x0 ss:$0x1], $0xffff  }
0x204: {  	v25 =	vsel vm0, s14, v5;
	v26 =	vsel vm5, s14, v7;
	v4 =	vsel vm3, s14, v4;
	s15 =	sand.u32 $0x380, s13  }
0x205: {  	v12 =	vsel vm2, v12, v25;
	s13 =	sadd.s32 $0xFFFFFFFE, s11;
	vm3 =	vgt.f32 v10, v9;
	vm6 =	vgt.f32 v10, v2;
	s12 =	sor.u32 s15, s12  }
0x206: {  	v23 =	vsel vm4, v17, v23;
	v25 =	vsel vm3, s13, v12;
	v27 =	vsel vm6, v10, v2;
	v2 =	vld.idx.msk [tilespmem:v1+s12+$0x0 ss:$0x1], $0xffff  }
0x207: {  	vm2 =	vgt.f32 v13, v19;
	v4 =	vsel vm5, v7, v4;
	v17 =	vsel vm4, v13, v17  }
0x208: {  	v8 =	vsel vm1, v8, v26;
	v7 =	vsel vm2, v13, v19;
	v4 =	vsel vm6, s13, v4  }
0x209: {  	vm7 =	vgt.f32 v13, v20;
	v26 =	vsel vm2, s14, v18;
	vm5 =	vgt.f32 v10, v23  }
0x20a: {  	v28 =	vsel vm4, s14, v6;
	v6 =	vsel vm4, v6, v16;
	v16 =	vsel vm5, v10, v23  }
0x20b: {  	v13 =	vsel vm7, v13, v20;
	v17 =	vsel vm7, v20, v17;
	v20 =	vsel vm3, v10, v9  }
0x20c: {  	v3 =	vsel vm1, v3, v24;
	v13 =	vsel vm0, v21, v13;
	v21 =	vsel vm5, s13, v6  }
0x20d: {  	v19 =	vsel vm2, v19, v14;
	vm4 =	vgt.f32 v10, v17;
	vm6 =	vgt.f32 v10, v13  }
0x20e: {  	v24 =	vsel vm7, v11, v28;
	vm11 =	vgt.f32 v10, v3;
	v14 =	vsel vm6, v10, v13  }
0x20f: {  	vm9 =	vgt.f32 v10, v19;
	v4 =	vsel vm11, v8, v4;
	v14 =	vsel vm3, v9, v14  }
0x210: {  	v9 =	vsel vm7, s14, v11;
	v11 =	vsel vm11, v3, v27;
	vm7 =	vgt.f32 v15, v14  }
0x211: {  	vm8 =	vgt.f32 v10, v7;
	v8 =	vsel vm11, s13, v8;
	v27 =	vsel vm7, v15, v14  }
0x212: {  	v28 =	vsel vm0, v5, v9;
	v5 =	vsel vm8, s13, v26;
	v9 =	vsel vm4, v10, v17  }
0x213: {  	v29 =	vsel vm8, v10, v7;
	v30 =	vsel vm4, v17, v16;
	v13 =	vsel vm6, v13, v9  }
0x214: {  	v9 =	vsel vm4, v24, v21;
	vm1 =	vgt.f32 v15, v30;
	vm10 =	vgt.f32 v15, v13  }
0x215: {  	v8 =	vsel vm5, v6, v8;
	v16 =	vsel vm1, v15, v30;
	v6 =	vsel vm10, v15, v13  }
0x216: {  	s12 =	sadd.s32 $0xFFFFFFFF, s11;
	vm12 =	vgt.f32 v15, v11;
	v6 =	vsel vm7, v14, v6;
	v14 =	vsel vm10, v13, v16  }
0x217: {  	v4 =	vsel vm12, s12, v4;
	v13 =	vsel vm2, v18, v22;
	vm0 =	vgt.f32 v2, v14  }
0x218: {  	v20 =	vsel vm9, v19, v20;
	vm2 =	vgt.f32 v15, v29;
	v16 =	vsel vm0, v2, v14  }
0x219: {  	v3 =	vsel vm11, v10, v3;
	v17 =	vsel vm6, s13, v28;
	v21 =	vsel vm12, v15, v11  }
0x21a: {  	v22 =	vsel vm3, v12, v17;
	v11 =	vsel vm9, v13, v25;
	vm3 =	vgt.f32 v2, v6  }
0x21b: {  	v12 =	vsel vm4, s13, v24;
	vm4 =	vgt.f32 v15, v20;
	v18 =	vsel vm3, v2, v6  }
0x21c: {  	v23 =	vsel vm5, v23, v3;
	v17 =	vsel vm4, v20, v27;
	v3 =	vsel vm3, v6, v16  }
0x21d: {  	v6 =	vsel vm9, v10, v19;
	v10 =	vsel vm9, s13, v13;
	v13 =	vsel vm6, v28, v12  }
0x21e: {  	v19 =	vsel vm2, v15, v29;
	v12 =	vsel vm7, s12, v22;
	v16 =	vsel vm10, s12, v13  }
0x21f: {  	vm5 =	vgt.f32 v15, v23;
	vm11 =	vgt.f32 v2, v17;
	v27 =	vsel vm4, v11, v12  }
0x220: {  	v6 =	vsel vm8, v7, v6;
	v12 =	vsel vm8, v26, v10;
	v10 =	vsel vm11, s11, v27  }
0x221: {  	v24 =	vsel vm5, v15, v23;
	v7 =	vsel vm1, s12, v9;
	vm6 =	vgt.f32 v15, v6  }
0x222: {  	v16 =	vsel vm7, v22, v16;
	v7 =	vsel vm10, v13, v7;
	v13 =	vsel vm5, s12, v8  }
0x223: {  	v23 =	vsel vm5, v23, v21;
	v22 =	vsel vm6, v15, v6;
	v28 =	vsel vm3, s11, v16  }
.Ltmp6:
0x224: {  	vm9 =	vgt.f32 v2, v23;
	v15 =	vsel vm4, v15, v20;
	v21 =	vsel vm2, v29, v22;
	(pc) =	sbr.rel @p0 .LBB2_15-.Ltmp6, $4  }
0x225: {  	v26 =	vsel vm11, v2, v17;
	v20 =	vsel vm6, s12, v12;
	v22 =	vsel vm6, v6, v15  }
0x226: {  	v25 =	vsel vm9, v2, v23;
	v15 =	vsel vm2, s12, v5;
	vm7 =	vgt.f32 v2, v21  }
0x227: {  	v24 =	vsel vm1, v30, v24;
	vm10 =	vgt.f32 v2, v19;
	v6 =	vsel vm7, v2, v21  }
0x228: {  	s10 =	sadd.s32 $0x800, s10;
	vm8 =	vgt.f32 v2, v24;
	v23 =	vsel vm10, v19, v6;
	v6 =	vsel vm11, v27, v28  }
0x229: {  	v19 =	vsel vm10, v2, v19  }
0x22a: {  	v27 =	vsub.f32 v19, v19  }
0x22b: {  	vm12 =	vgt.f32 v2, v22;
	v23 =	vsub.f32 v23, v19  }
0x22c: {  	v28 =	vsel vm12, v2, v22;
	v27 =	vmul.f32 $1.442695020e+00, v27  }
0x22d: {  	v21 =	vsel vm7, v21, v28;
	v23 =	vmul.f32 $1.442695020e+00, v23  }
0x22e: {  	v21 =	vsub.f32 v21, v19;
	(erf) = vpow2.f32 v27  }
0x22f: {  	v40 =	vsel vm12, v22, v26;
	(erf) = vpow2.f32 v23  }
0x230: {  	v22 =	vsub.f32 v40, v19;
	v21 =	vmul.f32 $1.442695020e+00, v21  }
0x231: {  	v17 =	vsel vm11, v17, v18  }
0x232: {  	v17 =	vsub.f32 v17, v19;
	v41 =	vmul.f32 $1.442695020e+00, v22;
	(erf) = vpow2.f32 v21  }
0x233: {  	v2 =	vsel vm8, v2, v24;
	v3 =	vsub.f32 v3, v19  }
0x234: {  	v2 =	vsel vm0, v14, v2;
	v17 =	vmul.f32 $1.442695020e+00, v17;
	(erf) = vpow2.f32 v41  }
0x235: {  	v3 =	vmul.f32 $1.442695020e+00, v3;
	v2 =	vsub.f32 v2, v19  }
0x236: {  	v42 =	vsel vm8, v24, v25;
	(erf) = vpow2.f32 v17  }
0x237: {  	v2 =	vmul.f32 $1.442695020e+00, v2;
	v43 =	vpop (erf);
	(erf) = vpow2.f32 v3;
	v3 =	vsub.f32 v42, v19  }
0x238: {  	v44 =	vpop (erf)  }
0x239: {  	(erf) = vpow2.f32 v2;
	v2 =	vmul.f32 $1.442695020e+00, v3;
	v3 =	vadd.f32 v44, v43;
	_ =	sdelay $0x1  }
0x23a: {  	v45 =	vpop (erf)  }
0x23b: {  	(erf) = vpow2.f32 v2;
	v2 =	vadd.f32 v45, v3  }
0x23c: {  	v3 =	vpop (erf)  }
0x23d: {  	v2 =	vadd.f32 v3, v2  }
0x23e: {  	v46 =	vpop (erf)  }
0x23f: {  	v2 =	vadd.f32 v46, v2  }
0x240: {  	v47 =	vpop (erf)  }
0x241: {  	v2 =	vadd.f32 v47, v2  }
0x242: {  	v48 =	vpop (erf)  }
0x243: {  	v2 =	vadd.f32 v48, v2  }
0x244: {  	v49 =	vpop (erf)  }
0x245: {  	v2 =	vadd.f32 v49, v2;
	_ =	sdelay $0x1  }
0x246: {  	(erf) = vrcp.f32 v2;
	_ =	sdelay $0x4  }
0x247: {  	v1 =	vshll.u32 v1, $0x7  }
0x248: {  	v1 =	vor.u32 v0, v1;
	_ =	sdelay $0x1  }
0x249: {  	v2 =	vor.u32 $0x1, v1  }
0x24a: {  	v11 =	vsel vm4, s12, v11;
	v5 =	vsel vm2, v5, v20;
	v50 =	vpop (erf)  }
0x24b: {  	v51 =	vsel vm10, s8, v15;
	v52 =	vor.u32 $0x2, v1;
	v17 =	vmul.f32 v50, v43  }
0x24c: {  	v53 =	vsel vm7, s8, v5;
	v11 =	vsel vm6, v12, v11;
	[tilespmem:v1+s0+$0x0] =	vst.idx.msk $0xffff, v51  }
0x24d: {  	v54 =	vsel vm10, v15, v53;
	v55 =	vor.u32 $0x3, v1;
	v14 =	vmul.f32 v50, v44;
	[tilespmem:v1+s1+$0x0] =	vst.idx.msk $0xffff, v17  }
0x24e: {  	v56 =	vsel vm12, s8, v11;
	[tilespmem:v2+s0+$0x0] =	vst.idx.msk $0xffff, v54  }
0x24f: {  	v57 =	vor.u32 $0x4, v1;
	v5 =	vsel vm7, v5, v56;
	[tilespmem:v2+s1+$0x0] =	vst.idx.msk $0xffff, v14;
	v2 =	vmul.f32 v50, v45  }
0x250: {  	[tilespmem:v52+s0+$0x0] =	vst.idx.msk $0xffff, v5  }
0x251: {  	v58 =	vsel vm12, v11, v10;
	[tilespmem:v52+s1+$0x0] =	vst.idx.msk $0xffff, v2;
	v2 =	vmul.f32 v50, v3;
	v3 =	vor.u32 $0x5, v1  }
0x252: {  	[tilespmem:v55+s0+$0x0] =	vst.idx.msk $0xffff, v58  }
0x253: {  	v59 =	vor.u32 $0x6, v1;
	[tilespmem:v55+s1+$0x0] =	vst.idx.msk $0xffff, v2;
	v2 =	vmul.f32 v50, v46  }
0x254: {  	v9 =	vsel vm1, v9, v13;
	v60 =	vsel vm0, s8, v7;
	[tilespmem:v57+s0+$0x0] =	vst.idx.msk $0xffff, v6  }
0x255: {  	s7 =	sadd.s32 $0x1, s7;
	v61 =	vsel vm3, v16, v60;
	v1 =	vor.u32 $0x7, v1;
	[tilespmem:v57+s1+$0x0] =	vst.idx.msk $0xffff, v2;
	v2 =	vmul.f32 v50, v47  }
0x256: {  	v4 =	vsel vm5, v8, v4;
	v62 =	vsel vm8, s8, v9;
	p0 =	sne.s32 s7, $0x8;
	[tilespmem:v3+s0+$0x0] =	vst.idx.msk $0xffff, v61  }
.Ltmp7:
0x257: {  	v63 =	vsel vm0, v7, v62;
	[tilespmem:v3+s1+$0x0] =	vst.idx.msk $0xffff, v2;
	v2 =	vmul.f32 v50, v48;
	(pc) =	sbr.rel @p0 .LBB2_14-.Ltmp7, $4  }
0x258: {  	v3 =	vsel vm9, s8, v4;
	[tilespmem:v59+s0+$0x0] =	vst.idx.msk $0xffff, v63  }
0x259: {  	v3 =	vsel vm8, v9, v3;
	[tilespmem:v59+s1+$0x0] =	vst.idx.msk $0xffff, v2;
	v2 =	vmul.f32 v50, v49  }
0x25a: {  	[tilespmem:v1+s0+$0x0] =	vst.idx.msk $0xffff, v3  }
0x25b: {  	[tilespmem:v1+s1+$0x0] =	vst.idx.msk $0xffff, v2  }
0x25c: {  	s6 =	rddreg [dreg:$0xa]  }
0x25d: {  	[hbm4b:s6+s2] =	stream.linear.scatter [tilespmem:s0], [sflag:$0x2], $0x4000, $0x38;
	[tilespmem:$0x18000] =	vst v63  }
0x25e: {  	s14 =	rddreg [dreg:$0xb]  }
0x25f: {  	[hbm4b:s14+s2] =	stream.linear.scatter [tilespmem:s1], [sflag:$0x2], $0x4000, $0x38;
	[tilespmem:$0x18000] =	vst v63  }
0x260: {  	_ =	swait.ge [sflag:s3], $0x4000  }
0x261: {  	[sflag:s3] =	ssyncset.done $0x0  }
0x262: {  	[sflag:s3] =	ssyncadd.s32 $0xFFFFC000  }
0x263: {  	_ =	swait.ge [sflag:s3], $0x4000  }
0x264: {  	[sflag:s3] =	ssyncset.done $0x0  }
0x265: {  	[sflag:s3] =	ssyncadd.s32 $0xFFFFC000  }
0x266: {  	_ =	swait.ge [sflag:s4], $0x4000  }
0x267: {  	[sflag:s4] =	ssyncset.done $0x0  }
0x268: {  	[sflag:s4] =	ssyncadd.s32 $0xFFFFC000  }
0x269: {  	_ =	swait.ge [sflag:s4], $0x4000  }
0x26a: {  	s5 =	sadd.s32 $0x1, s5;
	s15 =	rddreg [dreg:$0xc]  }
0x26b: {  	p0 =	sne.s32 s5, s15  }
.Ltmp8:
0x26c: {  	_ = 	snop;
	(pc) =	sbr.rel @p0 .LBB2_1-.Ltmp8, $3  }
0x26d: {  	_ =	sdelay $0x1  }
0x26e: {  	[sflag:s4] =	ssyncset.done $0x0  }
0x26f: {  	[sflag:s4] =	ssyncadd.s32 $0xFFFFC000  }
0x270: {  	_ =	sfence.sel $0x180000  }
0x271: {  	[bflag:$0x0] =	sbarrier.arrive $0xFFFF  }
0x272: {  	_ =	strace $0x90000047  }
0x273: {  	s0 =	stileid.u32;
	[bflag:$0x2] =	sbarrier.arrive $0xFFFF  }
0x274: {  	p0 =	sne.s32 s0, $0x0;
	s0 =	rddreg [dreg:$0x1]  }
0x275: {  	s0 =	sadd.s32 @!p0 $0x100000, s0  }
0x276: {  	[sflag:s0] =	ssyncadd.tile.s32 @!p0 $0x1;
	_ =	shalt  }
.Lfunc_end2:
_tile_overlayer_lowered:
.L_overlay_start_2:
0x277: {  	(tag) =	ssettag $0x2  }
0x278: {  	s0 =	rddreg [dreg:$0x0];
	s2 =	stileid.u32  }
0x279: {  	s1 =	rddreg [dreg:$0x1];
	p0 =	sne.s32 s2, $0x0  }
0x27a: {  	s3 =	rddreg [dreg:$0x2];
	[bflag:$0x3] =	sbarrier.arrive $0xFFFF;
	s2 =	simm.s32 @!p0 $0x1C04  }
0x27b: {  	[timem:s3], [sflag:s2] =	dma.local @!p0 [hbm:s0], s1  }
0x27c: {  	s0 =	simm.s32 @!p0 $0x4  }
0x27d: {  	_ =	swait.ge @!p0 [sflag:s0], s1  }
0x27e: {  	s1 =	ssub.s32 @!p0 $0x0, s1;
	[sflag:s0] =	ssyncset.done @!p0 $0x0  }
0x27f: {  	[sflag:s0] =	ssyncadd.s32 @!p0 s1  }
0x280: {  	[bflag:$0x3] =	sbarrier.arrive $0xFFFF  }
0x281: {  	_ =	shalt  }

</sc_bundles>
